<compile_context>
chip_gen: v7x
topology: tpu7x:2x2x1
jax: 0.10.2.dev20260603
libtpu: 0.0.44.dev20260713+nightly
codegen_flags: <defaults>
</compile_context>

<pallas_src>
import jax
import jax.numpy as jnp
from jax import lax
from jax.experimental import pallas as pl
from jax.experimental.pallas import tpu as pltpu
from jax.experimental.pallas import tpu_sc as plsc

NSEG = 10000
NSEGP = 10240
BLK = 128
NW = 32


def _sc_scatter_accum(nblocks, c, from_input):
    seg_per_tile = NSEGP // 16
    nb = (nblocks + NW - 1) // NW

    def body(x_hbm, ids_hbm, zc_hbm, acc_hbm,
             acc_sp, idv, xv0, xv1, sx0, sx1):
        ci = lax.axis_index("c")
        si = lax.axis_index("s")
        wid = ci * 16 + si
        b0 = wid * nb
        nreal = jnp.clip(nblocks - b0, 0, nb)
        r0 = si * seg_per_tile
        pltpu.sync_copy(zc_hbm.at[pl.ds(r0, seg_per_tile)],
                        acc_sp.at[pl.ds(r0, seg_per_tile)])
        pltpu.sync_copy(ids_hbm.at[pl.ds(b0, nb)], idv)
        xvs, sxs = (xv0, xv1), (sx0, sx1)
        if not from_input:
            pltpu.sync_copy(x_hbm.at[pl.ds(0, BLK)], xv0)
            pltpu.sync_copy(x_hbm.at[pl.ds(0, BLK)], xv1)
        plsc.subcore_barrier()

        def start(j, slot):
            if from_input:
                @pl.when(j < nreal)
                def _():
                    pltpu.async_copy(x_hbm.at[pl.ds((b0 + j) * BLK, BLK)],
                                     xvs[slot], sxs[slot])

        def finish(j, slot):
            @pl.when(j < nreal)
            def _():
                if from_input:
                    pltpu.make_async_copy(
                        x_hbm.at[pl.ds((b0 + j) * BLK, BLK)],
                        xvs[slot], sxs[slot]).wait()
                pltpu.sync_copy(xvs[slot], acc_sp.at[idv.at[j, 0]], add=True)

        start(0, 0)
        start(1, 1)

        def outer(g, carry):
            for b in range(2):
                j = g * 2 + b
                finish(j, b)
                start(j + 2, b)
            return carry

        lax.fori_loop(0, (nb + 1) // 2, outer, 0)
        plsc.subcore_barrier()
        pltpu.sync_copy(acc_sp.at[pl.ds(r0, seg_per_tile)],
                        acc_hbm.at[ci, pl.ds(r0, seg_per_tile)])

    return body


def _tc_mlp(acc_ref, cnt_ref, w1_ref, w2_ref, s_ref):
    sums = acc_ref[0] + acc_ref[1]
    cnts = cnt_ref[0, :, 0:1] + cnt_ref[1, :, 0:1]
    z = sums / jnp.maximum(cnts, 1.0)
    h = jnp.maximum(jnp.dot(z, w1_ref[...], preferred_element_type=jnp.float32),
                    0.0)
    s_ref[...] = jax.nn.sigmoid(
        jnp.dot(h, w2_ref[...], preferred_element_type=jnp.float32))


def _sc_scale_rows(nblocks, c):
    nb = (nblocks + NW - 1) // NW
    nb2 = nb * 2
    seg_per_tile = NSEGP // 16
    HB = BLK // 2

    def body(x_hbm, ids_hbm, s_hbm, out_hbm, s_sp, idv,
             xv0, xv1, sv0, sv1, sg0, sg1, sx0, sx1, so0, so1):
        ci = lax.axis_index("c")
        si = lax.axis_index("s")
        wid = ci * 16 + si
        b0 = wid * nb2
        nreal = jnp.clip(2 * nblocks - b0, 0, nb2)
        r0 = si * seg_per_tile
        pltpu.sync_copy(s_hbm.at[pl.ds(r0, seg_per_tile)],
                        s_sp.at[pl.ds(r0, seg_per_tile)])
        pltpu.sync_copy(ids_hbm.at[pl.ds(wid * nb, nb)], idv)
        plsc.subcore_barrier()
        xvs, svs = (xv0, xv1), (sv0, sv1)
        sgs, sxs, sos = (sg0, sg1), (sx0, sx1), (so0, so1)

        def idx_of(j, half):
            return idv.at[j // 2, 0, pl.ds(half * HB, HB)]

        def start(j, half):
            jd = j - 2
            if not (isinstance(jd, int) and jd < 0):
                @pl.when((jd >= 0) & (jd < nreal))
                def _():
                    pltpu.make_async_copy(
                        svs[half], out_hbm.at[pl.ds((b0 + jd) * HB, HB)],
                        sos[half]).wait()

            @pl.when(j < nreal)
            def _():
                pltpu.async_copy(s_sp.at[idx_of(j, half)],
                                 svs[half], sgs[half])
                pltpu.async_copy(x_hbm.at[pl.ds((b0 + j) * HB, HB)],
                                 xvs[half], sxs[half])

        def finish(j, half):
            @pl.when(j < nreal)
            def _():
                pltpu.make_async_copy(s_sp.at[idx_of(j, half)],
                                      svs[half], sgs[half]).wait()
                pltpu.make_async_copy(x_hbm.at[pl.ds((b0 + j) * HB, HB)],
                                      xvs[half], sxs[half]).wait()
                xv, sv = xvs[half], svs[half]

                @plsc.parallel_loop(0, HB, step=1, unroll=8)
                def _row(r):
                    for k in range(c // 16):
                        sl = pl.ds(k * 16, 16)
                        sv[r, sl] = sv[r, sl] * xv[r, sl]

                pltpu.async_copy(sv, out_hbm.at[pl.ds((b0 + j) * HB, HB)],
                                 sos[half])

        start(0, 0)
        start(1, 1)

        def outer(g, carry):
            for b in range(2):
                j = g * 2 + b
                finish(j, b)
                start(j + 2, b)
            return carry

        lax.fori_loop(0, nb, outer, 0)

    return body


def kernel(x, batch, W1, W2):
    n, c = x.shape
    nblocks = n // BLK
    nb = (nblocks + NW - 1) // NW
    mesh = plsc.VectorSubcoreMesh(core_axis_name="c", subcore_axis_name="s",
                                  num_cores=2, num_subcores=16)

    ids3d = batch.astype(jnp.int32).reshape(nblocks, 1, BLK)
    pad_blocks = NW * nb - nblocks
    if pad_blocks:
        ids3d = jnp.concatenate(
            [ids3d, jnp.zeros((pad_blocks, 1, BLK), jnp.int32)], axis=0)
    zc = jnp.zeros((NSEGP, c), jnp.float32)
    ones = jnp.ones((BLK, c), jnp.float32)

    sc_scratch = [
        pltpu.VMEM_SHARED((NSEGP, c), jnp.float32),
        pltpu.VMEM((nb, 1, BLK), jnp.int32),
        pltpu.VMEM((BLK, c), jnp.float32),
        pltpu.VMEM((BLK, c), jnp.float32),
        pltpu.SemaphoreType.DMA,
        pltpu.SemaphoreType.DMA,
    ]
    out_partial = jax.ShapeDtypeStruct((2, NSEGP, c), jnp.float32)

    p1a = pl.kernel(
        _sc_scatter_accum(nblocks, c, from_input=True),
        out_type=out_partial, mesh=mesh, scratch_types=sc_scratch,
    )
    acc = p1a(x, ids3d, zc)

    p1b = pl.kernel(
        _sc_scatter_accum(nblocks, c, from_input=False),
        out_type=out_partial, mesh=mesh, scratch_types=sc_scratch,
    )
    cnt = p1b(ones, ids3d, zc)

    s_all = pl.pallas_call(
        _tc_mlp,
        out_shape=jax.ShapeDtypeStruct((NSEGP, c), jnp.float32),
    )(acc, cnt, W1, W2)

    p3 = pl.kernel(
        _sc_scale_rows(nblocks, c),
        out_type=jax.ShapeDtypeStruct((n, c), jnp.float32),
        mesh=mesh,
        scratch_types=(
            [pltpu.VMEM_SHARED((NSEGP, c), jnp.float32),
             pltpu.VMEM((nb, 1, BLK), jnp.int32)]
            + [pltpu.VMEM((BLK // 2, c), jnp.float32) for _ in range(4)]
            + [pltpu.SemaphoreType.DMA for _ in range(6)]
        ),
    )
    return p3(x, ids3d, s_all)

# --- scband reference (transcript-rebuilt; emitter-appended) ---
"""Pipeline reference for scband-squeeze-excite-94489280931 (READ-ONLY COPY).

The authoritative reference and input builder live on the scoring server;
editing this copy changes nothing except your own understanding.
"""

import jax, jax.numpy as jnp
import numpy as np

N = 320000
C = 128
HIDDEN = 32
NUM_SEG = 10000

def setup_inputs(seed: int = 0) -> dict:
    key = jax.random.key(seed)
    k1, k2, k3, k4 = jax.random.split(key, 4)
    x = jax.random.normal(k1, (N, C), dtype=jnp.float32)
    batch = jnp.sort(jax.random.randint(k2, (N,), 0, NUM_SEG, dtype=jnp.int64))
    # Linear layers (bias=False): torch Linear weight is (out, in); store as (in, out) for x@W
    W1 = jax.random.normal(k3, (C, HIDDEN), dtype=jnp.float32) * (1.0 / np.sqrt(C))
    W2 = jax.random.normal(k4, (HIDDEN, C), dtype=jnp.float32) * (1.0 / np.sqrt(HIDDEN))
    return {"x": x, "batch": batch, "W1": W1, "W2": W2}

def reference(x, batch, W1, W2):
    # scatter_mean(x, batch, dim=0)
    seg_sum = jax.ops.segment_sum(x, batch, num_segments=NUM_SEG)
    counts = jax.ops.segment_sum(jnp.ones((x.shape[0],), dtype=x.dtype), batch, num_segments=NUM_SEG)
    z = seg_sum / jnp.maximum(counts, 1.0)[:, None]
    # fc: Linear -> ReLU -> Linear -> Sigmoid
    h = jax.nn.relu(z @ W1)
    s_all = jax.nn.sigmoid(h @ W2)
    # gather per-row scale and apply
    s = jnp.take(s_all, batch, axis=0)
    return x * s

if __name__ == "__main__":
    import jax
    _d = setup_inputs()
    print(jax.jit(kernel)(*tuple(_d.values())))

</pallas_src>

<mosaic_0001>
#map = affine_map<(d0, d1) -> (0, 0)>
#map1 = affine_map<(d0, d1) -> (0, 0, 0)>
module attributes {stable_mosaic.version = 14 : i64} {
  func.func @body(%arg0: i32, %arg1: i32, %arg2: memref<128x128xf32, #tpu.memory_space<hbm>>, %arg3: memref<2528x1x128xi32, #tpu.memory_space<hbm>>, %arg4: memref<10240x128xf32, #tpu.memory_space<hbm>>, %arg5: memref<2x10240x128xf32, #tpu.memory_space<hbm>>, %arg6: memref<10240x128xf32, #tpu.memory_space<vmem_shared>>, %arg7: memref<79x1x128xi32, #tpu.memory_space<vmem>>, %arg8: memref<128x128xf32, #tpu.memory_space<vmem>>, %arg9: memref<128x128xf32, #tpu.memory_space<vmem>>, %arg10: memref<!tpu.dma_semaphore, #tpu.memory_space<semaphore_mem>>, %arg11: memref<!tpu.dma_semaphore, #tpu.memory_space<semaphore_mem>>) attributes {dimension_semantics = [#tpu.dimension_semantics<core_parallel>, #tpu.dimension_semantics<subcore_parallel>], iteration_bounds = array<i64: 2, 16>, scalar_prefetch = 0 : i64, scratch_operands = 6 : i64, tpu.core_type = #tpu.core_type<sc_vector_subcore>, window_params = [{transform_indices = #map}, {transform_indices = #map1}, {transform_indices = #map}, {transform_indices = #map1}]} {
    %mul3A = arith.constant 16 : i32
    %mul3A_0 = arith.muli %arg0, %mul3A : i32
    %add3A = arith.addi %mul3A_0, %arg1 : i32
    %mul3A_1 = arith.constant 79 : i32
    %mul3A_2 = arith.muli %add3A, %mul3A_1 : i32
    %sub3A = arith.constant 2500 : i32
    %sub3A_3 = arith.subi %sub3A, %mul3A_2 : i32
    %jit3A = arith.constant 0 : i32
    %jit3A_4 = arith.constant 79 : i32
    %max3A = arith.maxsi %jit3A, %sub3A_3 : i32
    %min3A = arith.minsi %jit3A_4, %max3A : i32
    %mul3A_5 = arith.constant 640 : i32
    %mul3A_6 = arith.muli %arg1, %mul3A_5 : i32
    "tpu.region"() ({
      %run_scoped3A = tpu.sem_alloc : memref<!tpu.dma_semaphore, #tpu.memory_space<semaphore_mem>>
      %dma_start3A = arith.constant 0 : i32
      %dma_start3A_13 = tpu.memref_slice %arg6[%mul3A_6, %dma_start3A] : memref<10240x128xf32, #tpu.memory_space<vmem_shared>> -> memref<640x128xf32, #tpu.memory_space<vmem_shared>>
      %dma_start3A_14 = arith.constant 0 : i32
      %dma_start3A_15 = tpu.memref_slice %arg4[%mul3A_6, %dma_start3A_14] : memref<10240x128xf32, #tpu.memory_space<hbm>> -> memref<640x128xf32, #tpu.memory_space<hbm>>
      tpu.enqueue_dma source(%dma_start3A_15 : memref<640x128xf32, #tpu.memory_space<hbm>>) target(%dma_start3A_13 : memref<640x128xf32, #tpu.memory_space<vmem_shared>>) target_semaphore(%run_scoped3A : memref<!tpu.dma_semaphore, #tpu.memory_space<semaphore_mem>>)
      %dma_wait3A = arith.constant 0 : i32
      %dma_wait3A_16 = tpu.memref_slice %arg6[%mul3A_6, %dma_wait3A] : memref<10240x128xf32, #tpu.memory_space<vmem_shared>> -> memref<640x128xf32, #tpu.memory_space<vmem_shared>>
      %dma_wait3A_17 = arith.constant 0 : i32
      %dma_wait3A_18 = tpu.memref_slice %arg4[%mul3A_6, %dma_wait3A_17] : memref<10240x128xf32, #tpu.memory_space<hbm>> -> memref<640x128xf32, #tpu.memory_space<hbm>>
      tpu.wait_dma2 semaphore(%run_scoped3A : memref<!tpu.dma_semaphore, #tpu.memory_space<semaphore_mem>>) src(%dma_wait3A_18 : memref<640x128xf32, #tpu.memory_space<hbm>>) dst(%dma_wait3A_16 : memref<640x128xf32, #tpu.memory_space<vmem_shared>>)
      tpu.yield
    }) : () -> ()
    "tpu.region"() ({
      %run_scoped3A = tpu.sem_alloc : memref<!tpu.dma_semaphore, #tpu.memory_space<semaphore_mem>>
      %dma_start3A = arith.constant 0 : i32
      %dma_start3A_13 = arith.constant 0 : i32
      %dma_start3A_14 = tpu.memref_slice %arg3[%mul3A_2, %dma_start3A, %dma_start3A_13] : memref<2528x1x128xi32, #tpu.memory_space<hbm>> -> memref<79x1x128xi32, #tpu.memory_space<hbm>>
      %dma_start3A_15 = arith.constant 0 : i32
      %dma_start3A_16 = arith.constant 0 : i32
      %dma_start3A_17 = tpu.memref_slice %arg3[%mul3A_2, %dma_start3A_15, %dma_start3A_16] : memref<2528x1x128xi32, #tpu.memory_space<hbm>> -> memref<79x1x128xi32, #tpu.memory_space<hbm>>
      tpu.enqueue_dma source(%dma_start3A_17 : memref<79x1x128xi32, #tpu.memory_space<hbm>>) target(%arg7 : memref<79x1x128xi32, #tpu.memory_space<vmem>>) target_semaphore(%run_scoped3A : memref<!tpu.dma_semaphore, #tpu.memory_space<semaphore_mem>>)
      %dma_wait3A = arith.constant 0 : i32
      %dma_wait3A_18 = arith.constant 0 : i32
      %dma_wait3A_19 = tpu.memref_slice %arg3[%mul3A_2, %dma_wait3A, %dma_wait3A_18] : memref<2528x1x128xi32, #tpu.memory_space<hbm>> -> memref<79x1x128xi32, #tpu.memory_space<hbm>>
      %dma_wait3A_20 = arith.constant 0 : i32
      %dma_wait3A_21 = arith.constant 0 : i32
      %dma_wait3A_22 = tpu.memref_slice %arg3[%mul3A_2, %dma_wait3A_20, %dma_wait3A_21] : memref<2528x1x128xi32, #tpu.memory_space<hbm>> -> memref<79x1x128xi32, #tpu.memory_space<hbm>>
      tpu.wait_dma2 semaphore(%run_scoped3A : memref<!tpu.dma_semaphore, #tpu.memory_space<semaphore_mem>>) src(%dma_wait3A_22 : memref<79x1x128xi32, #tpu.memory_space<hbm>>) dst(%arg7 : memref<79x1x128xi32, #tpu.memory_space<vmem>>)
      tpu.yield
    }) : () -> ()
    "tpu.region"() ({
      %run_scoped3A = tpu.sem_alloc : memref<!tpu.dma_semaphore, #tpu.memory_space<semaphore_mem>>
      %dma_start3A = arith.constant 0 : i32
      %dma_start3A_13 = arith.constant 0 : i32
      %dma_start3A_14 = tpu.memref_slice %arg2[%dma_start3A, %dma_start3A_13] : memref<128x128xf32, #tpu.memory_space<hbm>> -> memref<128x128xf32, #tpu.memory_space<hbm>>
      %dma_start3A_15 = arith.constant 0 : i32
      %dma_start3A_16 = arith.constant 0 : i32
      %dma_start3A_17 = tpu.memref_slice %arg2[%dma_start3A_15, %dma_start3A_16] : memref<128x128xf32, #tpu.memory_space<hbm>> -> memref<128x128xf32, #tpu.memory_space<hbm>>
      tpu.enqueue_dma source(%dma_start3A_17 : memref<128x128xf32, #tpu.memory_space<hbm>>) target(%arg8 : memref<128x128xf32, #tpu.memory_space<vmem>>) target_semaphore(%run_scoped3A : memref<!tpu.dma_semaphore, #tpu.memory_space<semaphore_mem>>)
      %dma_wait3A = arith.constant 0 : i32
      %dma_wait3A_18 = arith.constant 0 : i32
      %dma_wait3A_19 = tpu.memref_slice %arg2[%dma_wait3A, %dma_wait3A_18] : memref<128x128xf32, #tpu.memory_space<hbm>> -> memref<128x128xf32, #tpu.memory_space<hbm>>
      %dma_wait3A_20 = arith.constant 0 : i32
      %dma_wait3A_21 = arith.constant 0 : i32
      %dma_wait3A_22 = tpu.memref_slice %arg2[%dma_wait3A_20, %dma_wait3A_21] : memref<128x128xf32, #tpu.memory_space<hbm>> -> memref<128x128xf32, #tpu.memory_space<hbm>>
      tpu.wait_dma2 semaphore(%run_scoped3A : memref<!tpu.dma_semaphore, #tpu.memory_space<semaphore_mem>>) src(%dma_wait3A_22 : memref<128x128xf32, #tpu.memory_space<hbm>>) dst(%arg8 : memref<128x128xf32, #tpu.memory_space<vmem>>)
      tpu.yield
    }) : () -> ()
    "tpu.region"() ({
      %run_scoped3A = tpu.sem_alloc : memref<!tpu.dma_semaphore, #tpu.memory_space<semaphore_mem>>
      %dma_start3A = arith.constant 0 : i32
      %dma_start3A_13 = arith.constant 0 : i32
      %dma_start3A_14 = tpu.memref_slice %arg2[%dma_start3A, %dma_start3A_13] : memref<128x128xf32, #tpu.memory_space<hbm>> -> memref<128x128xf32, #tpu.memory_space<hbm>>
      %dma_start3A_15 = arith.constant 0 : i32
      %dma_start3A_16 = arith.constant 0 : i32
      %dma_start3A_17 = tpu.memref_slice %arg2[%dma_start3A_15, %dma_start3A_16] : memref<128x128xf32, #tpu.memory_space<hbm>> -> memref<128x128xf32, #tpu.memory_space<hbm>>
      tpu.enqueue_dma source(%dma_start3A_17 : memref<128x128xf32, #tpu.memory_space<hbm>>) target(%arg9 : memref<128x128xf32, #tpu.memory_space<vmem>>) target_semaphore(%run_scoped3A : memref<!tpu.dma_semaphore, #tpu.memory_space<semaphore_mem>>)
      %dma_wait3A = arith.constant 0 : i32
      %dma_wait3A_18 = arith.constant 0 : i32
      %dma_wait3A_19 = tpu.memref_slice %arg2[%dma_wait3A, %dma_wait3A_18] : memref<128x128xf32, #tpu.memory_space<hbm>> -> memref<128x128xf32, #tpu.memory_space<hbm>>
      %dma_wait3A_20 = arith.constant 0 : i32
      %dma_wait3A_21 = arith.constant 0 : i32
      %dma_wait3A_22 = tpu.memref_slice %arg2[%dma_wait3A_20, %dma_wait3A_21] : memref<128x128xf32, #tpu.memory_space<hbm>> -> memref<128x128xf32, #tpu.memory_space<hbm>>
      tpu.wait_dma2 semaphore(%run_scoped3A : memref<!tpu.dma_semaphore, #tpu.memory_space<semaphore_mem>>) src(%dma_wait3A_22 : memref<128x128xf32, #tpu.memory_space<hbm>>) dst(%arg9 : memref<128x128xf32, #tpu.memory_space<vmem>>)
      tpu.yield
    }) : () -> ()
    %barrier3A = arith.constant 0 : index
    tpu.barrier barrier_id(%barrier3A)
    %scan3A = arith.constant 0 : i32
    %scan3A_7 = arith.constant 0 : i32
    %scan3A_8 = arith.constant 40 : i32
    %scan3A_9 = arith.addi %scan3A_7, %scan3A_8 : i32
    %scan3A_10 = arith.constant 1 : i32
    scf.for %scan3A_13 = %scan3A_7 to %scan3A_9 step %scan3A_10  : i32 {
      %mul3A_14 = arith.constant 2 : i32
      %mul3A_15 = arith.muli %scan3A_13, %mul3A_14 : i32
      %add3A_16 = arith.constant 0 : i32
      %add3A_17 = arith.addi %mul3A_15, %add3A_16 : i32
      %lt3A = arith.cmpi slt, %add3A_17, %min3A : i32
      %convert_element_type3A = arith.extui %lt3A : i1 to i32
      %cond3A = arith.constant 0 : i32
      %cond3A_18 = arith.cmpi ne, %convert_element_type3A, %cond3A : i32
      scf.if %cond3A_18 {
        %run_scoped3A = arith.constant 0 : i32
        "tpu.region"() ({
          %run_scoped3A_31 = tpu.sem_alloc : memref<!tpu.dma_semaphore, #tpu.memory_space<semaphore_mem>>
          %dma_start3A = arith.constant 0 : i32
          %dma_start3A_32 = tpu.memref_slice %arg7[%add3A_17, %run_scoped3A, %dma_start3A] : memref<79x1x128xi32, #tpu.memory_space<vmem>> -> memref<1x1x128xi32, #tpu.memory_space<vmem>>
          %dma_start3A_33 = tpu.memref_squeeze %dma_start3A_32 : memref<1x1x128xi32, #tpu.memory_space<vmem>> -> memref<128xi32, #tpu.memory_space<vmem>>
          %dma_start3A_34 = arith.constant 0 : i32
          %dma_start3A_35 = arith.constant 0 : i32
          %dma_start3A_36 = tpu.memref_slice %arg6[%dma_start3A_34, %dma_start3A_35] : memref<10240x128xf32, #tpu.memory_space<vmem_shared>> -> memref<10240x128xf32, #tpu.memory_space<vmem_shared>>
          tpu.enqueue_indirect_dma source(%arg8 : memref<128x128xf32, #tpu.memory_space<vmem>>) target(%dma_start3A_36 : memref<10240x128xf32, #tpu.memory_space<vmem_shared>>) offsets(%dma_start3A_33 : memref<128xi32, #tpu.memory_space<vmem>>) semaphore(%run_scoped3A_31 : memref<!tpu.dma_semaphore, #tpu.memory_space<semaphore_mem>>) {add = true}
          %dma_wait3A = arith.constant 0 : i32
          %dma_wait3A_37 = tpu.memref_slice %arg7[%add3A_17, %run_scoped3A, %dma_wait3A] : memref<79x1x128xi32, #tpu.memory_space<vmem>> -> memref<1x1x128xi32, #tpu.memory_space<vmem>>
          %dma_wait3A_38 = tpu.memref_squeeze %dma_wait3A_37 : memref<1x1x128xi32, #tpu.memory_space<vmem>> -> memref<128xi32, #tpu.memory_space<vmem>>
          %dma_wait3A_39 = arith.constant 0 : i32
          %dma_wait3A_40 = arith.constant 0 : i32
          %dma_wait3A_41 = tpu.memref_slice %arg6[%dma_wait3A_39, %dma_wait3A_40] : memref<10240x128xf32, #tpu.memory_space<vmem_shared>> -> memref<10240x128xf32, #tpu.memory_space<vmem_shared>>
          tpu.wait_indirect_dma semaphore(%run_scoped3A_31 : memref<!tpu.dma_semaphore, #tpu.memory_space<semaphore_mem>>) src(%arg8 : memref<128x128xf32, #tpu.memory_space<vmem>>) dst(%dma_wait3A_41 : memref<10240x128xf32, #tpu.memory_space<vmem_shared>>)
          tpu.yield
        }) : () -> ()
      } else {
      }
      %add3A_19 = arith.constant 2 : i32
      %add3A_20 = arith.addi %add3A_17, %add3A_19 : i32
      %mul3A_21 = arith.constant 2 : i32
      %mul3A_22 = arith.muli %scan3A_13, %mul3A_21 : i32
      %add3A_23 = arith.constant 1 : i32
      %add3A_24 = arith.addi %mul3A_22, %add3A_23 : i32
      %lt3A_25 = arith.cmpi slt, %add3A_24, %min3A : i32
      %convert_element_type3A_26 = arith.extui %lt3A_25 : i1 to i32
      %cond3A_27 = arith.constant 0 : i32
      %cond3A_28 = arith.cmpi ne, %convert_element_type3A_26, %cond3A_27 : i32
      scf.if %cond3A_28 {
        %run_scoped3A = arith.constant 0 : i32
        "tpu.region"() ({
          %run_scoped3A_31 = tpu.sem_alloc : memref<!tpu.dma_semaphore, #tpu.memory_space<semaphore_mem>>
          %dma_start3A = arith.constant 0 : i32
          %dma_start3A_32 = tpu.memref_slice %arg7[%add3A_24, %run_scoped3A, %dma_start3A] : memref<79x1x128xi32, #tpu.memory_space<vmem>> -> memref<1x1x128xi32, #tpu.memory_space<vmem>>
          %dma_start3A_33 = tpu.memref_squeeze %dma_start3A_32 : memref<1x1x128xi32, #tpu.memory_space<vmem>> -> memref<128xi32, #tpu.memory_space<vmem>>
          %dma_start3A_34 = arith.constant 0 : i32
          %dma_start3A_35 = arith.constant 0 : i32
          %dma_start3A_36 = tpu.memref_slice %arg6[%dma_start3A_34, %dma_start3A_35] : memref<10240x128xf32, #tpu.memory_space<vmem_shared>> -> memref<10240x128xf32, #tpu.memory_space<vmem_shared>>
          tpu.enqueue_indirect_dma source(%arg9 : memref<128x128xf32, #tpu.memory_space<vmem>>) target(%dma_start3A_36 : memref<10240x128xf32, #tpu.memory_space<vmem_shared>>) offsets(%dma_start3A_33 : memref<128xi32, #tpu.memory_space<vmem>>) semaphore(%run_scoped3A_31 : memref<!tpu.dma_semaphore, #tpu.memory_space<semaphore_mem>>) {add = true}
          %dma_wait3A = arith.constant 0 : i32
          %dma_wait3A_37 = tpu.memref_slice %arg7[%add3A_24, %run_scoped3A, %dma_wait3A] : memref<79x1x128xi32, #tpu.memory_space<vmem>> -> memref<1x1x128xi32, #tpu.memory_space<vmem>>
          %dma_wait3A_38 = tpu.memref_squeeze %dma_wait3A_37 : memref<1x1x128xi32, #tpu.memory_space<vmem>> -> memref<128xi32, #tpu.memory_space<vmem>>
          %dma_wait3A_39 = arith.constant 0 : i32
          %dma_wait3A_40 = arith.constant 0 : i32
          %dma_wait3A_41 = tpu.memref_slice %arg6[%dma_wait3A_39, %dma_wait3A_40] : memref<10240x128xf32, #tpu.memory_space<vmem_shared>> -> memref<10240x128xf32, #tpu.memory_space<vmem_shared>>
          tpu.wait_indirect_dma semaphore(%run_scoped3A_31 : memref<!tpu.dma_semaphore, #tpu.memory_space<semaphore_mem>>) src(%arg9 : memref<128x128xf32, #tpu.memory_space<vmem>>) dst(%dma_wait3A_41 : memref<10240x128xf32, #tpu.memory_space<vmem_shared>>)
          tpu.yield
        }) : () -> ()
      } else {
      }
      %add3A_29 = arith.constant 2 : i32
      %add3A_30 = arith.addi %add3A_24, %add3A_29 : i32
    }
    %scan3A_11 = arith.constant 40 : i32
    %barrier3A_12 = arith.constant 0 : index
    tpu.barrier barrier_id(%barrier3A_12)
    "tpu.region"() ({
      %run_scoped3A = tpu.sem_alloc : memref<!tpu.dma_semaphore, #tpu.memory_space<semaphore_mem>>
      %dma_start3A = arith.constant 0 : i32
      %dma_start3A_13 = tpu.memref_slice %arg5[%arg0, %mul3A_6, %dma_start3A] : memref<2x10240x128xf32, #tpu.memory_space<hbm>> -> memref<1x640x128xf32, #tpu.memory_space<hbm>>
      %dma_start3A_14 = tpu.memref_squeeze %dma_start3A_13 : memref<1x640x128xf32, #tpu.memory_space<hbm>> -> memref<640x128xf32, #tpu.memory_space<hbm>>
      %dma_start3A_15 = arith.constant 0 : i32
      %dma_start3A_16 = tpu.memref_slice %arg6[%mul3A_6, %dma_start3A_15] : memref<10240x128xf32, #tpu.memory_space<vmem_shared>> -> memref<640x128xf32, #tpu.memory_space<vmem_shared>>
      tpu.enqueue_dma source(%dma_start3A_16 : memref<640x128xf32, #tpu.memory_space<vmem_shared>>) target(%dma_start3A_14 : memref<640x128xf32, #tpu.memory_space<hbm>>) target_semaphore(%run_scoped3A : memref<!tpu.dma_semaphore, #tpu.memory_space<semaphore_mem>>)
      %dma_wait3A = arith.constant 0 : i32
      %dma_wait3A_17 = tpu.memref_slice %arg5[%arg0, %mul3A_6, %dma_wait3A] : memref<2x10240x128xf32, #tpu.memory_space<hbm>> -> memref<1x640x128xf32, #tpu.memory_space<hbm>>
      %dma_wait3A_18 = tpu.memref_squeeze %dma_wait3A_17 : memref<1x640x128xf32, #tpu.memory_space<hbm>> -> memref<640x128xf32, #tpu.memory_space<hbm>>
      %dma_wait3A_19 = arith.constant 0 : i32
      %dma_wait3A_20 = tpu.memref_slice %arg6[%mul3A_6, %dma_wait3A_19] : memref<10240x128xf32, #tpu.memory_space<vmem_shared>> -> memref<640x128xf32, #tpu.memory_space<vmem_shared>>
      tpu.wait_dma2 semaphore(%run_scoped3A : memref<!tpu.dma_semaphore, #tpu.memory_space<semaphore_mem>>) src(%dma_wait3A_20 : memref<640x128xf32, #tpu.memory_space<vmem_shared>>) dst(%dma_wait3A_18 : memref<640x128xf32, #tpu.memory_space<hbm>>)
      tpu.yield
    }) : () -> ()
    return
  }
}

#map = affine_map<(d0, d1) -> (0, 0)>
#map1 = affine_map<(d0, d1) -> (0, 0, 0)>
module attributes {stable_mosaic.version = 14 : i64} {
  func.func @body(%arg0: i32, %arg1: i32, %arg2: memref<320000x128xf32, #tpu.memory_space<hbm>>, %arg3: memref<2528x1x128xi32, #tpu.memory_space<hbm>>, %arg4: memref<10240x128xf32, #tpu.memory_space<hbm>>, %arg5: memref<2x10240x128xf32, #tpu.memory_space<hbm>>, %arg6: memref<10240x128xf32, #tpu.memory_space<vmem_shared>>, %arg7: memref<79x1x128xi32, #tpu.memory_space<vmem>>, %arg8: memref<128x128xf32, #tpu.memory_space<vmem>>, %arg9: memref<128x128xf32, #tpu.memory_space<vmem>>, %arg10: memref<!tpu.dma_semaphore, #tpu.memory_space<semaphore_mem>>, %arg11: memref<!tpu.dma_semaphore, #tpu.memory_space<semaphore_mem>>) attributes {dimension_semantics = [#tpu.dimension_semantics<core_parallel>, #tpu.dimension_semantics<subcore_parallel>], iteration_bounds = array<i64: 2, 16>, scalar_prefetch = 0 : i64, scratch_operands = 6 : i64, tpu.core_type = #tpu.core_type<sc_vector_subcore>, window_params = [{transform_indices = #map}, {transform_indices = #map1}, {transform_indices = #map}, {transform_indices = #map1}]} {
    %mul3A = arith.constant 16 : i32
    %mul3A_0 = arith.muli %arg0, %mul3A : i32
    %add3A = arith.addi %mul3A_0, %arg1 : i32
    %mul3A_1 = arith.constant 79 : i32
    %mul3A_2 = arith.muli %add3A, %mul3A_1 : i32
    %sub3A = arith.constant 2500 : i32
    %sub3A_3 = arith.subi %sub3A, %mul3A_2 : i32
    %jit3A = arith.constant 0 : i32
    %jit3A_4 = arith.constant 79 : i32
    %max3A = arith.maxsi %jit3A, %sub3A_3 : i32
    %min3A = arith.minsi %jit3A_4, %max3A : i32
    %mul3A_5 = arith.constant 640 : i32
    %mul3A_6 = arith.muli %arg1, %mul3A_5 : i32
    "tpu.region"() ({
      %run_scoped3A = tpu.sem_alloc : memref<!tpu.dma_semaphore, #tpu.memory_space<semaphore_mem>>
      %dma_start3A = arith.constant 0 : i32
      %dma_start3A_20 = tpu.memref_slice %arg6[%mul3A_6, %dma_start3A] : memref<10240x128xf32, #tpu.memory_space<vmem_shared>> -> memref<640x128xf32, #tpu.memory_space<vmem_shared>>
      %dma_start3A_21 = arith.constant 0 : i32
      %dma_start3A_22 = tpu.memref_slice %arg4[%mul3A_6, %dma_start3A_21] : memref<10240x128xf32, #tpu.memory_space<hbm>> -> memref<640x128xf32, #tpu.memory_space<hbm>>
      tpu.enqueue_dma source(%dma_start3A_22 : memref<640x128xf32, #tpu.memory_space<hbm>>) target(%dma_start3A_20 : memref<640x128xf32, #tpu.memory_space<vmem_shared>>) target_semaphore(%run_scoped3A : memref<!tpu.dma_semaphore, #tpu.memory_space<semaphore_mem>>)
      %dma_wait3A = arith.constant 0 : i32
      %dma_wait3A_23 = tpu.memref_slice %arg6[%mul3A_6, %dma_wait3A] : memref<10240x128xf32, #tpu.memory_space<vmem_shared>> -> memref<640x128xf32, #tpu.memory_space<vmem_shared>>
      %dma_wait3A_24 = arith.constant 0 : i32
      %dma_wait3A_25 = tpu.memref_slice %arg4[%mul3A_6, %dma_wait3A_24] : memref<10240x128xf32, #tpu.memory_space<hbm>> -> memref<640x128xf32, #tpu.memory_space<hbm>>
      tpu.wait_dma2 semaphore(%run_scoped3A : memref<!tpu.dma_semaphore, #tpu.memory_space<semaphore_mem>>) src(%dma_wait3A_25 : memref<640x128xf32, #tpu.memory_space<hbm>>) dst(%dma_wait3A_23 : memref<640x128xf32, #tpu.memory_space<vmem_shared>>)
      tpu.yield
    }) : () -> ()
    "tpu.region"() ({
      %run_scoped3A = tpu.sem_alloc : memref<!tpu.dma_semaphore, #tpu.memory_space<semaphore_mem>>
      %dma_start3A = arith.constant 0 : i32
      %dma_start3A_20 = arith.constant 0 : i32
      %dma_start3A_21 = tpu.memref_slice %arg3[%mul3A_2, %dma_start3A, %dma_start3A_20] : memref<2528x1x128xi32, #tpu.memory_space<hbm>> -> memref<79x1x128xi32, #tpu.memory_space<hbm>>
      %dma_start3A_22 = arith.constant 0 : i32
      %dma_start3A_23 = arith.constant 0 : i32
      %dma_start3A_24 = tpu.memref_slice %arg3[%mul3A_2, %dma_start3A_22, %dma_start3A_23] : memref<2528x1x128xi32, #tpu.memory_space<hbm>> -> memref<79x1x128xi32, #tpu.memory_space<hbm>>
      tpu.enqueue_dma source(%dma_start3A_24 : memref<79x1x128xi32, #tpu.memory_space<hbm>>) target(%arg7 : memref<79x1x128xi32, #tpu.memory_space<vmem>>) target_semaphore(%run_scoped3A : memref<!tpu.dma_semaphore, #tpu.memory_space<semaphore_mem>>)
      %dma_wait3A = arith.constant 0 : i32
      %dma_wait3A_25 = arith.constant 0 : i32
      %dma_wait3A_26 = tpu.memref_slice %arg3[%mul3A_2, %dma_wait3A, %dma_wait3A_25] : memref<2528x1x128xi32, #tpu.memory_space<hbm>> -> memref<79x1x128xi32, #tpu.memory_space<hbm>>
      %dma_wait3A_27 = arith.constant 0 : i32
      %dma_wait3A_28 = arith.constant 0 : i32
      %dma_wait3A_29 = tpu.memref_slice %arg3[%mul3A_2, %dma_wait3A_27, %dma_wait3A_28] : memref<2528x1x128xi32, #tpu.memory_space<hbm>> -> memref<79x1x128xi32, #tpu.memory_space<hbm>>
      tpu.wait_dma2 semaphore(%run_scoped3A : memref<!tpu.dma_semaphore, #tpu.memory_space<semaphore_mem>>) src(%dma_wait3A_29 : memref<79x1x128xi32, #tpu.memory_space<hbm>>) dst(%arg7 : memref<79x1x128xi32, #tpu.memory_space<vmem>>)
      tpu.yield
    }) : () -> ()
    %barrier3A = arith.constant 0 : index
    tpu.barrier barrier_id(%barrier3A)
    %gt3A = arith.constant 0 : i32
    %gt3A_7 = arith.cmpi sgt, %min3A, %gt3A : i32
    %convert_element_type3A = arith.extui %gt3A_7 : i1 to i32
    %cond3A = arith.constant 0 : i32
    %cond3A_8 = arith.cmpi ne, %convert_element_type3A, %cond3A : i32
    scf.if %cond3A_8 {
      %add3A_20 = arith.constant 0 : i32
      %add3A_21 = arith.addi %mul3A_2, %add3A_20 : i32
      %mul3A_22 = arith.constant 128 : i32
      %mul3A_23 = arith.muli %add3A_21, %mul3A_22 : i32
      %dma_start3A = arith.constant 0 : i32
      %dma_start3A_24 = tpu.memref_slice %arg2[%mul3A_23, %dma_start3A] : memref<320000x128xf32, #tpu.memory_space<hbm>> -> memref<128x128xf32, #tpu.memory_space<hbm>>
      %dma_start3A_25 = arith.constant 0 : i32
      %dma_start3A_26 = tpu.memref_slice %arg2[%mul3A_23, %dma_start3A_25] : memref<320000x128xf32, #tpu.memory_space<hbm>> -> memref<128x128xf32, #tpu.memory_space<hbm>>
      tpu.enqueue_dma source(%dma_start3A_26 : memref<128x128xf32, #tpu.memory_space<hbm>>) target(%arg8 : memref<128x128xf32, #tpu.memory_space<vmem>>) target_semaphore(%arg10 : memref<!tpu.dma_semaphore, #tpu.memory_space<semaphore_mem>>)
    } else {
    }
    %gt3A_9 = arith.constant 1 : i32
    %gt3A_10 = arith.cmpi sgt, %min3A, %gt3A_9 : i32
    %convert_element_type3A_11 = arith.extui %gt3A_10 : i1 to i32
    %cond3A_12 = arith.constant 0 : i32
    %cond3A_13 = arith.cmpi ne, %convert_element_type3A_11, %cond3A_12 : i32
    scf.if %cond3A_13 {
      %add3A_20 = arith.constant 1 : i32
      %add3A_21 = arith.addi %mul3A_2, %add3A_20 : i32
      %mul3A_22 = arith.constant 128 : i32
      %mul3A_23 = arith.muli %add3A_21, %mul3A_22 : i32
      %dma_start3A = arith.constant 0 : i32
      %dma_start3A_24 = tpu.memref_slice %arg2[%mul3A_23, %dma_start3A] : memref<320000x128xf32, #tpu.memory_space<hbm>> -> memref<128x128xf32, #tpu.memory_space<hbm>>
      %dma_start3A_25 = arith.constant 0 : i32
      %dma_start3A_26 = tpu.memref_slice %arg2[%mul3A_23, %dma_start3A_25] : memref<320000x128xf32, #tpu.memory_space<hbm>> -> memref<128x128xf32, #tpu.memory_space<hbm>>
      tpu.enqueue_dma source(%dma_start3A_26 : memref<128x128xf32, #tpu.memory_space<hbm>>) target(%arg9 : memref<128x128xf32, #tpu.memory_space<vmem>>) target_semaphore(%arg11 : memref<!tpu.dma_semaphore, #tpu.memory_space<semaphore_mem>>)
    } else {
    }
    %scan3A = arith.constant 0 : i32
    %scan3A_14 = arith.constant 0 : i32
    %scan3A_15 = arith.constant 40 : i32
    %scan3A_16 = arith.addi %scan3A_14, %scan3A_15 : i32
    %scan3A_17 = arith.constant 1 : i32
    scf.for %scan3A_20 = %scan3A_14 to %scan3A_16 step %scan3A_17  : i32 {
      %mul3A_21 = arith.constant 2 : i32
      %mul3A_22 = arith.muli %scan3A_20, %mul3A_21 : i32
      %add3A_23 = arith.constant 0 : i32
      %add3A_24 = arith.addi %mul3A_22, %add3A_23 : i32
      %lt3A = arith.cmpi slt, %add3A_24, %min3A : i32
      %convert_element_type3A_25 = arith.extui %lt3A : i1 to i32
      %cond3A_26 = arith.constant 0 : i32
      %cond3A_27 = arith.cmpi ne, %convert_element_type3A_25, %cond3A_26 : i32
      scf.if %cond3A_27 {
        %add3A_48 = arith.addi %mul3A_2, %add3A_24 : i32
        %mul3A_49 = arith.constant 128 : i32
        %mul3A_50 = arith.muli %add3A_48, %mul3A_49 : i32
        %dma_wait3A = arith.constant 0 : i32
        %dma_wait3A_51 = tpu.memref_slice %arg2[%mul3A_50, %dma_wait3A] : memref<320000x128xf32, #tpu.memory_space<hbm>> -> memref<128x128xf32, #tpu.memory_space<hbm>>
        %dma_wait3A_52 = arith.constant 0 : i32
        %dma_wait3A_53 = tpu.memref_slice %arg2[%mul3A_50, %dma_wait3A_52] : memref<320000x128xf32, #tpu.memory_space<hbm>> -> memref<128x128xf32, #tpu.memory_space<hbm>>
        tpu.wait_dma2 semaphore(%arg10 : memref<!tpu.dma_semaphore, #tpu.memory_space<semaphore_mem>>) src(%dma_wait3A_53 : memref<128x128xf32, #tpu.memory_space<hbm>>) dst(%arg8 : memref<128x128xf32, #tpu.memory_space<vmem>>)
        %run_scoped3A = arith.constant 0 : i32
        "tpu.region"() ({
          %run_scoped3A_54 = tpu.sem_alloc : memref<!tpu.dma_semaphore, #tpu.memory_space<semaphore_mem>>
          %dma_start3A = arith.constant 0 : i32
          %dma_start3A_55 = tpu.memref_slice %arg7[%add3A_24, %run_scoped3A, %dma_start3A] : memref<79x1x128xi32, #tpu.memory_space<vmem>> -> memref<1x1x128xi32, #tpu.memory_space<vmem>>
          %dma_start3A_56 = tpu.memref_squeeze %dma_start3A_55 : memref<1x1x128xi32, #tpu.memory_space<vmem>> -> memref<128xi32, #tpu.memory_space<vmem>>
          %dma_start3A_57 = arith.constant 0 : i32
          %dma_start3A_58 = arith.constant 0 : i32
          %dma_start3A_59 = tpu.memref_slice %arg6[%dma_start3A_57, %dma_start3A_58] : memref<10240x128xf32, #tpu.memory_space<vmem_shared>> -> memref<10240x128xf32, #tpu.memory_space<vmem_shared>>
          tpu.enqueue_indirect_dma source(%arg8 : memref<128x128xf32, #tpu.memory_space<vmem>>) target(%dma_start3A_59 : memref<10240x128xf32, #tpu.memory_space<vmem_shared>>) offsets(%dma_start3A_56 : memref<128xi32, #tpu.memory_space<vmem>>) semaphore(%run_scoped3A_54 : memref<!tpu.dma_semaphore, #tpu.memory_space<semaphore_mem>>) {add = true}
          %dma_wait3A_60 = arith.constant 0 : i32
          %dma_wait3A_61 = tpu.memref_slice %arg7[%add3A_24, %run_scoped3A, %dma_wait3A_60] : memref<79x1x128xi32, #tpu.memory_space<vmem>> -> memref<1x1x128xi32, #tpu.memory_space<vmem>>
          %dma_wait3A_62 = tpu.memref_squeeze %dma_wait3A_61 : memref<1x1x128xi32, #tpu.memory_space<vmem>> -> memref<128xi32, #tpu.memory_space<vmem>>
          %dma_wait3A_63 = arith.constant 0 : i32
          %dma_wait3A_64 = arith.constant 0 : i32
          %dma_wait3A_65 = tpu.memref_slice %arg6[%dma_wait3A_63, %dma_wait3A_64] : memref<10240x128xf32, #tpu.memory_space<vmem_shared>> -> memref<10240x128xf32, #tpu.memory_space<vmem_shared>>
          tpu.wait_indirect_dma semaphore(%run_scoped3A_54 : memref<!tpu.dma_semaphore, #tpu.memory_space<semaphore_mem>>) src(%arg8 : memref<128x128xf32, #tpu.memory_space<vmem>>) dst(%dma_wait3A_65 : memref<10240x128xf32, #tpu.memory_space<vmem_shared>>)
          tpu.yield
        }) : () -> ()
      } else {
      }
      %add3A_28 = arith.constant 2 : i32
      %add3A_29 = arith.addi %add3A_24, %add3A_28 : i32
      %lt3A_30 = arith.cmpi slt, %add3A_29, %min3A : i32
      %convert_element_type3A_31 = arith.extui %lt3A_30 : i1 to i32
      %cond3A_32 = arith.constant 0 : i32
      %cond3A_33 = arith.cmpi ne, %convert_element_type3A_31, %cond3A_32 : i32
      scf.if %cond3A_33 {
        %add3A_48 = arith.addi %mul3A_2, %add3A_29 : i32
        %mul3A_49 = arith.constant 128 : i32
        %mul3A_50 = arith.muli %add3A_48, %mul3A_49 : i32
        %dma_start3A = arith.constant 0 : i32
        %dma_start3A_51 = tpu.memref_slice %arg2[%mul3A_50, %dma_start3A] : memref<320000x128xf32, #tpu.memory_space<hbm>> -> memref<128x128xf32, #tpu.memory_space<hbm>>
        %dma_start3A_52 = arith.constant 0 : i32
        %dma_start3A_53 = tpu.memref_slice %arg2[%mul3A_50, %dma_start3A_52] : memref<320000x128xf32, #tpu.memory_space<hbm>> -> memref<128x128xf32, #tpu.memory_space<hbm>>
        tpu.enqueue_dma source(%dma_start3A_53 : memref<128x128xf32, #tpu.memory_space<hbm>>) target(%arg8 : memref<128x128xf32, #tpu.memory_space<vmem>>) target_semaphore(%arg10 : memref<!tpu.dma_semaphore, #tpu.memory_space<semaphore_mem>>)
      } else {
      }
      %mul3A_34 = arith.constant 2 : i32
      %mul3A_35 = arith.muli %scan3A_20, %mul3A_34 : i32
      %add3A_36 = arith.constant 1 : i32
      %add3A_37 = arith.addi %mul3A_35, %add3A_36 : i32
      %lt3A_38 = arith.cmpi slt, %add3A_37, %min3A : i32
      %convert_element_type3A_39 = arith.extui %lt3A_38 : i1 to i32
      %cond3A_40 = arith.constant 0 : i32
      %cond3A_41 = arith.cmpi ne, %convert_element_type3A_39, %cond3A_40 : i32
      scf.if %cond3A_41 {
        %add3A_48 = arith.addi %mul3A_2, %add3A_37 : i32
        %mul3A_49 = arith.constant 128 : i32
        %mul3A_50 = arith.muli %add3A_48, %mul3A_49 : i32
        %dma_wait3A = arith.constant 0 : i32
        %dma_wait3A_51 = tpu.memref_slice %arg2[%mul3A_50, %dma_wait3A] : memref<320000x128xf32, #tpu.memory_space<hbm>> -> memref<128x128xf32, #tpu.memory_space<hbm>>
        %dma_wait3A_52 = arith.constant 0 : i32
        %dma_wait3A_53 = tpu.memref_slice %arg2[%mul3A_50, %dma_wait3A_52] : memref<320000x128xf32, #tpu.memory_space<hbm>> -> memref<128x128xf32, #tpu.memory_space<hbm>>
        tpu.wait_dma2 semaphore(%arg11 : memref<!tpu.dma_semaphore, #tpu.memory_space<semaphore_mem>>) src(%dma_wait3A_53 : memref<128x128xf32, #tpu.memory_space<hbm>>) dst(%arg9 : memref<128x128xf32, #tpu.memory_space<vmem>>)
        %run_scoped3A = arith.constant 0 : i32
        "tpu.region"() ({
          %run_scoped3A_54 = tpu.sem_alloc : memref<!tpu.dma_semaphore, #tpu.memory_space<semaphore_mem>>
          %dma_start3A = arith.constant 0 : i32
          %dma_start3A_55 = tpu.memref_slice %arg7[%add3A_37, %run_scoped3A, %dma_start3A] : memref<79x1x128xi32, #tpu.memory_space<vmem>> -> memref<1x1x128xi32, #tpu.memory_space<vmem>>
          %dma_start3A_56 = tpu.memref_squeeze %dma_start3A_55 : memref<1x1x128xi32, #tpu.memory_space<vmem>> -> memref<128xi32, #tpu.memory_space<vmem>>
          %dma_start3A_57 = arith.constant 0 : i32
          %dma_start3A_58 = arith.constant 0 : i32
          %dma_start3A_59 = tpu.memref_slice %arg6[%dma_start3A_57, %dma_start3A_58] : memref<10240x128xf32, #tpu.memory_space<vmem_shared>> -> memref<10240x128xf32, #tpu.memory_space<vmem_shared>>
          tpu.enqueue_indirect_dma source(%arg9 : memref<128x128xf32, #tpu.memory_space<vmem>>) target(%dma_start3A_59 : memref<10240x128xf32, #tpu.memory_space<vmem_shared>>) offsets(%dma_start3A_56 : memref<128xi32, #tpu.memory_space<vmem>>) semaphore(%run_scoped3A_54 : memref<!tpu.dma_semaphore, #tpu.memory_space<semaphore_mem>>) {add = true}
          %dma_wait3A_60 = arith.constant 0 : i32
          %dma_wait3A_61 = tpu.memref_slice %arg7[%add3A_37, %run_scoped3A, %dma_wait3A_60] : memref<79x1x128xi32, #tpu.memory_space<vmem>> -> memref<1x1x128xi32, #tpu.memory_space<vmem>>
          %dma_wait3A_62 = tpu.memref_squeeze %dma_wait3A_61 : memref<1x1x128xi32, #tpu.memory_space<vmem>> -> memref<128xi32, #tpu.memory_space<vmem>>
          %dma_wait3A_63 = arith.constant 0 : i32
          %dma_wait3A_64 = arith.constant 0 : i32
          %dma_wait3A_65 = tpu.memref_slice %arg6[%dma_wait3A_63, %dma_wait3A_64] : memref<10240x128xf32, #tpu.memory_space<vmem_shared>> -> memref<10240x128xf32, #tpu.memory_space<vmem_shared>>
          tpu.wait_indirect_dma semaphore(%run_scoped3A_54 : memref<!tpu.dma_semaphore, #tpu.memory_space<semaphore_mem>>) src(%arg9 : memref<128x128xf32, #tpu.memory_space<vmem>>) dst(%dma_wait3A_65 : memref<10240x128xf32, #tpu.memory_space<vmem_shared>>)
          tpu.yield
        }) : () -> ()
      } else {
      }
      %add3A_42 = arith.constant 2 : i32
      %add3A_43 = arith.addi %add3A_37, %add3A_42 : i32
      %lt3A_44 = arith.cmpi slt, %add3A_43, %min3A : i32
      %convert_element_type3A_45 = arith.extui %lt3A_44 : i1 to i32
      %cond3A_46 = arith.constant 0 : i32
      %cond3A_47 = arith.cmpi ne, %convert_element_type3A_45, %cond3A_46 : i32
      scf.if %cond3A_47 {
        %add3A_48 = arith.addi %mul3A_2, %add3A_43 : i32
        %mul3A_49 = arith.constant 128 : i32
        %mul3A_50 = arith.muli %add3A_48, %mul3A_49 : i32
        %dma_start3A = arith.constant 0 : i32
        %dma_start3A_51 = tpu.memref_slice %arg2[%mul3A_50, %dma_start3A] : memref<320000x128xf32, #tpu.memory_space<hbm>> -> memref<128x128xf32, #tpu.memory_space<hbm>>
        %dma_start3A_52 = arith.constant 0 : i32
        %dma_start3A_53 = tpu.memref_slice %arg2[%mul3A_50, %dma_start3A_52] : memref<320000x128xf32, #tpu.memory_space<hbm>> -> memref<128x128xf32, #tpu.memory_space<hbm>>
        tpu.enqueue_dma source(%dma_start3A_53 : memref<128x128xf32, #tpu.memory_space<hbm>>) target(%arg9 : memref<128x128xf32, #tpu.memory_space<vmem>>) target_semaphore(%arg11 : memref<!tpu.dma_semaphore, #tpu.memory_space<semaphore_mem>>)
      } else {
      }
    }
    %scan3A_18 = arith.constant 40 : i32
    %barrier3A_19 = arith.constant 0 : index
    tpu.barrier barrier_id(%barrier3A_19)
    "tpu.region"() ({
      %run_scoped3A = tpu.sem_alloc : memref<!tpu.dma_semaphore, #tpu.memory_space<semaphore_mem>>
      %dma_start3A = arith.constant 0 : i32
      %dma_start3A_20 = tpu.memref_slice %arg5[%arg0, %mul3A_6, %dma_start3A] : memref<2x10240x128xf32, #tpu.memory_space<hbm>> -> memref<1x640x128xf32, #tpu.memory_space<hbm>>
      %dma_start3A_21 = tpu.memref_squeeze %dma_start3A_20 : memref<1x640x128xf32, #tpu.memory_space<hbm>> -> memref<640x128xf32, #tpu.memory_space<hbm>>
      %dma_start3A_22 = arith.constant 0 : i32
      %dma_start3A_23 = tpu.memref_slice %arg6[%mul3A_6, %dma_start3A_22] : memref<10240x128xf32, #tpu.memory_space<vmem_shared>> -> memref<640x128xf32, #tpu.memory_space<vmem_shared>>
      tpu.enqueue_dma source(%dma_start3A_23 : memref<640x128xf32, #tpu.memory_space<vmem_shared>>) target(%dma_start3A_21 : memref<640x128xf32, #tpu.memory_space<hbm>>) target_semaphore(%run_scoped3A : memref<!tpu.dma_semaphore, #tpu.memory_space<semaphore_mem>>)
      %dma_wait3A = arith.constant 0 : i32
      %dma_wait3A_24 = tpu.memref_slice %arg5[%arg0, %mul3A_6, %dma_wait3A] : memref<2x10240x128xf32, #tpu.memory_space<hbm>> -> memref<1x640x128xf32, #tpu.memory_space<hbm>>
      %dma_wait3A_25 = tpu.memref_squeeze %dma_wait3A_24 : memref<1x640x128xf32, #tpu.memory_space<hbm>> -> memref<640x128xf32, #tpu.memory_space<hbm>>
      %dma_wait3A_26 = arith.constant 0 : i32
      %dma_wait3A_27 = tpu.memref_slice %arg6[%mul3A_6, %dma_wait3A_26] : memref<10240x128xf32, #tpu.memory_space<vmem_shared>> -> memref<640x128xf32, #tpu.memory_space<vmem_shared>>
      tpu.wait_dma2 semaphore(%run_scoped3A : memref<!tpu.dma_semaphore, #tpu.memory_space<semaphore_mem>>) src(%dma_wait3A_27 : memref<640x128xf32, #tpu.memory_space<vmem_shared>>) dst(%dma_wait3A_25 : memref<640x128xf32, #tpu.memory_space<hbm>>)
      tpu.yield
    }) : () -> ()
    return
  }
}

#map = affine_map<(d0, d1) -> (0, 0)>
#map1 = affine_map<(d0, d1) -> (0, 0, 0)>
module attributes {stable_mosaic.version = 14 : i64} {
  func.func @body(%arg0: i32, %arg1: i32, %arg2: memref<320000x128xf32, #tpu.memory_space<hbm>>, %arg3: memref<2528x1x128xi32, #tpu.memory_space<hbm>>, %arg4: memref<10240x128xf32, #tpu.memory_space<hbm>>, %arg5: memref<320000x128xf32, #tpu.memory_space<hbm>>, %arg6: memref<10240x128xf32, #tpu.memory_space<vmem_shared>>, %arg7: memref<79x1x128xi32, #tpu.memory_space<vmem>>, %arg8: memref<64x128xf32, #tpu.memory_space<vmem>>, %arg9: memref<64x128xf32, #tpu.memory_space<vmem>>, %arg10: memref<64x128xf32, #tpu.memory_space<vmem>>, %arg11: memref<64x128xf32, #tpu.memory_space<vmem>>, %arg12: memref<!tpu.dma_semaphore, #tpu.memory_space<semaphore_mem>>, %arg13: memref<!tpu.dma_semaphore, #tpu.memory_space<semaphore_mem>>, %arg14: memref<!tpu.dma_semaphore, #tpu.memory_space<semaphore_mem>>, %arg15: memref<!tpu.dma_semaphore, #tpu.memory_space<semaphore_mem>>, %arg16: memref<!tpu.dma_semaphore, #tpu.memory_space<semaphore_mem>>, %arg17: memref<!tpu.dma_semaphore, #tpu.memory_space<semaphore_mem>>) attributes {dimension_semantics = [#tpu.dimension_semantics<core_parallel>, #tpu.dimension_semantics<subcore_parallel>], iteration_bounds = array<i64: 2, 16>, scalar_prefetch = 0 : i64, scratch_operands = 12 : i64, tpu.core_type = #tpu.core_type<sc_vector_subcore>, window_params = [{transform_indices = #map}, {transform_indices = #map1}, {transform_indices = #map}, {transform_indices = #map}]} {
    %mul3A = arith.constant 16 : i32
    %mul3A_0 = arith.muli %arg0, %mul3A : i32
    %add3A = arith.addi %mul3A_0, %arg1 : i32
    %mul3A_1 = arith.constant 158 : i32
    %mul3A_2 = arith.muli %add3A, %mul3A_1 : i32
    %sub3A = arith.constant 5000 : i32
    %sub3A_3 = arith.subi %sub3A, %mul3A_2 : i32
    %jit3A = arith.constant 0 : i32
    %jit3A_4 = arith.constant 158 : i32
    %max3A = arith.maxsi %jit3A, %sub3A_3 : i32
    %min3A = arith.minsi %jit3A_4, %max3A : i32
    %mul3A_5 = arith.constant 640 : i32
    %mul3A_6 = arith.muli %arg1, %mul3A_5 : i32
    "tpu.region"() ({
      %run_scoped3A = tpu.sem_alloc : memref<!tpu.dma_semaphore, #tpu.memory_space<semaphore_mem>>
      %dma_start3A = arith.constant 0 : i32
      %dma_start3A_21 = tpu.memref_slice %arg6[%mul3A_6, %dma_start3A] : memref<10240x128xf32, #tpu.memory_space<vmem_shared>> -> memref<640x128xf32, #tpu.memory_space<vmem_shared>>
      %dma_start3A_22 = arith.constant 0 : i32
      %dma_start3A_23 = tpu.memref_slice %arg4[%mul3A_6, %dma_start3A_22] : memref<10240x128xf32, #tpu.memory_space<hbm>> -> memref<640x128xf32, #tpu.memory_space<hbm>>
      tpu.enqueue_dma source(%dma_start3A_23 : memref<640x128xf32, #tpu.memory_space<hbm>>) target(%dma_start3A_21 : memref<640x128xf32, #tpu.memory_space<vmem_shared>>) target_semaphore(%run_scoped3A : memref<!tpu.dma_semaphore, #tpu.memory_space<semaphore_mem>>)
      %dma_wait3A = arith.constant 0 : i32
      %dma_wait3A_24 = tpu.memref_slice %arg6[%mul3A_6, %dma_wait3A] : memref<10240x128xf32, #tpu.memory_space<vmem_shared>> -> memref<640x128xf32, #tpu.memory_space<vmem_shared>>
      %dma_wait3A_25 = arith.constant 0 : i32
      %dma_wait3A_26 = tpu.memref_slice %arg4[%mul3A_6, %dma_wait3A_25] : memref<10240x128xf32, #tpu.memory_space<hbm>> -> memref<640x128xf32, #tpu.memory_space<hbm>>
      tpu.wait_dma2 semaphore(%run_scoped3A : memref<!tpu.dma_semaphore, #tpu.memory_space<semaphore_mem>>) src(%dma_wait3A_26 : memref<640x128xf32, #tpu.memory_space<hbm>>) dst(%dma_wait3A_24 : memref<640x128xf32, #tpu.memory_space<vmem_shared>>)
      tpu.yield
    }) : () -> ()
    %mul3A_7 = arith.constant 79 : i32
    %mul3A_8 = arith.muli %add3A, %mul3A_7 : i32
    "tpu.region"() ({
      %run_scoped3A = tpu.sem_alloc : memref<!tpu.dma_semaphore, #tpu.memory_space<semaphore_mem>>
      %dma_start3A = arith.constant 0 : i32
      %dma_start3A_21 = arith.constant 0 : i32
      %dma_start3A_22 = tpu.memref_slice %arg3[%mul3A_8, %dma_start3A, %dma_start3A_21] : memref<2528x1x128xi32, #tpu.memory_space<hbm>> -> memref<79x1x128xi32, #tpu.memory_space<hbm>>
      %dma_start3A_23 = arith.constant 0 : i32
      %dma_start3A_24 = arith.constant 0 : i32
      %dma_start3A_25 = tpu.memref_slice %arg3[%mul3A_8, %dma_start3A_23, %dma_start3A_24] : memref<2528x1x128xi32, #tpu.memory_space<hbm>> -> memref<79x1x128xi32, #tpu.memory_space<hbm>>
      tpu.enqueue_dma source(%dma_start3A_25 : memref<79x1x128xi32, #tpu.memory_space<hbm>>) target(%arg7 : memref<79x1x128xi32, #tpu.memory_space<vmem>>) target_semaphore(%run_scoped3A : memref<!tpu.dma_semaphore, #tpu.memory_space<semaphore_mem>>)
      %dma_wait3A = arith.constant 0 : i32
      %dma_wait3A_26 = arith.constant 0 : i32
      %dma_wait3A_27 = tpu.memref_slice %arg3[%mul3A_8, %dma_wait3A, %dma_wait3A_26] : memref<2528x1x128xi32, #tpu.memory_space<hbm>> -> memref<79x1x128xi32, #tpu.memory_space<hbm>>
      %dma_wait3A_28 = arith.constant 0 : i32
      %dma_wait3A_29 = arith.constant 0 : i32
      %dma_wait3A_30 = tpu.memref_slice %arg3[%mul3A_8, %dma_wait3A_28, %dma_wait3A_29] : memref<2528x1x128xi32, #tpu.memory_space<hbm>> -> memref<79x1x128xi32, #tpu.memory_space<hbm>>
      tpu.wait_dma2 semaphore(%run_scoped3A : memref<!tpu.dma_semaphore, #tpu.memory_space<semaphore_mem>>) src(%dma_wait3A_30 : memref<79x1x128xi32, #tpu.memory_space<hbm>>) dst(%arg7 : memref<79x1x128xi32, #tpu.memory_space<vmem>>)
      tpu.yield
    }) : () -> ()
    %barrier3A = arith.constant 0 : index
    tpu.barrier barrier_id(%barrier3A)
    %gt3A = arith.constant 0 : i32
    %gt3A_9 = arith.cmpi sgt, %min3A, %gt3A : i32
    %convert_element_type3A = arith.extui %gt3A_9 : i1 to i32
    %cond3A = arith.constant 0 : i32
    %cond3A_10 = arith.cmpi ne, %convert_element_type3A, %cond3A : i32
    scf.if %cond3A_10 {
      %dma_start3A = arith.constant 0 : i32
      %dma_start3A_21 = arith.constant 0 : i32
      %dma_start3A_22 = arith.constant 0 : i32
      %dma_start3A_23 = tpu.memref_slice %arg7[%dma_start3A, %dma_start3A_21, %dma_start3A_22] : memref<79x1x128xi32, #tpu.memory_space<vmem>> -> memref<1x1x64xi32, #tpu.memory_space<vmem>>
      %dma_start3A_24 = tpu.memref_squeeze %dma_start3A_23 : memref<1x1x64xi32, #tpu.memory_space<vmem>> -> memref<64xi32, #tpu.memory_space<vmem>>
      %dma_start3A_25 = arith.constant 0 : i32
      %dma_start3A_26 = arith.constant 0 : i32
      %dma_start3A_27 = tpu.memref_slice %arg6[%dma_start3A_25, %dma_start3A_26] : memref<10240x128xf32, #tpu.memory_space<vmem_shared>> -> memref<10240x128xf32, #tpu.memory_space<vmem_shared>>
      tpu.enqueue_indirect_dma source(%dma_start3A_27 : memref<10240x128xf32, #tpu.memory_space<vmem_shared>>) target(%arg10 : memref<64x128xf32, #tpu.memory_space<vmem>>) offsets(%dma_start3A_24 : memref<64xi32, #tpu.memory_space<vmem>>) semaphore(%arg12 : memref<!tpu.dma_semaphore, #tpu.memory_space<semaphore_mem>>)
      %add3A_28 = arith.constant 0 : i32
      %add3A_29 = arith.addi %mul3A_2, %add3A_28 : i32
      %mul3A_30 = arith.constant 64 : i32
      %mul3A_31 = arith.muli %add3A_29, %mul3A_30 : i32
      %dma_start3A_32 = arith.constant 0 : i32
      %dma_start3A_33 = tpu.memref_slice %arg2[%mul3A_31, %dma_start3A_32] : memref<320000x128xf32, #tpu.memory_space<hbm>> -> memref<64x128xf32, #tpu.memory_space<hbm>>
      %dma_start3A_34 = arith.constant 0 : i32
      %dma_start3A_35 = tpu.memref_slice %arg2[%mul3A_31, %dma_start3A_34] : memref<320000x128xf32, #tpu.memory_space<hbm>> -> memref<64x128xf32, #tpu.memory_space<hbm>>
      tpu.enqueue_dma source(%dma_start3A_35 : memref<64x128xf32, #tpu.memory_space<hbm>>) target(%arg8 : memref<64x128xf32, #tpu.memory_space<vmem>>) target_semaphore(%arg14 : memref<!tpu.dma_semaphore, #tpu.memory_space<semaphore_mem>>)
    } else {
    }
    %gt3A_11 = arith.constant 1 : i32
    %gt3A_12 = arith.cmpi sgt, %min3A, %gt3A_11 : i32
    %convert_element_type3A_13 = arith.extui %gt3A_12 : i1 to i32
    %cond3A_14 = arith.constant 0 : i32
    %cond3A_15 = arith.cmpi ne, %convert_element_type3A_13, %cond3A_14 : i32
    scf.if %cond3A_15 {
      %dma_start3A = arith.constant 0 : i32
      %dma_start3A_21 = arith.constant 0 : i32
      %dma_start3A_22 = arith.constant 64 : i32
      %dma_start3A_23 = tpu.memref_slice %arg7[%dma_start3A, %dma_start3A_21, %dma_start3A_22] : memref<79x1x128xi32, #tpu.memory_space<vmem>> -> memref<1x1x64xi32, #tpu.memory_space<vmem>>
      %dma_start3A_24 = tpu.memref_squeeze %dma_start3A_23 : memref<1x1x64xi32, #tpu.memory_space<vmem>> -> memref<64xi32, #tpu.memory_space<vmem>>
      %dma_start3A_25 = arith.constant 0 : i32
      %dma_start3A_26 = arith.constant 0 : i32
      %dma_start3A_27 = tpu.memref_slice %arg6[%dma_start3A_25, %dma_start3A_26] : memref<10240x128xf32, #tpu.memory_space<vmem_shared>> -> memref<10240x128xf32, #tpu.memory_space<vmem_shared>>
      tpu.enqueue_indirect_dma source(%dma_start3A_27 : memref<10240x128xf32, #tpu.memory_space<vmem_shared>>) target(%arg11 : memref<64x128xf32, #tpu.memory_space<vmem>>) offsets(%dma_start3A_24 : memref<64xi32, #tpu.memory_space<vmem>>) semaphore(%arg13 : memref<!tpu.dma_semaphore, #tpu.memory_space<semaphore_mem>>)
      %add3A_28 = arith.constant 1 : i32
      %add3A_29 = arith.addi %mul3A_2, %add3A_28 : i32
      %mul3A_30 = arith.constant 64 : i32
      %mul3A_31 = arith.muli %add3A_29, %mul3A_30 : i32
      %dma_start3A_32 = arith.constant 0 : i32
      %dma_start3A_33 = tpu.memref_slice %arg2[%mul3A_31, %dma_start3A_32] : memref<320000x128xf32, #tpu.memory_space<hbm>> -> memref<64x128xf32, #tpu.memory_space<hbm>>
      %dma_start3A_34 = arith.constant 0 : i32
      %dma_start3A_35 = tpu.memref_slice %arg2[%mul3A_31, %dma_start3A_34] : memref<320000x128xf32, #tpu.memory_space<hbm>> -> memref<64x128xf32, #tpu.memory_space<hbm>>
      tpu.enqueue_dma source(%dma_start3A_35 : memref<64x128xf32, #tpu.memory_space<hbm>>) target(%arg9 : memref<64x128xf32, #tpu.memory_space<vmem>>) target_semaphore(%arg15 : memref<!tpu.dma_semaphore, #tpu.memory_space<semaphore_mem>>)
    } else {
    }
    %scan3A = arith.constant 0 : i32
    %scan3A_16 = arith.constant 0 : i32
    %scan3A_17 = arith.constant 79 : i32
    %scan3A_18 = arith.addi %scan3A_16, %scan3A_17 : i32
    %scan3A_19 = arith.constant 1 : i32
    scf.for %scan3A_21 = %scan3A_16 to %scan3A_18 step %scan3A_19  : i32 {
      %mul3A_22 = arith.constant 2 : i32
      %mul3A_23 = arith.muli %scan3A_21, %mul3A_22 : i32
      %add3A_24 = arith.constant 0 : i32
      %add3A_25 = arith.addi %mul3A_23, %add3A_24 : i32
      %lt3A = arith.cmpi slt, %add3A_25, %min3A : i32
      %convert_element_type3A_26 = arith.extui %lt3A : i1 to i32
      %cond3A_27 = arith.constant 0 : i32
      %cond3A_28 = arith.cmpi ne, %convert_element_type3A_26, %cond3A_27 : i32
      scf.if %cond3A_28 {
        %jit3A_65 = arith.constant 2 : i32
        %div3A = arith.divsi %add3A_25, %jit3A_65 : i32
        %sign3A = arith.constant 0 : i32
        %sign3A_66 = arith.cmpi sgt, %add3A_25, %sign3A : i32
        %sign3A_67 = arith.extui %sign3A_66 : i1 to i32
        %sign3A_68 = arith.constant 0 : i32
        %sign3A_69 = arith.cmpi slt, %add3A_25, %sign3A_68 : i32
        %sign3A_70 = arith.extui %sign3A_69 : i1 to i32
        %sign3A_71 = arith.subi %sign3A_67, %sign3A_70 : i32
        %sign3A_72 = arith.constant 0 : i32
        %sign3A_73 = arith.cmpi sgt, %jit3A_65, %sign3A_72 : i32
        %sign3A_74 = arith.extui %sign3A_73 : i1 to i32
        %sign3A_75 = arith.constant 0 : i32
        %sign3A_76 = arith.cmpi slt, %jit3A_65, %sign3A_75 : i32
        %sign3A_77 = arith.extui %sign3A_76 : i1 to i32
        %sign3A_78 = arith.subi %sign3A_74, %sign3A_77 : i32
        %ne3A = arith.cmpi ne, %sign3A_71, %sign3A_78 : i32
        %rem3A = arith.remsi %add3A_25, %jit3A_65 : i32
        %ne3A_79 = arith.constant 0 : i32
        %ne3A_80 = arith.cmpi ne, %rem3A, %ne3A_79 : i32
        %and3A_81 = arith.andi %ne3A, %ne3A_80 : i1
        %sub3A_82 = arith.constant 1 : i32
        %sub3A_83 = arith.subi %div3A, %sub3A_82 : i32
        %select_n3A = arith.select %and3A_81, %sub3A_83, %div3A : i32
        %dma_wait3A = arith.constant 0 : i32
        %dma_wait3A_84 = arith.constant 0 : i32
        %dma_wait3A_85 = tpu.memref_slice %arg7[%select_n3A, %dma_wait3A, %dma_wait3A_84] : memref<79x1x128xi32, #tpu.memory_space<vmem>> -> memref<1x1x64xi32, #tpu.memory_space<vmem>>
        %dma_wait3A_86 = tpu.memref_squeeze %dma_wait3A_85 : memref<1x1x64xi32, #tpu.memory_space<vmem>> -> memref<64xi32, #tpu.memory_space<vmem>>
        %dma_wait3A_87 = arith.constant 0 : i32
        %dma_wait3A_88 = arith.constant 0 : i32
        %dma_wait3A_89 = tpu.memref_slice %arg6[%dma_wait3A_87, %dma_wait3A_88] : memref<10240x128xf32, #tpu.memory_space<vmem_shared>> -> memref<10240x128xf32, #tpu.memory_space<vmem_shared>>
        tpu.wait_indirect_dma semaphore(%arg12 : memref<!tpu.dma_semaphore, #tpu.memory_space<semaphore_mem>>) src(%dma_wait3A_89 : memref<10240x128xf32, #tpu.memory_space<vmem_shared>>) dst(%arg10 : memref<64x128xf32, #tpu.memory_space<vmem>>)
        %add3A_90 = arith.addi %mul3A_2, %add3A_25 : i32
        %mul3A_91 = arith.constant 64 : i32
        %mul3A_92 = arith.muli %add3A_90, %mul3A_91 : i32
        %dma_wait3A_93 = arith.constant 0 : i32
        %dma_wait3A_94 = tpu.memref_slice %arg2[%mul3A_92, %dma_wait3A_93] : memref<320000x128xf32, #tpu.memory_space<hbm>> -> memref<64x128xf32, #tpu.memory_space<hbm>>
        %dma_wait3A_95 = arith.constant 0 : i32
        %dma_wait3A_96 = tpu.memref_slice %arg2[%mul3A_92, %dma_wait3A_95] : memref<320000x128xf32, #tpu.memory_space<hbm>> -> memref<64x128xf32, #tpu.memory_space<hbm>>
        tpu.wait_dma2 semaphore(%arg14 : memref<!tpu.dma_semaphore, #tpu.memory_space<semaphore_mem>>) src(%dma_wait3A_96 : memref<64x128xf32, #tpu.memory_space<hbm>>) dst(%arg8 : memref<64x128xf32, #tpu.memory_space<vmem>>)
        %parallel_loop3A = arith.constant 0 : i32
        %parallel_loop3A_97 = arith.constant 64 : i32
        %parallel_loop3A_98 = arith.constant 1 : i32
        scf.for %parallel_loop3A_105 = %parallel_loop3A to %parallel_loop3A_97 step %parallel_loop3A_98  : i32 {
          %parallel_loop3A_106 = arith.index_cast %parallel_loop3A_105 : i32 to index
          %parallel_loop3A_107 = arith.constant 0 : index
          %parallel_loop3A_108 = tpu.vector_load %arg10[%parallel_loop3A_106, %parallel_loop3A_107] {strides = array<i32>} : memref<64x128xf32, #tpu.memory_space<vmem>>, vector<1x16xf32>,
          %parallel_loop3A_109 = vector.shape_cast %parallel_loop3A_108 : vector<1x16xf32> to vector<16xf32>
          %parallel_loop3A_110 = arith.index_cast %parallel_loop3A_105 : i32 to index
          %parallel_loop3A_111 = arith.constant 0 : index
          %parallel_loop3A_112 = tpu.vector_load %arg8[%parallel_loop3A_110, %parallel_loop3A_111] {strides = array<i32>} : memref<64x128xf32, #tpu.memory_space<vmem>>, vector<1x16xf32>,
          %parallel_loop3A_113 = vector.shape_cast %parallel_loop3A_112 : vector<1x16xf32> to vector<16xf32>
          %parallel_loop3A_114 = arith.mulf %parallel_loop3A_109, %parallel_loop3A_113 : vector<16xf32>
          %parallel_loop3A_115 = arith.index_cast %parallel_loop3A_105 : i32 to index
          %parallel_loop3A_116 = arith.constant 0 : index
          %parallel_loop3A_117 = tpu.vector_load %arg10[%parallel_loop3A_115, %parallel_loop3A_116] {strides = array<i32>} : memref<64x128xf32, #tpu.memory_space<vmem>>, vector<1x16xf32>,
          %parallel_loop3A_118 = vector.shape_cast %parallel_loop3A_117 : vector<1x16xf32> to vector<16xf32>
          %parallel_loop3A_119 = vector.shape_cast %parallel_loop3A_114 : vector<16xf32> to vector<1x16xf32>
          tpu.vector_store %arg10[%parallel_loop3A_115, %parallel_loop3A_116], %parallel_loop3A_119 {strides = array<i32>} : memref<64x128xf32, #tpu.memory_space<vmem>>, vector<1x16xf32>,
          %parallel_loop3A_120 = arith.index_cast %parallel_loop3A_105 : i32 to index
          %parallel_loop3A_121 = arith.constant 16 : index
          %parallel_loop3A_122 = tpu.vector_load %arg10[%parallel_loop3A_120, %parallel_loop3A_121] {strides = array<i32>} : memref<64x128xf32, #tpu.memory_space<vmem>>, vector<1x16xf32>,
          %parallel_loop3A_123 = vector.shape_cast %parallel_loop3A_122 : vector<1x16xf32> to vector<16xf32>
          %parallel_loop3A_124 = arith.index_cast %parallel_loop3A_105 : i32 to index
          %parallel_loop3A_125 = arith.constant 16 : index
          %parallel_loop3A_126 = tpu.vector_load %arg8[%parallel_loop3A_124, %parallel_loop3A_125] {strides = array<i32>} : memref<64x128xf32, #tpu.memory_space<vmem>>, vector<1x16xf32>,
          %parallel_loop3A_127 = vector.shape_cast %parallel_loop3A_126 : vector<1x16xf32> to vector<16xf32>
          %parallel_loop3A_128 = arith.mulf %parallel_loop3A_123, %parallel_loop3A_127 : vector<16xf32>
          %parallel_loop3A_129 = arith.index_cast %parallel_loop3A_105 : i32 to index
          %parallel_loop3A_130 = arith.constant 16 : index
          %parallel_loop3A_131 = tpu.vector_load %arg10[%parallel_loop3A_129, %parallel_loop3A_130] {strides = array<i32>} : memref<64x128xf32, #tpu.memory_space<vmem>>, vector<1x16xf32>,
          %parallel_loop3A_132 = vector.shape_cast %parallel_loop3A_131 : vector<1x16xf32> to vector<16xf32>
          %parallel_loop3A_133 = vector.shape_cast %parallel_loop3A_128 : vector<16xf32> to vector<1x16xf32>
          tpu.vector_store %arg10[%parallel_loop3A_129, %parallel_loop3A_130], %parallel_loop3A_133 {strides = array<i32>} : memref<64x128xf32, #tpu.memory_space<vmem>>, vector<1x16xf32>,
          %parallel_loop3A_134 = arith.index_cast %parallel_loop3A_105 : i32 to index
          %parallel_loop3A_135 = arith.constant 32 : index
          %parallel_loop3A_136 = tpu.vector_load %arg10[%parallel_loop3A_134, %parallel_loop3A_135] {strides = array<i32>} : memref<64x128xf32, #tpu.memory_space<vmem>>, vector<1x16xf32>,
          %parallel_loop3A_137 = vector.shape_cast %parallel_loop3A_136 : vector<1x16xf32> to vector<16xf32>
          %parallel_loop3A_138 = arith.index_cast %parallel_loop3A_105 : i32 to index
          %parallel_loop3A_139 = arith.constant 32 : index
          %parallel_loop3A_140 = tpu.vector_load %arg8[%parallel_loop3A_138, %parallel_loop3A_139] {strides = array<i32>} : memref<64x128xf32, #tpu.memory_space<vmem>>, vector<1x16xf32>,
          %parallel_loop3A_141 = vector.shape_cast %parallel_loop3A_140 : vector<1x16xf32> to vector<16xf32>
          %parallel_loop3A_142 = arith.mulf %parallel_loop3A_137, %parallel_loop3A_141 : vector<16xf32>
          %parallel_loop3A_143 = arith.index_cast %parallel_loop3A_105 : i32 to index
          %parallel_loop3A_144 = arith.constant 32 : index
          %parallel_loop3A_145 = tpu.vector_load %arg10[%parallel_loop3A_143, %parallel_loop3A_144] {strides = array<i32>} : memref<64x128xf32, #tpu.memory_space<vmem>>, vector<1x16xf32>,
          %parallel_loop3A_146 = vector.shape_cast %parallel_loop3A_145 : vector<1x16xf32> to vector<16xf32>
          %parallel_loop3A_147 = vector.shape_cast %parallel_loop3A_142 : vector<16xf32> to vector<1x16xf32>
          tpu.vector_store %arg10[%parallel_loop3A_143, %parallel_loop3A_144], %parallel_loop3A_147 {strides = array<i32>} : memref<64x128xf32, #tpu.memory_space<vmem>>, vector<1x16xf32>,
          %parallel_loop3A_148 = arith.index_cast %parallel_loop3A_105 : i32 to index
          %parallel_loop3A_149 = arith.constant 48 : index
          %parallel_loop3A_150 = tpu.vector_load %arg10[%parallel_loop3A_148, %parallel_loop3A_149] {strides = array<i32>} : memref<64x128xf32, #tpu.memory_space<vmem>>, vector<1x16xf32>,
          %parallel_loop3A_151 = vector.shape_cast %parallel_loop3A_150 : vector<1x16xf32> to vector<16xf32>
          %parallel_loop3A_152 = arith.index_cast %parallel_loop3A_105 : i32 to index
          %parallel_loop3A_153 = arith.constant 48 : index
          %parallel_loop3A_154 = tpu.vector_load %arg8[%parallel_loop3A_152, %parallel_loop3A_153] {strides = array<i32>} : memref<64x128xf32, #tpu.memory_space<vmem>>, vector<1x16xf32>,
          %parallel_loop3A_155 = vector.shape_cast %parallel_loop3A_154 : vector<1x16xf32> to vector<16xf32>
          %parallel_loop3A_156 = arith.mulf %parallel_loop3A_151, %parallel_loop3A_155 : vector<16xf32>
          %parallel_loop3A_157 = arith.index_cast %parallel_loop3A_105 : i32 to index
          %parallel_loop3A_158 = arith.constant 48 : index
          %parallel_loop3A_159 = tpu.vector_load %arg10[%parallel_loop3A_157, %parallel_loop3A_158] {strides = array<i32>} : memref<64x128xf32, #tpu.memory_space<vmem>>, vector<1x16xf32>,
          %parallel_loop3A_160 = vector.shape_cast %parallel_loop3A_159 : vector<1x16xf32> to vector<16xf32>
          %parallel_loop3A_161 = vector.shape_cast %parallel_loop3A_156 : vector<16xf32> to vector<1x16xf32>
          tpu.vector_store %arg10[%parallel_loop3A_157, %parallel_loop3A_158], %parallel_loop3A_161 {strides = array<i32>} : memref<64x128xf32, #tpu.memory_space<vmem>>, vector<1x16xf32>,
          %parallel_loop3A_162 = arith.index_cast %parallel_loop3A_105 : i32 to index
          %parallel_loop3A_163 = arith.constant 64 : index
          %parallel_loop3A_164 = tpu.vector_load %arg10[%parallel_loop3A_162, %parallel_loop3A_163] {strides = array<i32>} : memref<64x128xf32, #tpu.memory_space<vmem>>, vector<1x16xf32>,
          %parallel_loop3A_165 = vector.shape_cast %parallel_loop3A_164 : vector<1x16xf32> to vector<16xf32>
          %parallel_loop3A_166 = arith.index_cast %parallel_loop3A_105 : i32 to index
          %parallel_loop3A_167 = arith.constant 64 : index
          %parallel_loop3A_168 = tpu.vector_load %arg8[%parallel_loop3A_166, %parallel_loop3A_167] {strides = array<i32>} : memref<64x128xf32, #tpu.memory_space<vmem>>, vector<1x16xf32>,
          %parallel_loop3A_169 = vector.shape_cast %parallel_loop3A_168 : vector<1x16xf32> to vector<16xf32>
          %parallel_loop3A_170 = arith.mulf %parallel_loop3A_165, %parallel_loop3A_169 : vector<16xf32>
          %parallel_loop3A_171 = arith.index_cast %parallel_loop3A_105 : i32 to index
          %parallel_loop3A_172 = arith.constant 64 : index
          %parallel_loop3A_173 = tpu.vector_load %arg10[%parallel_loop3A_171, %parallel_loop3A_172] {strides = array<i32>} : memref<64x128xf32, #tpu.memory_space<vmem>>, vector<1x16xf32>,
          %parallel_loop3A_174 = vector.shape_cast %parallel_loop3A_173 : vector<1x16xf32> to vector<16xf32>
          %parallel_loop3A_175 = vector.shape_cast %parallel_loop3A_170 : vector<16xf32> to vector<1x16xf32>
          tpu.vector_store %arg10[%parallel_loop3A_171, %parallel_loop3A_172], %parallel_loop3A_175 {strides = array<i32>} : memref<64x128xf32, #tpu.memory_space<vmem>>, vector<1x16xf32>,
          %parallel_loop3A_176 = arith.index_cast %parallel_loop3A_105 : i32 to index
          %parallel_loop3A_177 = arith.constant 80 : index
          %parallel_loop3A_178 = tpu.vector_load %arg10[%parallel_loop3A_176, %parallel_loop3A_177] {strides = array<i32>} : memref<64x128xf32, #tpu.memory_space<vmem>>, vector<1x16xf32>,
          %parallel_loop3A_179 = vector.shape_cast %parallel_loop3A_178 : vector<1x16xf32> to vector<16xf32>
          %parallel_loop3A_180 = arith.index_cast %parallel_loop3A_105 : i32 to index
          %parallel_loop3A_181 = arith.constant 80 : index
          %parallel_loop3A_182 = tpu.vector_load %arg8[%parallel_loop3A_180, %parallel_loop3A_181] {strides = array<i32>} : memref<64x128xf32, #tpu.memory_space<vmem>>, vector<1x16xf32>,
          %parallel_loop3A_183 = vector.shape_cast %parallel_loop3A_182 : vector<1x16xf32> to vector<16xf32>
          %parallel_loop3A_184 = arith.mulf %parallel_loop3A_179, %parallel_loop3A_183 : vector<16xf32>
          %parallel_loop3A_185 = arith.index_cast %parallel_loop3A_105 : i32 to index
          %parallel_loop3A_186 = arith.constant 80 : index
          %parallel_loop3A_187 = tpu.vector_load %arg10[%parallel_loop3A_185, %parallel_loop3A_186] {strides = array<i32>} : memref<64x128xf32, #tpu.memory_space<vmem>>, vector<1x16xf32>,
          %parallel_loop3A_188 = vector.shape_cast %parallel_loop3A_187 : vector<1x16xf32> to vector<16xf32>
          %parallel_loop3A_189 = vector.shape_cast %parallel_loop3A_184 : vector<16xf32> to vector<1x16xf32>
          tpu.vector_store %arg10[%parallel_loop3A_185, %parallel_loop3A_186], %parallel_loop3A_189 {strides = array<i32>} : memref<64x128xf32, #tpu.memory_space<vmem>>, vector<1x16xf32>,
          %parallel_loop3A_190 = arith.index_cast %parallel_loop3A_105 : i32 to index
          %parallel_loop3A_191 = arith.constant 96 : index
          %parallel_loop3A_192 = tpu.vector_load %arg10[%parallel_loop3A_190, %parallel_loop3A_191] {strides = array<i32>} : memref<64x128xf32, #tpu.memory_space<vmem>>, vector<1x16xf32>,
          %parallel_loop3A_193 = vector.shape_cast %parallel_loop3A_192 : vector<1x16xf32> to vector<16xf32>
          %parallel_loop3A_194 = arith.index_cast %parallel_loop3A_105 : i32 to index
          %parallel_loop3A_195 = arith.constant 96 : index
          %parallel_loop3A_196 = tpu.vector_load %arg8[%parallel_loop3A_194, %parallel_loop3A_195] {strides = array<i32>} : memref<64x128xf32, #tpu.memory_space<vmem>>, vector<1x16xf32>,
          %parallel_loop3A_197 = vector.shape_cast %parallel_loop3A_196 : vector<1x16xf32> to vector<16xf32>
          %parallel_loop3A_198 = arith.mulf %parallel_loop3A_193, %parallel_loop3A_197 : vector<16xf32>
          %parallel_loop3A_199 = arith.index_cast %parallel_loop3A_105 : i32 to index
          %parallel_loop3A_200 = arith.constant 96 : index
          %parallel_loop3A_201 = tpu.vector_load %arg10[%parallel_loop3A_199, %parallel_loop3A_200] {strides = array<i32>} : memref<64x128xf32, #tpu.memory_space<vmem>>, vector<1x16xf32>,
          %parallel_loop3A_202 = vector.shape_cast %parallel_loop3A_201 : vector<1x16xf32> to vector<16xf32>
          %parallel_loop3A_203 = vector.shape_cast %parallel_loop3A_198 : vector<16xf32> to vector<1x16xf32>
          tpu.vector_store %arg10[%parallel_loop3A_199, %parallel_loop3A_200], %parallel_loop3A_203 {strides = array<i32>} : memref<64x128xf32, #tpu.memory_space<vmem>>, vector<1x16xf32>,
          %parallel_loop3A_204 = arith.index_cast %parallel_loop3A_105 : i32 to index
          %parallel_loop3A_205 = arith.constant 112 : index
          %parallel_loop3A_206 = tpu.vector_load %arg10[%parallel_loop3A_204, %parallel_loop3A_205] {strides = array<i32>} : memref<64x128xf32, #tpu.memory_space<vmem>>, vector<1x16xf32>,
          %parallel_loop3A_207 = vector.shape_cast %parallel_loop3A_206 : vector<1x16xf32> to vector<16xf32>
          %parallel_loop3A_208 = arith.index_cast %parallel_loop3A_105 : i32 to index
          %parallel_loop3A_209 = arith.constant 112 : index
          %parallel_loop3A_210 = tpu.vector_load %arg8[%parallel_loop3A_208, %parallel_loop3A_209] {strides = array<i32>} : memref<64x128xf32, #tpu.memory_space<vmem>>, vector<1x16xf32>,
          %parallel_loop3A_211 = vector.shape_cast %parallel_loop3A_210 : vector<1x16xf32> to vector<16xf32>
          %parallel_loop3A_212 = arith.mulf %parallel_loop3A_207, %parallel_loop3A_211 : vector<16xf32>
          %parallel_loop3A_213 = arith.index_cast %parallel_loop3A_105 : i32 to index
          %parallel_loop3A_214 = arith.constant 112 : index
          %parallel_loop3A_215 = tpu.vector_load %arg10[%parallel_loop3A_213, %parallel_loop3A_214] {strides = array<i32>} : memref<64x128xf32, #tpu.memory_space<vmem>>, vector<1x16xf32>,
          %parallel_loop3A_216 = vector.shape_cast %parallel_loop3A_215 : vector<1x16xf32> to vector<16xf32>
          %parallel_loop3A_217 = vector.shape_cast %parallel_loop3A_212 : vector<16xf32> to vector<1x16xf32>
          tpu.vector_store %arg10[%parallel_loop3A_213, %parallel_loop3A_214], %parallel_loop3A_217 {strides = array<i32>} : memref<64x128xf32, #tpu.memory_space<vmem>>, vector<1x16xf32>,
        } {sc.loop_unroll_factor = 8 : i64, sc.parallel_access}
        %add3A_99 = arith.addi %mul3A_2, %add3A_25 : i32
        %mul3A_100 = arith.constant 64 : i32
        %mul3A_101 = arith.muli %add3A_99, %mul3A_100 : i32
        %dma_start3A = arith.constant 0 : i32
        %dma_start3A_102 = tpu.memref_slice %arg5[%mul3A_101, %dma_start3A] : memref<320000x128xf32, #tpu.memory_space<hbm>> -> memref<64x128xf32, #tpu.memory_space<hbm>>
        %dma_start3A_103 = arith.constant 0 : i32
        %dma_start3A_104 = tpu.memref_slice %arg5[%mul3A_101, %dma_start3A_103] : memref<320000x128xf32, #tpu.memory_space<hbm>> -> memref<64x128xf32, #tpu.memory_space<hbm>>
        tpu.enqueue_dma source(%arg10 : memref<64x128xf32, #tpu.memory_space<vmem>>) target(%dma_start3A_104 : memref<64x128xf32, #tpu.memory_space<hbm>>) target_semaphore(%arg16 : memref<!tpu.dma_semaphore, #tpu.memory_space<semaphore_mem>>)
      } else {
      }
      %add3A_29 = arith.constant 2 : i32
      %add3A_30 = arith.addi %add3A_25, %add3A_29 : i32
      %sub3A_31 = arith.constant 2 : i32
      %sub3A_32 = arith.subi %add3A_30, %sub3A_31 : i32
      %ge3A = arith.constant 0 : i32
      %ge3A_33 = arith.cmpi sge, %sub3A_32, %ge3A : i32
      %lt3A_34 = arith.cmpi slt, %sub3A_32, %min3A : i32
      %and3A = arith.andi %ge3A_33, %lt3A_34 : i1
      %convert_element_type3A_35 = arith.extui %and3A : i1 to i32
      %cond3A_36 = arith.constant 0 : i32
      %cond3A_37 = arith.cmpi ne, %convert_element_type3A_35, %cond3A_36 : i32
      scf.if %cond3A_37 {
        %add3A_65 = arith.addi %mul3A_2, %sub3A_32 : i32
        %mul3A_66 = arith.constant 64 : i32
        %mul3A_67 = arith.muli %add3A_65, %mul3A_66 : i32
        %dma_wait3A = arith.constant 0 : i32
        %dma_wait3A_68 = tpu.memref_slice %arg5[%mul3A_67, %dma_wait3A] : memref<320000x128xf32, #tpu.memory_space<hbm>> -> memref<64x128xf32, #tpu.memory_space<hbm>>
        %dma_wait3A_69 = arith.constant 0 : i32
        %dma_wait3A_70 = tpu.memref_slice %arg5[%mul3A_67, %dma_wait3A_69] : memref<320000x128xf32, #tpu.memory_space<hbm>> -> memref<64x128xf32, #tpu.memory_space<hbm>>
        tpu.wait_dma2 semaphore(%arg16 : memref<!tpu.dma_semaphore, #tpu.memory_space<semaphore_mem>>) src(%arg10 : memref<64x128xf32, #tpu.memory_space<vmem>>) dst(%dma_wait3A_70 : memref<64x128xf32, #tpu.memory_space<hbm>>)
      } else {
      }
      %lt3A_38 = arith.cmpi slt, %add3A_30, %min3A : i32
      %convert_element_type3A_39 = arith.extui %lt3A_38 : i1 to i32
      %cond3A_40 = arith.constant 0 : i32
      %cond3A_41 = arith.cmpi ne, %convert_element_type3A_39, %cond3A_40 : i32
      scf.if %cond3A_41 {
        %jit3A_65 = arith.constant 2 : i32
        %div3A = arith.divsi %add3A_30, %jit3A_65 : i32
        %sign3A = arith.constant 0 : i32
        %sign3A_66 = arith.cmpi sgt, %add3A_30, %sign3A : i32
        %sign3A_67 = arith.extui %sign3A_66 : i1 to i32
        %sign3A_68 = arith.constant 0 : i32
        %sign3A_69 = arith.cmpi slt, %add3A_30, %sign3A_68 : i32
        %sign3A_70 = arith.extui %sign3A_69 : i1 to i32
        %sign3A_71 = arith.subi %sign3A_67, %sign3A_70 : i32
        %sign3A_72 = arith.constant 0 : i32
        %sign3A_73 = arith.cmpi sgt, %jit3A_65, %sign3A_72 : i32
        %sign3A_74 = arith.extui %sign3A_73 : i1 to i32
        %sign3A_75 = arith.constant 0 : i32
        %sign3A_76 = arith.cmpi slt, %jit3A_65, %sign3A_75 : i32
        %sign3A_77 = arith.extui %sign3A_76 : i1 to i32
        %sign3A_78 = arith.subi %sign3A_74, %sign3A_77 : i32
        %ne3A = arith.cmpi ne, %sign3A_71, %sign3A_78 : i32
        %rem3A = arith.remsi %add3A_30, %jit3A_65 : i32
        %ne3A_79 = arith.constant 0 : i32
        %ne3A_80 = arith.cmpi ne, %rem3A, %ne3A_79 : i32
        %and3A_81 = arith.andi %ne3A, %ne3A_80 : i1
        %sub3A_82 = arith.constant 1 : i32
        %sub3A_83 = arith.subi %div3A, %sub3A_82 : i32
        %select_n3A = arith.select %and3A_81, %sub3A_83, %div3A : i32
        %dma_start3A = arith.constant 0 : i32
        %dma_start3A_84 = arith.constant 0 : i32
        %dma_start3A_85 = tpu.memref_slice %arg7[%select_n3A, %dma_start3A, %dma_start3A_84] : memref<79x1x128xi32, #tpu.memory_space<vmem>> -> memref<1x1x64xi32, #tpu.memory_space<vmem>>
        %dma_start3A_86 = tpu.memref_squeeze %dma_start3A_85 : memref<1x1x64xi32, #tpu.memory_space<vmem>> -> memref<64xi32, #tpu.memory_space<vmem>>
        %dma_start3A_87 = arith.constant 0 : i32
        %dma_start3A_88 = arith.constant 0 : i32
        %dma_start3A_89 = tpu.memref_slice %arg6[%dma_start3A_87, %dma_start3A_88] : memref<10240x128xf32, #tpu.memory_space<vmem_shared>> -> memref<10240x128xf32, #tpu.memory_space<vmem_shared>>
        tpu.enqueue_indirect_dma source(%dma_start3A_89 : memref<10240x128xf32, #tpu.memory_space<vmem_shared>>) target(%arg10 : memref<64x128xf32, #tpu.memory_space<vmem>>) offsets(%dma_start3A_86 : memref<64xi32, #tpu.memory_space<vmem>>) semaphore(%arg12 : memref<!tpu.dma_semaphore, #tpu.memory_space<semaphore_mem>>)
        %add3A_90 = arith.addi %mul3A_2, %add3A_30 : i32
        %mul3A_91 = arith.constant 64 : i32
        %mul3A_92 = arith.muli %add3A_90, %mul3A_91 : i32
        %dma_start3A_93 = arith.constant 0 : i32
        %dma_start3A_94 = tpu.memref_slice %arg2[%mul3A_92, %dma_start3A_93] : memref<320000x128xf32, #tpu.memory_space<hbm>> -> memref<64x128xf32, #tpu.memory_space<hbm>>
        %dma_start3A_95 = arith.constant 0 : i32
        %dma_start3A_96 = tpu.memref_slice %arg2[%mul3A_92, %dma_start3A_95] : memref<320000x128xf32, #tpu.memory_space<hbm>> -> memref<64x128xf32, #tpu.memory_space<hbm>>
        tpu.enqueue_dma source(%dma_start3A_96 : memref<64x128xf32, #tpu.memory_space<hbm>>) target(%arg8 : memref<64x128xf32, #tpu.memory_space<vmem>>) target_semaphore(%arg14 : memref<!tpu.dma_semaphore, #tpu.memory_space<semaphore_mem>>)
      } else {
      }
      %mul3A_42 = arith.constant 2 : i32
      %mul3A_43 = arith.muli %scan3A_21, %mul3A_42 : i32
      %add3A_44 = arith.constant 1 : i32
      %add3A_45 = arith.addi %mul3A_43, %add3A_44 : i32
      %lt3A_46 = arith.cmpi slt, %add3A_45, %min3A : i32
      %convert_element_type3A_47 = arith.extui %lt3A_46 : i1 to i32
      %cond3A_48 = arith.constant 0 : i32
      %cond3A_49 = arith.cmpi ne, %convert_element_type3A_47, %cond3A_48 : i32
      scf.if %cond3A_49 {
        %jit3A_65 = arith.constant 2 : i32
        %div3A = arith.divsi %add3A_45, %jit3A_65 : i32
        %sign3A = arith.constant 0 : i32
        %sign3A_66 = arith.cmpi sgt, %add3A_45, %sign3A : i32
        %sign3A_67 = arith.extui %sign3A_66 : i1 to i32
        %sign3A_68 = arith.constant 0 : i32
        %sign3A_69 = arith.cmpi slt, %add3A_45, %sign3A_68 : i32
        %sign3A_70 = arith.extui %sign3A_69 : i1 to i32
        %sign3A_71 = arith.subi %sign3A_67, %sign3A_70 : i32
        %sign3A_72 = arith.constant 0 : i32
        %sign3A_73 = arith.cmpi sgt, %jit3A_65, %sign3A_72 : i32
        %sign3A_74 = arith.extui %sign3A_73 : i1 to i32
        %sign3A_75 = arith.constant 0 : i32
        %sign3A_76 = arith.cmpi slt, %jit3A_65, %sign3A_75 : i32
        %sign3A_77 = arith.extui %sign3A_76 : i1 to i32
        %sign3A_78 = arith.subi %sign3A_74, %sign3A_77 : i32
        %ne3A = arith.cmpi ne, %sign3A_71, %sign3A_78 : i32
        %rem3A = arith.remsi %add3A_45, %jit3A_65 : i32
        %ne3A_79 = arith.constant 0 : i32
        %ne3A_80 = arith.cmpi ne, %rem3A, %ne3A_79 : i32
        %and3A_81 = arith.andi %ne3A, %ne3A_80 : i1
        %sub3A_82 = arith.constant 1 : i32
        %sub3A_83 = arith.subi %div3A, %sub3A_82 : i32
        %select_n3A = arith.select %and3A_81, %sub3A_83, %div3A : i32
        %dma_wait3A = arith.constant 0 : i32
        %dma_wait3A_84 = arith.constant 64 : i32
        %dma_wait3A_85 = tpu.memref_slice %arg7[%select_n3A, %dma_wait3A, %dma_wait3A_84] : memref<79x1x128xi32, #tpu.memory_space<vmem>> -> memref<1x1x64xi32, #tpu.memory_space<vmem>>
        %dma_wait3A_86 = tpu.memref_squeeze %dma_wait3A_85 : memref<1x1x64xi32, #tpu.memory_space<vmem>> -> memref<64xi32, #tpu.memory_space<vmem>>
        %dma_wait3A_87 = arith.constant 0 : i32
        %dma_wait3A_88 = arith.constant 0 : i32
        %dma_wait3A_89 = tpu.memref_slice %arg6[%dma_wait3A_87, %dma_wait3A_88] : memref<10240x128xf32, #tpu.memory_space<vmem_shared>> -> memref<10240x128xf32, #tpu.memory_space<vmem_shared>>
        tpu.wait_indirect_dma semaphore(%arg13 : memref<!tpu.dma_semaphore, #tpu.memory_space<semaphore_mem>>) src(%dma_wait3A_89 : memref<10240x128xf32, #tpu.memory_space<vmem_shared>>) dst(%arg11 : memref<64x128xf32, #tpu.memory_space<vmem>>)
        %add3A_90 = arith.addi %mul3A_2, %add3A_45 : i32
        %mul3A_91 = arith.constant 64 : i32
        %mul3A_92 = arith.muli %add3A_90, %mul3A_91 : i32
        %dma_wait3A_93 = arith.constant 0 : i32
        %dma_wait3A_94 = tpu.memref_slice %arg2[%mul3A_92, %dma_wait3A_93] : memref<320000x128xf32, #tpu.memory_space<hbm>> -> memref<64x128xf32, #tpu.memory_space<hbm>>
        %dma_wait3A_95 = arith.constant 0 : i32
        %dma_wait3A_96 = tpu.memref_slice %arg2[%mul3A_92, %dma_wait3A_95] : memref<320000x128xf32, #tpu.memory_space<hbm>> -> memref<64x128xf32, #tpu.memory_space<hbm>>
        tpu.wait_dma2 semaphore(%arg15 : memref<!tpu.dma_semaphore, #tpu.memory_space<semaphore_mem>>) src(%dma_wait3A_96 : memref<64x128xf32, #tpu.memory_space<hbm>>) dst(%arg9 : memref<64x128xf32, #tpu.memory_space<vmem>>)
        %parallel_loop3A = arith.constant 0 : i32
        %parallel_loop3A_97 = arith.constant 64 : i32
        %parallel_loop3A_98 = arith.constant 1 : i32
        scf.for %parallel_loop3A_105 = %parallel_loop3A to %parallel_loop3A_97 step %parallel_loop3A_98  : i32 {
          %parallel_loop3A_106 = arith.index_cast %parallel_loop3A_105 : i32 to index
          %parallel_loop3A_107 = arith.constant 0 : index
          %parallel_loop3A_108 = tpu.vector_load %arg11[%parallel_loop3A_106, %parallel_loop3A_107] {strides = array<i32>} : memref<64x128xf32, #tpu.memory_space<vmem>>, vector<1x16xf32>,
          %parallel_loop3A_109 = vector.shape_cast %parallel_loop3A_108 : vector<1x16xf32> to vector<16xf32>
          %parallel_loop3A_110 = arith.index_cast %parallel_loop3A_105 : i32 to index
          %parallel_loop3A_111 = arith.constant 0 : index
          %parallel_loop3A_112 = tpu.vector_load %arg9[%parallel_loop3A_110, %parallel_loop3A_111] {strides = array<i32>} : memref<64x128xf32, #tpu.memory_space<vmem>>, vector<1x16xf32>,
          %parallel_loop3A_113 = vector.shape_cast %parallel_loop3A_112 : vector<1x16xf32> to vector<16xf32>
          %parallel_loop3A_114 = arith.mulf %parallel_loop3A_109, %parallel_loop3A_113 : vector<16xf32>
          %parallel_loop3A_115 = arith.index_cast %parallel_loop3A_105 : i32 to index
          %parallel_loop3A_116 = arith.constant 0 : index
          %parallel_loop3A_117 = tpu.vector_load %arg11[%parallel_loop3A_115, %parallel_loop3A_116] {strides = array<i32>} : memref<64x128xf32, #tpu.memory_space<vmem>>, vector<1x16xf32>,
          %parallel_loop3A_118 = vector.shape_cast %parallel_loop3A_117 : vector<1x16xf32> to vector<16xf32>
          %parallel_loop3A_119 = vector.shape_cast %parallel_loop3A_114 : vector<16xf32> to vector<1x16xf32>
          tpu.vector_store %arg11[%parallel_loop3A_115, %parallel_loop3A_116], %parallel_loop3A_119 {strides = array<i32>} : memref<64x128xf32, #tpu.memory_space<vmem>>, vector<1x16xf32>,
          %parallel_loop3A_120 = arith.index_cast %parallel_loop3A_105 : i32 to index
          %parallel_loop3A_121 = arith.constant 16 : index
          %parallel_loop3A_122 = tpu.vector_load %arg11[%parallel_loop3A_120, %parallel_loop3A_121] {strides = array<i32>} : memref<64x128xf32, #tpu.memory_space<vmem>>, vector<1x16xf32>,
          %parallel_loop3A_123 = vector.shape_cast %parallel_loop3A_122 : vector<1x16xf32> to vector<16xf32>
          %parallel_loop3A_124 = arith.index_cast %parallel_loop3A_105 : i32 to index
          %parallel_loop3A_125 = arith.constant 16 : index
          %parallel_loop3A_126 = tpu.vector_load %arg9[%parallel_loop3A_124, %parallel_loop3A_125] {strides = array<i32>} : memref<64x128xf32, #tpu.memory_space<vmem>>, vector<1x16xf32>,
          %parallel_loop3A_127 = vector.shape_cast %parallel_loop3A_126 : vector<1x16xf32> to vector<16xf32>
          %parallel_loop3A_128 = arith.mulf %parallel_loop3A_123, %parallel_loop3A_127 : vector<16xf32>
          %parallel_loop3A_129 = arith.index_cast %parallel_loop3A_105 : i32 to index
          %parallel_loop3A_130 = arith.constant 16 : index
          %parallel_loop3A_131 = tpu.vector_load %arg11[%parallel_loop3A_129, %parallel_loop3A_130] {strides = array<i32>} : memref<64x128xf32, #tpu.memory_space<vmem>>, vector<1x16xf32>,
          %parallel_loop3A_132 = vector.shape_cast %parallel_loop3A_131 : vector<1x16xf32> to vector<16xf32>
          %parallel_loop3A_133 = vector.shape_cast %parallel_loop3A_128 : vector<16xf32> to vector<1x16xf32>
          tpu.vector_store %arg11[%parallel_loop3A_129, %parallel_loop3A_130], %parallel_loop3A_133 {strides = array<i32>} : memref<64x128xf32, #tpu.memory_space<vmem>>, vector<1x16xf32>,
          %parallel_loop3A_134 = arith.index_cast %parallel_loop3A_105 : i32 to index
          %parallel_loop3A_135 = arith.constant 32 : index
          %parallel_loop3A_136 = tpu.vector_load %arg11[%parallel_loop3A_134, %parallel_loop3A_135] {strides = array<i32>} : memref<64x128xf32, #tpu.memory_space<vmem>>, vector<1x16xf32>,
          %parallel_loop3A_137 = vector.shape_cast %parallel_loop3A_136 : vector<1x16xf32> to vector<16xf32>
          %parallel_loop3A_138 = arith.index_cast %parallel_loop3A_105 : i32 to index
          %parallel_loop3A_139 = arith.constant 32 : index
          %parallel_loop3A_140 = tpu.vector_load %arg9[%parallel_loop3A_138, %parallel_loop3A_139] {strides = array<i32>} : memref<64x128xf32, #tpu.memory_space<vmem>>, vector<1x16xf32>,
          %parallel_loop3A_141 = vector.shape_cast %parallel_loop3A_140 : vector<1x16xf32> to vector<16xf32>
          %parallel_loop3A_142 = arith.mulf %parallel_loop3A_137, %parallel_loop3A_141 : vector<16xf32>
          %parallel_loop3A_143 = arith.index_cast %parallel_loop3A_105 : i32 to index
          %parallel_loop3A_144 = arith.constant 32 : index
          %parallel_loop3A_145 = tpu.vector_load %arg11[%parallel_loop3A_143, %parallel_loop3A_144] {strides = array<i32>} : memref<64x128xf32, #tpu.memory_space<vmem>>, vector<1x16xf32>,
          %parallel_loop3A_146 = vector.shape_cast %parallel_loop3A_145 : vector<1x16xf32> to vector<16xf32>
          %parallel_loop3A_147 = vector.shape_cast %parallel_loop3A_142 : vector<16xf32> to vector<1x16xf32>
          tpu.vector_store %arg11[%parallel_loop3A_143, %parallel_loop3A_144], %parallel_loop3A_147 {strides = array<i32>} : memref<64x128xf32, #tpu.memory_space<vmem>>, vector<1x16xf32>,
          %parallel_loop3A_148 = arith.index_cast %parallel_loop3A_105 : i32 to index
          %parallel_loop3A_149 = arith.constant 48 : index
          %parallel_loop3A_150 = tpu.vector_load %arg11[%parallel_loop3A_148, %parallel_loop3A_149] {strides = array<i32>} : memref<64x128xf32, #tpu.memory_space<vmem>>, vector<1x16xf32>,
          %parallel_loop3A_151 = vector.shape_cast %parallel_loop3A_150 : vector<1x16xf32> to vector<16xf32>
          %parallel_loop3A_152 = arith.index_cast %parallel_loop3A_105 : i32 to index
          %parallel_loop3A_153 = arith.constant 48 : index
          %parallel_loop3A_154 = tpu.vector_load %arg9[%parallel_loop3A_152, %parallel_loop3A_153] {strides = array<i32>} : memref<64x128xf32, #tpu.memory_space<vmem>>, vector<1x16xf32>,
          %parallel_loop3A_155 = vector.shape_cast %parallel_loop3A_154 : vector<1x16xf32> to vector<16xf32>
          %parallel_loop3A_156 = arith.mulf %parallel_loop3A_151, %parallel_loop3A_155 : vector<16xf32>
          %parallel_loop3A_157 = arith.index_cast %parallel_loop3A_105 : i32 to index
          %parallel_loop3A_158 = arith.constant 48 : index
          %parallel_loop3A_159 = tpu.vector_load %arg11[%parallel_loop3A_157, %parallel_loop3A_158] {strides = array<i32>} : memref<64x128xf32, #tpu.memory_space<vmem>>, vector<1x16xf32>,
          %parallel_loop3A_160 = vector.shape_cast %parallel_loop3A_159 : vector<1x16xf32> to vector<16xf32>
          %parallel_loop3A_161 = vector.shape_cast %parallel_loop3A_156 : vector<16xf32> to vector<1x16xf32>
          tpu.vector_store %arg11[%parallel_loop3A_157, %parallel_loop3A_158], %parallel_loop3A_161 {strides = array<i32>} : memref<64x128xf32, #tpu.memory_space<vmem>>, vector<1x16xf32>,
          %parallel_loop3A_162 = arith.index_cast %parallel_loop3A_105 : i32 to index
          %parallel_loop3A_163 = arith.constant 64 : index
          %parallel_loop3A_164 = tpu.vector_load %arg11[%parallel_loop3A_162, %parallel_loop3A_163] {strides = array<i32>} : memref<64x128xf32, #tpu.memory_space<vmem>>, vector<1x16xf32>,
          %parallel_loop3A_165 = vector.shape_cast %parallel_loop3A_164 : vector<1x16xf32> to vector<16xf32>
          %parallel_loop3A_166 = arith.index_cast %parallel_loop3A_105 : i32 to index
          %parallel_loop3A_167 = arith.constant 64 : index
          %parallel_loop3A_168 = tpu.vector_load %arg9[%parallel_loop3A_166, %parallel_loop3A_167] {strides = array<i32>} : memref<64x128xf32, #tpu.memory_space<vmem>>, vector<1x16xf32>,
          %parallel_loop3A_169 = vector.shape_cast %parallel_loop3A_168 : vector<1x16xf32> to vector<16xf32>
          %parallel_loop3A_170 = arith.mulf %parallel_loop3A_165, %parallel_loop3A_169 : vector<16xf32>
          %parallel_loop3A_171 = arith.index_cast %parallel_loop3A_105 : i32 to index
          %parallel_loop3A_172 = arith.constant 64 : index
          %parallel_loop3A_173 = tpu.vector_load %arg11[%parallel_loop3A_171, %parallel_loop3A_172] {strides = array<i32>} : memref<64x128xf32, #tpu.memory_space<vmem>>, vector<1x16xf32>,
          %parallel_loop3A_174 = vector.shape_cast %parallel_loop3A_173 : vector<1x16xf32> to vector<16xf32>
          %parallel_loop3A_175 = vector.shape_cast %parallel_loop3A_170 : vector<16xf32> to vector<1x16xf32>
          tpu.vector_store %arg11[%parallel_loop3A_171, %parallel_loop3A_172], %parallel_loop3A_175 {strides = array<i32>} : memref<64x128xf32, #tpu.memory_space<vmem>>, vector<1x16xf32>,
          %parallel_loop3A_176 = arith.index_cast %parallel_loop3A_105 : i32 to index
          %parallel_loop3A_177 = arith.constant 80 : index
          %parallel_loop3A_178 = tpu.vector_load %arg11[%parallel_loop3A_176, %parallel_loop3A_177] {strides = array<i32>} : memref<64x128xf32, #tpu.memory_space<vmem>>, vector<1x16xf32>,
          %parallel_loop3A_179 = vector.shape_cast %parallel_loop3A_178 : vector<1x16xf32> to vector<16xf32>
          %parallel_loop3A_180 = arith.index_cast %parallel_loop3A_105 : i32 to index
          %parallel_loop3A_181 = arith.constant 80 : index
          %parallel_loop3A_182 = tpu.vector_load %arg9[%parallel_loop3A_180, %parallel_loop3A_181] {strides = array<i32>} : memref<64x128xf32, #tpu.memory_space<vmem>>, vector<1x16xf32>,
          %parallel_loop3A_183 = vector.shape_cast %parallel_loop3A_182 : vector<1x16xf32> to vector<16xf32>
          %parallel_loop3A_184 = arith.mulf %parallel_loop3A_179, %parallel_loop3A_183 : vector<16xf32>
          %parallel_loop3A_185 = arith.index_cast %parallel_loop3A_105 : i32 to index
          %parallel_loop3A_186 = arith.constant 80 : index
          %parallel_loop3A_187 = tpu.vector_load %arg11[%parallel_loop3A_185, %parallel_loop3A_186] {strides = array<i32>} : memref<64x128xf32, #tpu.memory_space<vmem>>, vector<1x16xf32>,
          %parallel_loop3A_188 = vector.shape_cast %parallel_loop3A_187 : vector<1x16xf32> to vector<16xf32>
          %parallel_loop3A_189 = vector.shape_cast %parallel_loop3A_184 : vector<16xf32> to vector<1x16xf32>
          tpu.vector_store %arg11[%parallel_loop3A_185, %parallel_loop3A_186], %parallel_loop3A_189 {strides = array<i32>} : memref<64x128xf32, #tpu.memory_space<vmem>>, vector<1x16xf32>,
          %parallel_loop3A_190 = arith.index_cast %parallel_loop3A_105 : i32 to index
          %parallel_loop3A_191 = arith.constant 96 : index
          %parallel_loop3A_192 = tpu.vector_load %arg11[%parallel_loop3A_190, %parallel_loop3A_191] {strides = array<i32>} : memref<64x128xf32, #tpu.memory_space<vmem>>, vector<1x16xf32>,
          %parallel_loop3A_193 = vector.shape_cast %parallel_loop3A_192 : vector<1x16xf32> to vector<16xf32>
          %parallel_loop3A_194 = arith.index_cast %parallel_loop3A_105 : i32 to index
          %parallel_loop3A_195 = arith.constant 96 : index
          %parallel_loop3A_196 = tpu.vector_load %arg9[%parallel_loop3A_194, %parallel_loop3A_195] {strides = array<i32>} : memref<64x128xf32, #tpu.memory_space<vmem>>, vector<1x16xf32>,
          %parallel_loop3A_197 = vector.shape_cast %parallel_loop3A_196 : vector<1x16xf32> to vector<16xf32>
          %parallel_loop3A_198 = arith.mulf %parallel_loop3A_193, %parallel_loop3A_197 : vector<16xf32>
          %parallel_loop3A_199 = arith.index_cast %parallel_loop3A_105 : i32 to index
          %parallel_loop3A_200 = arith.constant 96 : index
          %parallel_loop3A_201 = tpu.vector_load %arg11[%parallel_loop3A_199, %parallel_loop3A_200] {strides = array<i32>} : memref<64x128xf32, #tpu.memory_space<vmem>>, vector<1x16xf32>,
          %parallel_loop3A_202 = vector.shape_cast %parallel_loop3A_201 : vector<1x16xf32> to vector<16xf32>
          %parallel_loop3A_203 = vector.shape_cast %parallel_loop3A_198 : vector<16xf32> to vector<1x16xf32>
          tpu.vector_store %arg11[%parallel_loop3A_199, %parallel_loop3A_200], %parallel_loop3A_203 {strides = array<i32>} : memref<64x128xf32, #tpu.memory_space<vmem>>, vector<1x16xf32>,
          %parallel_loop3A_204 = arith.index_cast %parallel_loop3A_105 : i32 to index
          %parallel_loop3A_205 = arith.constant 112 : index
          %parallel_loop3A_206 = tpu.vector_load %arg11[%parallel_loop3A_204, %parallel_loop3A_205] {strides = array<i32>} : memref<64x128xf32, #tpu.memory_space<vmem>>, vector<1x16xf32>,
          %parallel_loop3A_207 = vector.shape_cast %parallel_loop3A_206 : vector<1x16xf32> to vector<16xf32>
          %parallel_loop3A_208 = arith.index_cast %parallel_loop3A_105 : i32 to index
          %parallel_loop3A_209 = arith.constant 112 : index
          %parallel_loop3A_210 = tpu.vector_load %arg9[%parallel_loop3A_208, %parallel_loop3A_209] {strides = array<i32>} : memref<64x128xf32, #tpu.memory_space<vmem>>, vector<1x16xf32>,
          %parallel_loop3A_211 = vector.shape_cast %parallel_loop3A_210 : vector<1x16xf32> to vector<16xf32>
          %parallel_loop3A_212 = arith.mulf %parallel_loop3A_207, %parallel_loop3A_211 : vector<16xf32>
          %parallel_loop3A_213 = arith.index_cast %parallel_loop3A_105 : i32 to index
          %parallel_loop3A_214 = arith.constant 112 : index
          %parallel_loop3A_215 = tpu.vector_load %arg11[%parallel_loop3A_213, %parallel_loop3A_214] {strides = array<i32>} : memref<64x128xf32, #tpu.memory_space<vmem>>, vector<1x16xf32>,
          %parallel_loop3A_216 = vector.shape_cast %parallel_loop3A_215 : vector<1x16xf32> to vector<16xf32>
          %parallel_loop3A_217 = vector.shape_cast %parallel_loop3A_212 : vector<16xf32> to vector<1x16xf32>
          tpu.vector_store %arg11[%parallel_loop3A_213, %parallel_loop3A_214], %parallel_loop3A_217 {strides = array<i32>} : memref<64x128xf32, #tpu.memory_space<vmem>>, vector<1x16xf32>,
        } {sc.loop_unroll_factor = 8 : i64, sc.parallel_access}
        %add3A_99 = arith.addi %mul3A_2, %add3A_45 : i32
        %mul3A_100 = arith.constant 64 : i32
        %mul3A_101 = arith.muli %add3A_99, %mul3A_100 : i32
        %dma_start3A = arith.constant 0 : i32
        %dma_start3A_102 = tpu.memref_slice %arg5[%mul3A_101, %dma_start3A] : memref<320000x128xf32, #tpu.memory_space<hbm>> -> memref<64x128xf32, #tpu.memory_space<hbm>>
        %dma_start3A_103 = arith.constant 0 : i32
        %dma_start3A_104 = tpu.memref_slice %arg5[%mul3A_101, %dma_start3A_103] : memref<320000x128xf32, #tpu.memory_space<hbm>> -> memref<64x128xf32, #tpu.memory_space<hbm>>
        tpu.enqueue_dma source(%arg11 : memref<64x128xf32, #tpu.memory_space<vmem>>) target(%dma_start3A_104 : memref<64x128xf32, #tpu.memory_space<hbm>>) target_semaphore(%arg17 : memref<!tpu.dma_semaphore, #tpu.memory_space<semaphore_mem>>)
      } else {
      }
      %add3A_50 = arith.constant 2 : i32
      %add3A_51 = arith.addi %add3A_45, %add3A_50 : i32
      %sub3A_52 = arith.constant 2 : i32
      %sub3A_53 = arith.subi %add3A_51, %sub3A_52 : i32
      %ge3A_54 = arith.constant 0 : i32
      %ge3A_55 = arith.cmpi sge, %sub3A_53, %ge3A_54 : i32
      %lt3A_56 = arith.cmpi slt, %sub3A_53, %min3A : i32
      %and3A_57 = arith.andi %ge3A_55, %lt3A_56 : i1
      %convert_element_type3A_58 = arith.extui %and3A_57 : i1 to i32
      %cond3A_59 = arith.constant 0 : i32
      %cond3A_60 = arith.cmpi ne, %convert_element_type3A_58, %cond3A_59 : i32
      scf.if %cond3A_60 {
        %add3A_65 = arith.addi %mul3A_2, %sub3A_53 : i32
        %mul3A_66 = arith.constant 64 : i32
        %mul3A_67 = arith.muli %add3A_65, %mul3A_66 : i32
        %dma_wait3A = arith.constant 0 : i32
        %dma_wait3A_68 = tpu.memref_slice %arg5[%mul3A_67, %dma_wait3A] : memref<320000x128xf32, #tpu.memory_space<hbm>> -> memref<64x128xf32, #tpu.memory_space<hbm>>
        %dma_wait3A_69 = arith.constant 0 : i32
        %dma_wait3A_70 = tpu.memref_slice %arg5[%mul3A_67, %dma_wait3A_69] : memref<320000x128xf32, #tpu.memory_space<hbm>> -> memref<64x128xf32, #tpu.memory_space<hbm>>
        tpu.wait_dma2 semaphore(%arg17 : memref<!tpu.dma_semaphore, #tpu.memory_space<semaphore_mem>>) src(%arg11 : memref<64x128xf32, #tpu.memory_space<vmem>>) dst(%dma_wait3A_70 : memref<64x128xf32, #tpu.memory_space<hbm>>)
      } else {
      }
      %lt3A_61 = arith.cmpi slt, %add3A_51, %min3A : i32
      %convert_element_type3A_62 = arith.extui %lt3A_61 : i1 to i32
      %cond3A_63 = arith.constant 0 : i32
      %cond3A_64 = arith.cmpi ne, %convert_element_type3A_62, %cond3A_63 : i32
      scf.if %cond3A_64 {
        %jit3A_65 = arith.constant 2 : i32
        %div3A = arith.divsi %add3A_51, %jit3A_65 : i32
        %sign3A = arith.constant 0 : i32
        %sign3A_66 = arith.cmpi sgt, %add3A_51, %sign3A : i32
        %sign3A_67 = arith.extui %sign3A_66 : i1 to i32
        %sign3A_68 = arith.constant 0 : i32
        %sign3A_69 = arith.cmpi slt, %add3A_51, %sign3A_68 : i32
        %sign3A_70 = arith.extui %sign3A_69 : i1 to i32
        %sign3A_71 = arith.subi %sign3A_67, %sign3A_70 : i32
        %sign3A_72 = arith.constant 0 : i32
        %sign3A_73 = arith.cmpi sgt, %jit3A_65, %sign3A_72 : i32
        %sign3A_74 = arith.extui %sign3A_73 : i1 to i32
        %sign3A_75 = arith.constant 0 : i32
        %sign3A_76 = arith.cmpi slt, %jit3A_65, %sign3A_75 : i32
        %sign3A_77 = arith.extui %sign3A_76 : i1 to i32
        %sign3A_78 = arith.subi %sign3A_74, %sign3A_77 : i32
        %ne3A = arith.cmpi ne, %sign3A_71, %sign3A_78 : i32
        %rem3A = arith.remsi %add3A_51, %jit3A_65 : i32
        %ne3A_79 = arith.constant 0 : i32
        %ne3A_80 = arith.cmpi ne, %rem3A, %ne3A_79 : i32
        %and3A_81 = arith.andi %ne3A, %ne3A_80 : i1
        %sub3A_82 = arith.constant 1 : i32
        %sub3A_83 = arith.subi %div3A, %sub3A_82 : i32
        %select_n3A = arith.select %and3A_81, %sub3A_83, %div3A : i32
        %dma_start3A = arith.constant 0 : i32
        %dma_start3A_84 = arith.constant 64 : i32
        %dma_start3A_85 = tpu.memref_slice %arg7[%select_n3A, %dma_start3A, %dma_start3A_84] : memref<79x1x128xi32, #tpu.memory_space<vmem>> -> memref<1x1x64xi32, #tpu.memory_space<vmem>>
        %dma_start3A_86 = tpu.memref_squeeze %dma_start3A_85 : memref<1x1x64xi32, #tpu.memory_space<vmem>> -> memref<64xi32, #tpu.memory_space<vmem>>
        %dma_start3A_87 = arith.constant 0 : i32
        %dma_start3A_88 = arith.constant 0 : i32
        %dma_start3A_89 = tpu.memref_slice %arg6[%dma_start3A_87, %dma_start3A_88] : memref<10240x128xf32, #tpu.memory_space<vmem_shared>> -> memref<10240x128xf32, #tpu.memory_space<vmem_shared>>
        tpu.enqueue_indirect_dma source(%dma_start3A_89 : memref<10240x128xf32, #tpu.memory_space<vmem_shared>>) target(%arg11 : memref<64x128xf32, #tpu.memory_space<vmem>>) offsets(%dma_start3A_86 : memref<64xi32, #tpu.memory_space<vmem>>) semaphore(%arg13 : memref<!tpu.dma_semaphore, #tpu.memory_space<semaphore_mem>>)
        %add3A_90 = arith.addi %mul3A_2, %add3A_51 : i32
        %mul3A_91 = arith.constant 64 : i32
        %mul3A_92 = arith.muli %add3A_90, %mul3A_91 : i32
        %dma_start3A_93 = arith.constant 0 : i32
        %dma_start3A_94 = tpu.memref_slice %arg2[%mul3A_92, %dma_start3A_93] : memref<320000x128xf32, #tpu.memory_space<hbm>> -> memref<64x128xf32, #tpu.memory_space<hbm>>
        %dma_start3A_95 = arith.constant 0 : i32
        %dma_start3A_96 = tpu.memref_slice %arg2[%mul3A_92, %dma_start3A_95] : memref<320000x128xf32, #tpu.memory_space<hbm>> -> memref<64x128xf32, #tpu.memory_space<hbm>>
        tpu.enqueue_dma source(%dma_start3A_96 : memref<64x128xf32, #tpu.memory_space<hbm>>) target(%arg9 : memref<64x128xf32, #tpu.memory_space<vmem>>) target_semaphore(%arg15 : memref<!tpu.dma_semaphore, #tpu.memory_space<semaphore_mem>>)
      } else {
      }
    }
    %scan3A_20 = arith.constant 79 : i32
    return
  }
}

module attributes {stable_mosaic.version = 14 : i64} {
  func.func @_tc_mlp(%arg0: memref<2x10240x128xf32, #tpu.memory_space<vmem>>, %arg1: memref<2x10240x128xf32, #tpu.memory_space<vmem>>, %arg2: memref<128x32xf32, #tpu.memory_space<vmem>>, %arg3: memref<32x128xf32, #tpu.memory_space<vmem>>, %arg4: memref<10240x128xf32, #tpu.memory_space<vmem>>) attributes {dimension_semantics = [], scalar_prefetch = 0 : i64, scratch_operands = 0 : i64, tpu.core_type = #tpu.core_type<tc>} {
    %get3A = arith.constant 0 : index
    %get3A_0 = arith.constant 0 : index
    %get3A_1 = arith.constant 0 : index
    %get3A_2 = vector.load %arg0[%get3A, %get3A_0, %get3A_1] : memref<2x10240x128xf32, #tpu.memory_space<vmem>>, vector<1x10240x128xf32>
    %get3A_3 = vector.shape_cast %get3A_2 : vector<1x10240x128xf32> to vector<10240x128xf32>
    %get3A_4 = arith.constant 1 : index
    %get3A_5 = arith.constant 0 : index
    %get3A_6 = arith.constant 0 : index
    %get3A_7 = vector.load %arg0[%get3A_4, %get3A_5, %get3A_6] : memref<2x10240x128xf32, #tpu.memory_space<vmem>>, vector<1x10240x128xf32>
    %get3A_8 = vector.shape_cast %get3A_7 : vector<1x10240x128xf32> to vector<10240x128xf32>
    %add3A = arith.addf %get3A_3, %get3A_8 : vector<10240x128xf32>
    %get3A_9 = arith.constant 0 : index
    %get3A_10 = arith.constant 0 : index
    %get3A_11 = arith.constant 0 : index
    %get3A_12 = vector.load %arg1[%get3A_9, %get3A_10, %get3A_11] : memref<2x10240x128xf32, #tpu.memory_space<vmem>>, vector<1x10240x1xf32>
    %get3A_13 = vector.shape_cast %get3A_12 : vector<1x10240x1xf32> to vector<10240x1xf32>
    %get3A_14 = arith.constant 1 : index
    %get3A_15 = arith.constant 0 : index
    %get3A_16 = arith.constant 0 : index
    %get3A_17 = vector.load %arg1[%get3A_14, %get3A_15, %get3A_16] : memref<2x10240x128xf32, #tpu.memory_space<vmem>>, vector<1x10240x1xf32>
    %get3A_18 = vector.shape_cast %get3A_17 : vector<1x10240x1xf32> to vector<10240x1xf32>
    %add3A_19 = arith.addf %get3A_13, %get3A_18 : vector<10240x1xf32>
    %max3A = arith.constant 1.000000e+00 : f32
    %max3A_20 = vector.broadcast %max3A : f32 to vector<10240x1xf32>
    %max3A_21 = arith.maximumf %add3A_19, %max3A_20 : vector<10240x1xf32>
    %div3A = vector.broadcast %max3A_21 : vector<10240x1xf32> to vector<10240x128xf32>
    %div3A_22 = arith.divf %add3A, %div3A : vector<10240x128xf32>
    %get3A_23 = arith.constant 0 : index
    %get3A_24 = arith.constant 0 : index
    %get3A_25 = vector.load %arg2[%get3A_23, %get3A_24] : memref<128x32xf32, #tpu.memory_space<vmem>>, vector<128x32xf32>
    %dot_general3A = arith.constant dense<0.000000e+00> : vector<10240x32xf32>
    %dot_general3A_26 = tpu.matmul %div3A_22, %get3A_25, %dot_general3A {dimension_numbers = #tpu.dot_dimension_numbers<[1], [0], [0], [1], [0, 0, 1, 1], [], []>, transpose_lhs_hint = false} : vector<10240x128xf32>, vector<128x32xf32>, vector<10240x32xf32> -> vector<10240x32xf32>
    %max3A_27 = arith.constant 0.000000e+00 : f32
    %max3A_28 = vector.broadcast %max3A_27 : f32 to vector<10240x32xf32>
    %max3A_29 = arith.maximumf %dot_general3A_26, %max3A_28 : vector<10240x32xf32>
    %get3A_30 = arith.constant 0 : index
    %get3A_31 = arith.constant 0 : index
    %get3A_32 = vector.load %arg3[%get3A_30, %get3A_31] : memref<32x128xf32, #tpu.memory_space<vmem>>, vector<32x128xf32>
    %dot_general3A_33 = arith.constant dense<0.000000e+00> : vector<10240x128xf32>
    %dot_general3A_34 = tpu.matmul %max3A_29, %get3A_32, %dot_general3A_33 {dimension_numbers = #tpu.dot_dimension_numbers<[1], [0], [0], [1], [0, 0, 1, 1], [], []>, transpose_lhs_hint = false} : vector<10240x32xf32>, vector<32x128xf32>, vector<10240x128xf32> -> vector<10240x128xf32>
    %logistic3A = arith.negf %dot_general3A_34 : vector<10240x128xf32>
    %logistic3A_35 = math.exp %logistic3A : vector<10240x128xf32>
    %logistic3A_36 = arith.constant 1.000000e+00 : f32
    %logistic3A_37 = vector.broadcast %logistic3A_36 : f32 to vector<10240x128xf32>
    %logistic3A_38 = arith.addf %logistic3A_37, %logistic3A_35 : vector<10240x128xf32>
    %logistic3A_39 = arith.divf %logistic3A_37, %logistic3A_38 : vector<10240x128xf32>
    %swap3A = arith.constant 0 : index
    %swap3A_40 = arith.constant 0 : index
    %swap3A_41 = vector.load %arg4[%swap3A, %swap3A_40] : memref<10240x128xf32, #tpu.memory_space<vmem>>, vector<10240x128xf32>
    tpu.vector_store %arg4[%swap3A, %swap3A_40], %logistic3A_39 {strides = array<i32>} : memref<10240x128xf32, #tpu.memory_space<vmem>>, vector<10240x128xf32>,
    return
  }
}

</mosaic_0001>

<sc_bundles>
// kernel: kernel.12.cloned.1.call-start
scs
__scs_entry_jumppad:
0x0: {  	(pc) =	sbr.rel $0x88, $3  }
0x1: {  	(tag) =	ssettag $0x0;
	lr =	simm.s32 $0x1  }
0x2: {  	[smem:$0x3F9D] =	sst lr;
	_ =	strace $0xD0000000  }
0x3: {  	_ = 	snop  }
0x4: {  	_ = 	snop  }
0x5: {  	_ = 	snop  }
0x6: {  	_ = 	snop  }
0x7: {  	_ = 	snop  }
__scs_overlays_trampoline_lowered:
0x8: {  	[smem:$0x3FAC] =	sst s0  }
0x9: {  	[smem:$0x3FAD] =	sst s1  }
0xa: {  	[smem:$0x3FAE] =	sst s2  }
0xb: {  	[smem:$0x3FAF] =	sst s3  }
0xc: {  	[smem:$0x3FB0] =	sst s4  }
0xd: {  	[smem:$0x3FB1] =	sst s5  }
0xe: {  	[smem:$0x3FB2] =	sst s6  }
0xf: {  	[smem:$0x3FB3] =	sst s7  }
0x10: {  	[smem:$0x3FB4] =	sst s8  }
0x11: {  	[smem:$0x3FB5] =	sst s9;
	s0 =	simm.s32 @!p0 $0x0  }
0x12: {  	s1 =	sld [smem:$0x3F9B];
	s0 =	simm.s32 @p0 $0x1  }
0x13: {  	[smem:$0x3FB6] =	sst s0;
	s0 =	simm.s32 @!p1 $0x0  }
0x14: {  	s2 =	sld [smem:$0x3F9A];
	s0 =	simm.s32 @p1 $0x1  }
0x15: {  	[smem:$0x3FB7] =	sst s0;
	s0 =	simm.s32 @!p2 $0x0  }
0x16: {  	s3 =	sld [smem:$0x3FDB];
	s0 =	simm.s32 @p2 $0x1  }
0x17: {  	s4 =	simm.s32 $0x1BF5;
	[smem:$0x3FB9] =	sst s0  }
0x18: {  	s0 =	sld [smem:$0x3F9C];
	_ =	swait.ge [sflag:s4], $0x0  }
0x19: {  	s7 =	sld [smem:$0x3F9D]  }
0x1a: {  	s8 =	sadd.s32 $0xFFFFE003, lr  }
0x1b: {  	s9 =	sadd.s32 $0xFFFFFEF7, lr;
	s5 =	simm.s32 $0xFFFFFFFF;
	p2 =	slt.u32 s8, $0xFFFFF086  }
0x1c: {  	p1 =	slt.u32 s9, $0xF7A;
	s5 =	simm.s32 @!p2 $0x0  }
0x1d: {  	s5 =	simm.s32 @p1 $0x1;
	p0 =	seq.s32 s7, s2  }
0x1e: {  	s7 =	smul.u32 @!p0 $0xF7A, s2;
	p2 =	seq.s32 @!p0 s5, $0x0  }
0x1f: {  	s9 =	smul.u32 $0xF7A, s1;
	s8 =	simm.s32 @!p0 $0x1BF5;
	p2 =	por !p2, p0  }
0x20: {  	[sflag:s8] =	ssyncset.s32 @!p0 $0xFFFFF086;
	s6 =	sadd.s32 @!p0 s3, s7;
	s7 =	simm.s32 @!p0 $0x108  }
0x21: {  	s3 =	sadd.s32 s3, s9;
	s6 =	sadd.s32 @!p0 $0x88, s6;
	s7 =	simm.s32 @p2 $0x1082  }
0x22: {  	[simem:s7], [sflag:s8] =	dma.local @!p0 [hbm:s6], $0xF7A  }
0x23: {  	s9 =	sor.u32 $0xD0000000, s2;
	s6 =	simm.s32 $0x108;
	_ =	swait.ge @!p0 [sflag:s8], $0x0  }
0x24: {  	s3 =	sadd.s32 $0x88, s3;
	s6 =	simm.s32 @!p1 $0x1082;
	[sflag:s4] =	ssyncset.s32 $0xFFFFF086  }
0x25: {  	[simem:s6], [sflag:s4] =	dma.local [hbm:s3], $0xF7A  }
0x26: {  	[smem:$0x3F9D] =	sst s1;
	(tag) =	ssettag s2;
	_ =	strace s9  }
0x27: {  	s1 =	sld [smem:$0x3FAD]  }
0x28: {  	s2 =	sld [smem:$0x3FAE]  }
0x29: {  	s4 =	sld [smem:$0x3FB0]  }
0x2a: {  	p0 =	seq.s32 s5, $0x0;
	s5 =	sld [smem:$0x3FB1]  }
0x2b: {  	s6 =	sld [smem:$0x3FB2]  }
0x2c: {  	s7 =	sld [smem:$0x3FB3]  }
0x2d: {  	s3 =	simm.s32 $0x108;
	s8 =	sld [smem:$0x3FB4]  }
0x2e: {  	s3 =	simm.s32 @!p0 $0x1082;
	s9 =	sld [smem:$0x3FB5]  }
0x2f: {  	lr =	sadd.s32 s0, s3;
	s0 =	sld [smem:$0x3FAC]  }
0x30: {  	s3 =	sld [smem:$0x3FAF]  }
0x31: {  	[smem:$0x3FB8] =	sst s10  }
0x32: {  	s10 =	sld [smem:$0x3FB6];
	_ =	sdelay $0x3  }
0x33: {  	p0 =	seq.s32 s10, $0x1;
	s10 =	sld [smem:$0x3FB8];
	_ =	sdelay $0x3  }
0x34: {  	[smem:$0x3FB8] =	sst s10  }
0x35: {  	s10 =	sld [smem:$0x3FB7];
	_ =	sdelay $0x3  }
0x36: {  	p1 =	seq.s32 s10, $0x1;
	s10 =	sld [smem:$0x3FB8];
	_ =	sdelay $0x3  }
0x37: {  	[smem:$0x3FB8] =	sst s10  }
0x38: {  	s10 =	sld [smem:$0x3FB9]  }
0x39: {  	_ = 	snop;
	(pc) =	sbr.ind lr, $3  }
0x3a: {  	_ = 	snop  }
0x3b: {  	_ = 	snop  }
0x3c: {  	p2 =	seq.s32 s10, $0x1;
	s10 =	sld [smem:$0x3FB8]  }
0x3d: {  	_ =	shalt  }
0x3e: {  	_ =	shalt  }
0x3f: {  	_ =	shalt  }
0x40: {  	_ =	shalt  }
0x41: {  	_ =	shalt  }
0x42: {  	_ =	shalt  }
0x43: {  	_ =	shalt  }
0x44: {  	_ =	shalt  }
0x45: {  	_ =	shalt  }
0x46: {  	_ =	shalt  }
0x47: {  	_ =	shalt  }
0x48: {  	_ =	shalt  }
0x49: {  	_ =	shalt  }
0x4a: {  	_ =	shalt  }
0x4b: {  	_ =	shalt  }
0x4c: {  	_ =	shalt  }
0x4d: {  	_ =	shalt  }
0x4e: {  	_ =	shalt  }
0x4f: {  	_ =	shalt  }
0x50: {  	_ =	shalt  }
0x51: {  	_ =	shalt  }
0x52: {  	_ =	shalt  }
0x53: {  	_ =	shalt  }
0x54: {  	_ =	shalt  }
0x55: {  	_ =	shalt  }
0x56: {  	_ =	shalt  }
0x57: {  	_ =	shalt  }
0x58: {  	_ =	shalt  }
0x59: {  	_ =	shalt  }
0x5a: {  	_ =	shalt  }
0x5b: {  	_ =	shalt  }
0x5c: {  	_ =	shalt  }
0x5d: {  	_ =	shalt  }
0x5e: {  	_ =	shalt  }
0x5f: {  	_ =	shalt  }
0x60: {  	_ =	shalt  }
0x61: {  	_ =	shalt  }
0x62: {  	_ =	shalt  }
0x63: {  	_ =	shalt  }
0x64: {  	_ =	shalt  }
0x65: {  	_ =	shalt  }
0x66: {  	_ =	shalt  }
0x67: {  	_ =	shalt  }
0x68: {  	_ =	shalt  }
0x69: {  	_ =	shalt  }
0x6a: {  	_ =	shalt  }
0x6b: {  	_ =	shalt  }
0x6c: {  	_ =	shalt  }
0x6d: {  	_ =	shalt  }
0x6e: {  	_ =	shalt  }
0x6f: {  	_ =	shalt  }
0x70: {  	_ =	shalt  }
0x71: {  	_ =	shalt  }
0x72: {  	_ =	shalt  }
0x73: {  	_ =	shalt  }
0x74: {  	_ =	shalt  }
0x75: {  	_ =	shalt  }
0x76: {  	_ =	shalt  }
0x77: {  	_ =	shalt  }
0x78: {  	_ =	shalt  }
0x79: {  	_ =	shalt  }
0x7a: {  	_ =	shalt  }
0x7b: {  	_ =	shalt  }
0x7c: {  	_ =	shalt  }
0x7d: {  	_ =	shalt  }
0x7e: {  	_ =	shalt  }
0x7f: {  	_ =	shalt  }
0x80: {  	_ =	shalt  }
0x81: {  	_ =	shalt  }
0x82: {  	_ =	shalt  }
0x83: {  	_ =	shalt  }
0x84: {  	_ =	shalt  }
0x85: {  	_ =	shalt  }
0x86: {  	_ =	shalt  }
0x87: {  	_ =	shalt  }
.Lfunc_end0:
.L_simem_size_0:
called_computation.2_lowered:
.L_overlay_start_0:
0x88: {  	s2 =	sld [smem:$0x3FD9]  }
0x89: {  	s3 =	sld [smem:$0x3FFE];
	_ =	sdelay $0x1  }
0x8a: {  	s1 =	srdreg.scid  }
0x8b: {  	s0 =	sand.u32 $0x1, s1  }
0x8c: {  	s17 =	sshll.u32 s0, $0xA;
	s2 =	sadd.s32 s3, s2  }
0x8d: {  	s2 =	sadd.s32 s2, s17  }
0x8e: {  	[smem:$0x3FC4] =	sst s2  }
0x8f: {  	_ = 	snop  }
0x90: {  	s2 =	sld [smem:$0x3FC9]  }
0x91: {  	s18 =	sld [smem:$0x3FD0];
	(tm) =	ssettm $0x1  }
0x92: {  	s4 =	sld [smem:$0x3FFB];
	_ =	sdelay $0x3  }
0x93: {  	_ =	strace s4  }
0x94: {  	s4 =	sld [smem:$0x3FFC];
	_ =	sdelay $0x3  }
0x95: {  	_ =	strace s4  }
0x96: {  	s4 =	sld [smem:$0x3FFD];
	_ =	sdelay $0x3  }
0x97: {  	_ =	strace s4  }
0x98: {  	_ =	strace $0x8FFFFFFF  }
0x99: {  	s19 =	sld [smem:$0x3FDB];
	_ =	sdelay $0x1  }
0x9a: {  	s5 =	simm.s32 $_scs_section_size  }
0x9b: {  	s6 =	simm.s32 $_size__tile_overlayer_lowered;
	s7 =	simm.s32 $_tile_overlayer_lowered  }
0x9c: {  	s22 =	simm.s32 $0x1BFF;
	s21 =	sshll.u32 s7, $0x1;
	s4 =	sadd.s32 s5, s19  }
0x9d: {  	s8 =	simm.s32 $0x0;
	s20 =	sshll.u32 s6, $0x1;
	s6 =	sadd.s32 s21, s4  }
0x9e: {  	[timem:s8], [sflag:s22] =	dma.local [hbm:s6], s20  }
0x9f: {  	_ =	swait.ge [sflag:s22], s20  }
0xa0: {  	s5 =	ssub.s32 $0x0, s20;
	[sflag:s22] =	ssyncset.done $0x0  }
0xa1: {  	[sflag:s22] =	ssyncadd.s32 s5;
	_ =	sdelay $0x1  }
0xa2: {  	s23 =	simm.s32 $0x1B8B  }
0xa3: {  	_ =	swait.ge [sflag:s23], $0x1  }
0xa4: {  	[sflag:s23] =	ssyncset.done $0x0  }
0xa5: {  	s25 =	simm.s32 $0x1B8E;
	s24 =	sld [smem:$0x3FFE];
	[sflag:s23] =	ssyncadd.s32 $0xFFFFFFFF  }
0xa6: {  	s26 =	simm.s32 $execute0_lowered;
	[smem:$0x3FD2] =	sst s25  }
0xa7: {  	s6 =	sshll.u32 s26, $0x1;
	_ =	strace $0x8000004C;
	[dreg:$0x1] =	wrdreg $0xFFFFFFFF  }
0xa8: {  	s28 =	simm.s32 $_size_execute0_lowered;
	s4 =	sadd.s32 s4, s6;
	[dreg:$0x0] =	wrdreg $0x0  }
0xa9: {  	s6 =	sshll.u32 s28, $0x1;
	[dreg:$0x2] =	wrdreg s4  }
0xaa: {  	[dreg:$0x3] =	wrdreg s6  }
0xab: {  	[dreg:$0x4] =	wrdreg $0xC0  }
0xac: {  	_ =	task [dreg:s8], $0x5FFFF  }
0xad: {  	[dreg:$0x1] =	wrdreg $0xFFFFFFFF  }
0xae: {  	[dreg:$0x0] =	wrdreg $0x60  }
0xaf: {  	[dreg:$0x2] =	wrdreg s2  }
0xb0: {  	[dreg:$0x3] =	wrdreg s24  }
0xb1: {  	[dreg:$0x4] =	wrdreg s18  }
0xb2: {  	[dreg:$0x5] =	wrdreg $0x0  }
0xb3: {  	[dreg:$0x6] =	wrdreg $0x9  }
0xb4: {  	_ =	task.clear_ibuf [dreg:s8], $0x7FFFF;
	_ =	strace $0x9000004C  }
0xb5: {  	s29 =	simm.s32 $0x9;
	_ =	strace $0x8000004E  }
0xb6: {  	_ =	swait.ge [sflag:s29], $0x1  }
0xb7: {  	[sflag:s29] =	ssyncadd.s32 $0xFFFFFFFF  }
0xb8: {  	_ =	strace $0x9000004E  }
0xb9: {  	_ =	sfence  }
0xba: {  	s30 =	sld [smem:$0x0];
	_ =	sdelay $0x2  }
0xbb: {  	s31 =	sshll.u32 s1, $0xD;
	s1 =	sshrl.u32 s1, $0x2  }
0xbc: {  	s3 =	sand.u32 $0x4000, s31;
	s1 =	sadd.s32 s1, s30  }
0xbd: {  	s0 =	sor.u32 s3, s0;
	s1 =	sshll.u32 s1, $0x11  }
0xbe: {  	s0 =	sor.u32 s1, s0  }
0xbf: {  	s0 =	sadd.s32 $0x8F2B, s0  }
0xc0: {  	[sflag:s0] =	ssyncadd.remote.s32 $0x1  }
0xc1: {  	_ =	sfence.sel $0xFFFF  }
0xc2: {  	[dreg:$0x0] =	wrdreg $0xFFFFFFFF;
	(pc) =	sbr.abs _section_cstart, $3  }
0xc3: {  	[dreg:$0x1] =	wrdreg $0xFFFFFFFF  }
0xc4: {  	_ =	task.clear_ibuf [dreg:s8], $0x2FFFF;
	_ =	strace $0x9FFFFFFF  }
0xc5: {  	(tm) =	ssettm $0x7FFFFFFF  }
tec
execute0_lowered:
.L_overlay_start_1:
0x0: {  	(tag) =	ssettag $0x1  }
0x1: {  	s0 =	rddreg [dreg:$0x0]  }
0x2: {  	s2 =	rddreg [dreg:$0x1]  }
0x3: {  	s1 =	srdreg.scid;
	s3 =	rddreg [dreg:$0x2]  }
0x4: {  	s12 =	stileid.u32;
	s4 =	rddreg [dreg:$0x3];
	s15 =	simm.s32 $0x7  }
0x5: {  	s17 =	simm.s32 $0x40;
	s18 =	simm.s32 $0x1A780;
	s21 =	simm.s32 $0x1C780  }
0x6: {  	s28 =	simm.s32 $0x4;
	s29 =	simm.s32 $0x6;
	s1 =	sand.u32 $0x1, s1  }
0x7: {  	s30 =	simm.s32 $0x0;
	s9 =	smul.u32 $0x2800, s12;
	s5 =	sshll.u32 s1, $0x4  }
0x8: {  	s11 =	smul.u32 $0x50000, s12;
	s31 =	sshll.u32 s12, $0x6;
	s8 =	sor.u32 s12, s5  }
0x9: {  	s1 =	ssub.s32 $0x2, s1;
	s5 =	simm.s32 $0x0;
	s7 =	smul.u32 $0x4F0, s8  }
0xa: {  	s23 =	sshrl.u32 s1, $0x1;
	s25 =	sshrl.u32 s11, $0x2;
	s6 =	smul.u32 $0x9E, s8  }
0xb: {  	[smem:$0x7FF] =	sst s5;
	s1 =	ssub.s32 s1, s23;
	s26 =	smul.u32 $0x27800, s8  }
0xc: {  	s14 =	sadd.s32 s25, s4;
	s23 =	simm.s32 $0x1;
	s25 =	simm.s32 $0x5  }
.Ltmp0:
0xd: {  	_ =	strace $0x8000004D;
	s13 =	smax.u32 s1, $0x1;
	(pc) =	sbr.rel .LBB2_1-.Ltmp0, $4  }
0xe: {  	s14 =	sshrl.u32 s14, $0x3;
	s10 =	sadd.s32 s7, s2;
	s2 =	sadd.s32 s9, s2  }
0xf: {  	s24 =	ssub.s32 $0x1388, s6;
	s9 =	sor.u32 $0x1C07, s31;
	s11 =	sadd.s32 s0, s26  }
0x10: {  	s26 =	simm.s32 $0x2;
	s7 =	smin.u32 s24, $0x9E;
	s8 =	sadd.s32 $0xB200, s2  }
0x11: {  	s10 =	sadd.s32 $0x1400, s10;
	s12 =	sadd.s32 $0x400, s11;
	s24 =	simm.s32 $0x3  }
.LBB2_11:
0x12: {  	s30 =	sadd.s32 $0x1, s30  }
0x13: {  	p0 =	sne.s32 s30, s13  }
.Ltmp1:
0x14: {  	_ = 	snop;
	(pc) =	sbr.rel @!p0 .LBB2_12-.Ltmp1, $1  }
0x15: {  	_ =	sdelay $0x3  }
.LBB2_1:
0x16: {  	[spmem:s14], [sflag:s9] =	dma.local [hbm:s8], $0x2800  }
0x17: {  	_ =	swait.ge [sflag:s15], $0x2800  }
0x18: {  	[sflag:s15] =	ssyncset.done $0x0  }
0x19: {  	s1 =	simm.s32 $0x14000;
	[sflag:s15] =	ssyncadd.s32 $0xFFFFD800  }
0x1a: {  	[tilespmem:s1], [sflag:$0x7] =	stream.linear.gather [hbm4b:s10+s5], $0x2780, $0x38;
	[tilespmem:$0x1E780] =	vst v63  }
0x1b: {  	_ =	swait.ge [sflag:s15], $0x2780  }
0x1c: {  	[sflag:s15] =	ssyncset.done $0x0  }
0x1d: {  	[sflag:s15] =	ssyncadd.s32 $0xFFFFD880  }
0x1e: {  	[bflag:$0x0] =	sbarrier.arrive $0xFFFF  }
0x1f: {  	[tilespmem:s18], [sflag:$0x1] =	stream.indirect.gather [spmem:s4], $0x80, s1, s17, $0xb8;
	[tilespmem:$0x1E780] =	vst v63  }
0x20: {  	s19 =	simm.s32 $0x16780  }
0x21: {  	[tilespmem:s19], [sflag:$0x3] =	stream.linear.gather [hbm4b:s11+s5], $0x2000, $0x38;
	[tilespmem:$0x1E780] =	vst v63  }
.Ltmp2:
0x22: {  	_ = 	snop;
	(pc) =	sbr.rel .LBB2_2-.Ltmp2, $4  }
0x23: {  	s20 =	simm.s32 $0x14040  }
0x24: {  	[tilespmem:s21], [sflag:$0x2] =	stream.indirect.gather [spmem:s4], $0x80, s20, s17, $0xb8;
	[tilespmem:$0x1E780] =	vst v63  }
0x25: {  	s22 =	simm.s32 $0x18780;
	s31 =	simm.s32 $0x0  }
0x26: {  	[tilespmem:s22], [sflag:$0x4] =	stream.linear.gather [hbm4b:s12+s5], $0x2000, $0x38;
	[tilespmem:$0x1E780] =	vst v63  }
.LBB2_10:
0x27: {  	s1 =	sadd.s32 $0x3, s2  }
0x28: {  	p0 =	sge.u32 s1, s7  }
0x29: {  	s31 =	sadd.s32 $0x1, s31;
	s2 =	sshll.u32 @!p0 s1, $0x6;
	s1 =	sadd.s32 @!p0 s6, s1  }
0x2a: {  	s16 =	simm.s32 @!p0 $0x40;
	s2 =	sand.u32 @!p0 $0x7F80, s2;
	s1 =	sshll.u32 @!p0 s1, $0xA  }
0x2b: {  	s19 =	simm.s32 @!p0 $0x1C780;
	s2 =	sadd.s32 @!p0 $0x14040, s2;
	s1 =	sand.u32 @!p0 $0x1FFFFC00, s1  }
0x2c: {  	[tilespmem:s19], [sflag:$0x2] =	stream.indirect.gather @!p0 [spmem:s4], $0x80, s2, s16, $0xb8;
	[tilespmem:$0x1E780] =	vst v63  }
0x2d: {  	s1 =	sadd.s32 @!p0 s0, s1;
	s2 =	simm.s32 @!p0 $0x0;
	s16 =	simm.s32 @!p0 $0x18780  }
0x2e: {  	[tilespmem:s16], [sflag:$0x4] =	stream.linear.gather @!p0 [hbm4b:s1+s2], $0x2000, $0x38;
	[tilespmem:$0x1E780] =	vst v63  }
0x2f: {  	p0 =	sne.s32 s31, $0x4F  }
.Ltmp3:
0x30: {  	_ = 	snop;
	(pc) =	sbr.rel @!p0 .LBB2_11-.Ltmp3, $1  }
0x31: {  	_ =	sdelay $0x3  }
.LBB2_2:
0x32: {  	s2 =	sshll.u32 s31, $0x1  }
0x33: {  	p0 =	sge.u32 s2, s7  }
.Ltmp4:
0x34: {  	_ = 	snop;
	(pc) =	sbr.rel @p0 .LBB2_6-.Ltmp4, $1  }
0x35: {  	_ =	sdelay $0x3  }
0x36: {  	_ =	swait.ge [sflag:s23], $0x2000  }
0x37: {  	[sflag:s23] =	ssyncset.done $0x0  }
0x38: {  	[sflag:s23] =	ssyncadd.s32 $0xFFFFE000  }
0x39: {  	_ =	swait.ge [sflag:s24], $0x2000  }
0x3a: {  	[sflag:s24] =	ssyncset.done $0x0  }
0x3b: {  	s1 =	simm.s32 $0x1A980;
	[sflag:s24] =	ssyncadd.s32 $0xFFFFE000  }
0x3c: {  	s19 =	simm.s32 $0x16980;
	v0 =	vld [tilespmem:s1+$0x180]  }
0x3d: {  	v1 =	vld [tilespmem:s19+$0x180]  }
0x3e: {  	v2 =	vld [tilespmem:s19+$0xFFFFFE00]  }
0x3f: {  	v3 =	vld [tilespmem:s1+$0xFFFFFE80]  }
0x40: {  	v4 =	vld [tilespmem:s19+$0xFFFFFE80]  }
0x41: {  	v5 =	vld [tilespmem:s1+$0xFFFFFF00]  }
0x42: {  	v6 =	vld [tilespmem:s19+$0xFFFFFF00]  }
0x43: {  	v7 =	vld [tilespmem:s19+$0xFFFFFF80]  }
0x44: {  	v9 =	vld [tilespmem:s1+$0x0]  }
0x45: {  	v10 =	vld [tilespmem:s19+$0x0]  }
0x46: {  	v11 =	vld [tilespmem:s1+$0x80]  }
0x47: {  	v12 =	vld [tilespmem:s19+$0x80]  }
0x48: {  	v13 =	vld [tilespmem:s1+$0x100]  }
0x49: {  	v50 =	vld [tilespmem:s1+$0xFFFFFF90]  }
0x4a: {  	v51 =	vld [tilespmem:s1+$0x10]  }
0x4b: {  	v52 =	vld [tilespmem:s1+$0xFFFFFFA0]  }
0x4c: {  	v53 =	vld [tilespmem:s1+$0x20]  }
0x4d: {  	v14 =	vld [tilespmem:s1+$0xA0];
	v0 =	vmul.f32 v1, v0  }
0x4e: {  	v54 =	vld [tilespmem:s1+$0xFFFFFFB0]  }
0x4f: {  	[tilespmem:s1+$0x180] =	vst v0;
	v0 =	vld [tilespmem:s1+$0x190]  }
0x50: {  	v1 =	vld [tilespmem:s19+$0x190]  }
0x51: {  	v55 =	vld [tilespmem:s1+$0x30]  }
0x52: {  	v56 =	vld [tilespmem:s1+$0xFFFFFFC0]  }
0x53: {  	v57 =	vld [tilespmem:s1+$0xC0]  }
0x54: {  	v58 =	vld [tilespmem:s1+$0xFFFFFFD0]  }
0x55: {  	v59 =	vld [tilespmem:s1+$0xD0];
	v0 =	vmul.f32 v1, v0  }
0x56: {  	v1 =	vld [tilespmem:s1+$0xFFFFFF80]  }
0x57: {  	[tilespmem:s1+$0x190] =	vst v0;
	v0 =	vld [tilespmem:s1+$0x1A0]  }
0x58: {  	v8 =	vld [tilespmem:s19+$0x1A0]  }
0x59: {  	v60 =	vld [tilespmem:s1+$0xFFFFFFE0]  }
0x5a: {  	v61 =	vld [tilespmem:s1+$0xE0]  }
0x5b: {  	v62 =	vld [tilespmem:s1+$0xFFFFFE70];
	v1 =	vmul.f32 v7, v1  }
0x5c: {  	v3 =	vmul.f32 v4, v3;
	v4 =	vld [tilespmem:s1+$0xFFFFFE00]  }
0x5d: {  	[tilespmem:s1+$0xFFFFFF80] =	vst v1;
	v1 =	vmul.f32 v12, v11;
	v11 =	vld [tilespmem:s1+$0xFFFFFF10];
	v0 =	vmul.f32 v8, v0  }
0x5e: {  	[tilespmem:s1+$0xFFFFFE80] =	vst v3;
	v8 =	vld [tilespmem:s19+$0x100]  }
0x5f: {  	[tilespmem:s1+$0x1A0] =	vst v0;
	v0 =	vmul.f32 v6, v5;
	v5 =	vld [tilespmem:s1+$0x1B0]  }
0x60: {  	v6 =	vld [tilespmem:s19+$0xFFFFFE90]  }
0x61: {  	v2 =	vmul.f32 v2, v4;
	v3 =	vld [tilespmem:s19+$0x1B0]  }
0x62: {  	[tilespmem:s1+$0xFFFFFF00] =	vst v0;
	v0 =	vmul.f32 v10, v9;
	v9 =	vld [tilespmem:s1+$0xFFFFFE10]  }
0x63: {  	[tilespmem:s1+$0xFFFFFE00] =	vst v2;
	v7 =	vld [tilespmem:s19+$0xFFFFFF10];
	v4 =	vmul.f32 v8, v13  }
0x64: {  	[tilespmem:s1+$0x0] =	vst v0;
	v0 =	vld [tilespmem:s19+$0xFFFFFF90]  }
0x65: {  	[tilespmem:s1+$0x100] =	vst v4;
	v4 =	vld [tilespmem:s19+$0xFFFFFE10]  }
0x66: {  	[tilespmem:s1+$0x80] =	vst v1;
	v1 =	vld [tilespmem:s19+$0x10];
	v3 =	vmul.f32 v3, v5  }
0x67: {  	v5 =	vld [tilespmem:s19+$0x110]  }
0x68: {  	[tilespmem:s1+$0x1B0] =	vst v3;
	v3 =	vld [tilespmem:s1+$0x1C0]  }
0x69: {  	v8 =	vld [tilespmem:s19+$0x1C0]  }
0x6a: {  	v4 =	vmul.f32 v4, v9;
	v9 =	vld [tilespmem:s1+$0x110]  }
0x6b: {  	v2 =	vld [tilespmem:s19+$0x90]  }
0x6c: {  	v10 =	vld [tilespmem:s1+$0xFFFFFE90];
	v0 =	vmul.f32 v0, v50  }
0x6d: {  	v1 =	vmul.f32 v1, v51;
	[tilespmem:s1+$0xFFFFFE10] =	vst v4;
	v4 =	vmul.f32 v7, v11;
	v11 =	vld [tilespmem:s1+$0xFFFFFF20]  }
0x6e: {  	[tilespmem:s1+$0xFFFFFF90] =	vst v0;
	v3 =	vmul.f32 v8, v3;
	v8 =	vld [tilespmem:s1+$0x90]  }
0x6f: {  	[tilespmem:s1+$0x10] =	vst v1;
	v1 =	vmul.f32 v5, v9;
	v5 =	vld [tilespmem:s19+$0xFFFFFFA0]  }
0x70: {  	v9 =	vld [tilespmem:s1+$0xFFFFFE20]  }
0x71: {  	[tilespmem:s1+$0x1C0] =	vst v3;
	v3 =	vmul.f32 v6, v10;
	v6 =	vld [tilespmem:s1+$0x1D0]  }
0x72: {  	v10 =	vld [tilespmem:s1+$0xFFFFFEA0]  }
0x73: {  	v7 =	vld [tilespmem:s19+$0x1D0]  }
0x74: {  	[tilespmem:s1+$0xFFFFFE90] =	vst v3;
	v3 =	vld [tilespmem:s19+$0xFFFFFE20]  }
0x75: {  	[tilespmem:s1+$0xFFFFFF10] =	vst v4;
	v4 =	vld [tilespmem:s19+$0xFFFFFEA0];
	v0 =	vmul.f32 v2, v8  }
0x76: {  	v2 =	vld [tilespmem:s19+$0xFFFFFF20]  }
0x77: {  	v8 =	vld [tilespmem:s19+$0x20];
	[tilespmem:s1+$0x90] =	vst v0  }
0x78: {  	[tilespmem:s1+$0x110] =	vst v1;
	v0 =	vmul.f32 v7, v6;
	v6 =	vld [tilespmem:s19+$0xA0]  }
0x79: {  	v7 =	vld [tilespmem:s19+$0x120]  }
0x7a: {  	[tilespmem:s1+$0x1D0] =	vst v0;
	v0 =	vld [tilespmem:s1+$0x1E0]  }
0x7b: {  	v4 =	vmul.f32 v4, v10;
	v10 =	vld [tilespmem:s1+$0xFFFFFEB0]  }
0x7c: {  	v2 =	vmul.f32 v2, v11;
	v1 =	vld [tilespmem:s19+$0x1E0]  }
0x7d: {  	v11 =	vld [tilespmem:s1+$0xFFFFFF30];
	[tilespmem:s1+$0xFFFFFEA0] =	vst v4;
	v4 =	vmul.f32 v5, v52  }
0x7e: {  	[tilespmem:s1+$0xFFFFFF20] =	vst v2;
	v2 =	vmul.f32 v8, v53;
	v8 =	vld [tilespmem:s19+$0xFFFFFEB0]  }
0x7f: {  	[tilespmem:s1+$0xFFFFFFA0] =	vst v4;
	v4 =	vmul.f32 v6, v14;
	v6 =	vld [tilespmem:s19+$0xFFFFFF30]  }
0x80: {  	[tilespmem:s1+$0x20] =	vst v2;
	v2 =	vld [tilespmem:s19+$0xFFFFFFB0]  }
0x81: {  	v0 =	vmul.f32 v1, v0;
	v1 =	vmul.f32 v3, v9;
	v3 =	vld [tilespmem:s1+$0x120]  }
0x82: {  	[tilespmem:s1+$0xA0] =	vst v4;
	v4 =	vld [tilespmem:s19+$0x30]  }
0x83: {  	[tilespmem:s1+$0x1E0] =	vst v0;
	v0 =	vld [tilespmem:s1+$0x1F0]  }
0x84: {  	v8 =	vmul.f32 v8, v10;
	v10 =	vld [tilespmem:s1+$0x130]  }
0x85: {  	[tilespmem:s1+$0xFFFFFE20] =	vst v1;
	v1 =	vld [tilespmem:s19+$0x1F0]  }
0x86: {  	v5 =	vld [tilespmem:s19+$0xFFFFFE30];
	v3 =	vmul.f32 v7, v3  }
0x87: {  	v7 =	vld [tilespmem:s19+$0xB0]  }
0x88: {  	v6 =	vmul.f32 v6, v11;
	[tilespmem:s1+$0x120] =	vst v3;
	v3 =	vld [tilespmem:s1+$0xFFFFFE30]  }
0x89: {  	[tilespmem:s1+$0xFFFFFEB0] =	vst v8;
	v9 =	vld [tilespmem:s19+$0x130]  }
0x8a: {  	v8 =	vld [tilespmem:s19+$0xFFFFFEC0];
	[tilespmem:s1+$0xFFFFFF30] =	vst v6;
	v0 =	vmul.f32 v1, v0  }
0x8b: {  	v6 =	vld [tilespmem:s19+$0xFFFFFF40]  }
0x8c: {  	v4 =	vmul.f32 v4, v55;
	[tilespmem:s1+$0x1F0] =	vst v0;
	v0 =	vld [tilespmem:s1+$0xF0]  }
0x8d: {  	v3 =	vmul.f32 v5, v3;
	v5 =	vld [tilespmem:s1+$0xB0]  }
0x8e: {  	[tilespmem:s1+$0x30] =	vst v4;
	v4 =	vmul.f32 v9, v10;
	v10 =	vld [tilespmem:s1+$0xFFFFFF40]  }
0x8f: {  	[tilespmem:s1+$0xFFFFFE30] =	vst v3;
	v3 =	vld [tilespmem:s1+$0xFFFFFE40]  }
0x90: {  	v2 =	vmul.f32 v2, v54;
	v11 =	vld [tilespmem:s19+$0xFFFFFE40]  }
0x91: {  	v9 =	vld [tilespmem:s1+$0xFFFFFEC0];
	[tilespmem:s1+$0x130] =	vst v4  }
0x92: {  	[tilespmem:s1+$0xFFFFFFB0] =	vst v2;
	v4 =	vld [tilespmem:s19+$0x140]  }
0x93: {  	v2 =	vmul.f32 v7, v5;
	v5 =	vld [tilespmem:s19+$0xFFFFFFC0]  }
0x94: {  	v7 =	vld [tilespmem:s19+$0x40]  }
0x95: {  	v6 =	vmul.f32 v6, v10;
	v10 =	vld [tilespmem:s1+$0xFFFFFE50];
	v3 =	vmul.f32 v11, v3  }
0x96: {  	[tilespmem:s1+$0xB0] =	vst v2;
	v11 =	vld [tilespmem:s1+$0x40]  }
0x97: {  	v2 =	vld [tilespmem:s19+$0xC0];
	[tilespmem:s1+$0xFFFFFE40] =	vst v3;
	v3 =	vmul.f32 v8, v9  }
0x98: {  	v8 =	vld [tilespmem:s1+$0x140]  }
0x99: {  	v9 =	vld [tilespmem:s19+$0xFFFFFE50];
	[tilespmem:s1+$0xFFFFFEC0] =	vst v3  }
0x9a: {  	[tilespmem:s1+$0xFFFFFF40] =	vst v6;
	v3 =	vmul.f32 v5, v56;
	v5 =	vld [tilespmem:s19+$0xFFFFFED0]  }
0x9b: {  	v6 =	vmul.f32 v7, v11;
	v7 =	vld [tilespmem:s19+$0xFFFFFF50]  }
0x9c: {  	v11 =	vld [tilespmem:s1+$0xFFFFFF50];
	[tilespmem:s1+$0xFFFFFFC0] =	vst v3  }
0x9d: {  	v2 =	vmul.f32 v2, v57;
	v3 =	vld [tilespmem:s19+$0xFFFFFFD0]  }
0x9e: {  	[tilespmem:s1+$0x40] =	vst v6;
	v4 =	vmul.f32 v4, v8;
	v8 =	vld [tilespmem:s1+$0xFFFFFED0]  }
0x9f: {  	[tilespmem:s1+$0xC0] =	vst v2;
	v6 =	vld [tilespmem:s19+$0x50]  }
0xa0: {  	v2 =	vld [tilespmem:s19+$0xD0]  }
0xa1: {  	v9 =	vmul.f32 v9, v10;
	v10 =	vld [tilespmem:s1+$0x50];
	[tilespmem:s1+$0x140] =	vst v4  }
0xa2: {  	v4 =	vld [tilespmem:s19+$0x150]  }
0xa3: {  	[tilespmem:s1+$0xFFFFFE50] =	vst v9;
	v7 =	vmul.f32 v7, v11;
	v11 =	vld [tilespmem:s1+$0xFFFFFE60]  }
0xa4: {  	v9 =	vld [tilespmem:s19+$0xFFFFFE60]  }
0xa5: {  	v5 =	vmul.f32 v5, v8;
	v8 =	vld [tilespmem:s1+$0x150];
	[tilespmem:s1+$0xFFFFFF50] =	vst v7  }
0xa6: {  	v3 =	vmul.f32 v3, v58;
	v7 =	vld [tilespmem:s19+$0xFFFFFF60]  }
0xa7: {  	v6 =	vmul.f32 v6, v10;
	v10 =	vld [tilespmem:s1+$0xFFFFFF60];
	[tilespmem:s1+$0xFFFFFED0] =	vst v5  }
0xa8: {  	v2 =	vmul.f32 v2, v59;
	[tilespmem:s1+$0xFFFFFFD0] =	vst v3;
	v5 =	vld [tilespmem:s19+$0xFFFFFEE0]  }
0xa9: {  	v3 =	vld [tilespmem:s19+$0xFFFFFFE0];
	[tilespmem:s1+$0x50] =	vst v6  }
0xaa: {  	[tilespmem:s1+$0xD0] =	vst v2;
	v6 =	vld [tilespmem:s19+$0x60]  }
0xab: {  	v2 =	vld [tilespmem:s19+$0xE0]  }
0xac: {  	v9 =	vmul.f32 v9, v11;
	v4 =	vmul.f32 v4, v8;
	v8 =	vld [tilespmem:s1+$0xFFFFFEE0]  }
0xad: {  	v11 =	vld [tilespmem:s1+$0x60]  }
0xae: {  	[tilespmem:s1+$0xFFFFFE60] =	vst v9;
	v9 =	vld [tilespmem:s1+$0xFFFFFF70]  }
0xaf: {  	v7 =	vmul.f32 v7, v10;
	[tilespmem:s1+$0x150] =	vst v4;
	v10 =	vld [tilespmem:s19+$0xFFFFFE70];
	v3 =	vmul.f32 v3, v60  }
0xb0: {  	v4 =	vld [tilespmem:s19+$0x160]  }
0xb1: {  	v5 =	vmul.f32 v5, v8;
	v8 =	vld [tilespmem:s1+$0x160];
	[tilespmem:s1+$0xFFFFFFE0] =	vst v3  }
0xb2: {  	[tilespmem:s1+$0xFFFFFF60] =	vst v7;
	v3 =	vld [tilespmem:s19+$0xFFFFFFF0]  }
0xb3: {  	v2 =	vmul.f32 v2, v61;
	[tilespmem:s1+$0xFFFFFEE0] =	vst v5;
	v5 =	vmul.f32 v6, v11;
	v6 =	vld [tilespmem:s19+$0xFFFFFF70]  }
0xb4: {  	v11 =	vld [tilespmem:s1+$0xFFFFFEF0]  }
0xb5: {  	[tilespmem:s1+$0xE0] =	vst v2;
	v63 =	vld [tilespmem:s19+$0xFFFFFEF0]  }
0xb6: {  	[tilespmem:s1+$0x60] =	vst v5;
	v5 =	vld [tilespmem:s19+$0xF0]  }
0xb7: {  	v7 =	vmul.f32 v4, v8;
	v4 =	vld [tilespmem:s19+$0x70]  }
0xb8: {  	v1 =	vmul.f32 v10, v62;
	v8 =	vld [tilespmem:s1+$0xFFFFFFF0]  }
0xb9: {  	[tilespmem:s1+$0x160] =	vst v7;
	v7 =	vld [tilespmem:s1+$0x70]  }
0xba: {  	[tilespmem:s1+$0xFFFFFE70] =	vst v1;
	v1 =	vld [tilespmem:s1+$0x170]  }
0xbb: {  	s20 =	simm.s32 $0x0;
	s22 =	simm.s32 $0x1AD80;
	v2 =	vld [tilespmem:s19+$0x170];
	v10 =	vmul.f32 v63, v11  }
.LBB2_4:
0xbc: {  	v11 =	vld [tilespmem:s22+$0x180];
	v6 =	vmul.f32 v6, v9;
	s19 =	sadd.s32 $0x400, s19  }
0xbd: {  	s20 =	sadd.s32 $0x8, s20;
	v9 =	vld [tilespmem:s19+$0x180];
	[tilespmem:s1+$0xFFFFFEF0] =	vst v10;
	v3 =	vmul.f32 v3, v8  }
0xbe: {  	p0 =	slt.u32 s20, $0x38;
	v8 =	vld [tilespmem:s19+$0xFFFFFE00];
	[tilespmem:s1+$0xFFFFFF70] =	vst v6;
	v4 =	vmul.f32 v4, v7  }
0xbf: {  	v6 =	vld [tilespmem:s22+$0xFFFFFE80];
	[tilespmem:s1+$0xFFFFFFF0] =	vst v3;
	v0 =	vmul.f32 v5, v0  }
0xc0: {  	v3 =	vld [tilespmem:s19+$0xFFFFFE80];
	[tilespmem:s1+$0x70] =	vst v4;
	v1 =	vmul.f32 v2, v1  }
0xc1: {  	v2 =	vld [tilespmem:s22+$0xFFFFFF00];
	[tilespmem:s1+$0xF0] =	vst v0  }
0xc2: {  	v0 =	vld [tilespmem:s19+$0xFFFFFF00];
	v4 =	vmul.f32 v9, v11;
	[tilespmem:s1+$0x170] =	vst v1;
	s1 =	smov.u32 s22  }
0xc3: {  	v1 =	vld [tilespmem:s22+$0xFFFFFF80]  }
0xc4: {  	[tilespmem:s22+$0x180] =	vst v4;
	v4 =	vld [tilespmem:s22+$0x190]  }
0xc5: {  	v3 =	vmul.f32 v3, v6;
	v5 =	vld [tilespmem:s19+$0x190]  }
0xc6: {  	v6 =	vld [tilespmem:s19+$0xFFFFFF80]  }
0xc7: {  	[tilespmem:s22+$0xFFFFFE80] =	vst v3;
	v0 =	vmul.f32 v0, v2;
	v2 =	vld [tilespmem:s22+$0x0]  }
0xc8: {  	v3 =	vld [tilespmem:s19+$0x0]  }
0xc9: {  	[tilespmem:s22+$0xFFFFFF00] =	vst v0;
	v0 =	vld [tilespmem:s22+$0x80]  }
0xca: {  	v7 =	vld [tilespmem:s19+$0x80];
	v4 =	vmul.f32 v5, v4  }
0xcb: {  	v1 =	vmul.f32 v6, v1;
	v5 =	vld [tilespmem:s22+$0x100]  }
0xcc: {  	[tilespmem:s22+$0x190] =	vst v4;
	v4 =	vld [tilespmem:s22+$0x1A0]  }
0xcd: {  	[tilespmem:s22+$0xFFFFFF80] =	vst v1;
	v1 =	vmul.f32 v3, v2;
	v2 =	vld [tilespmem:s19+$0x1A0]  }
0xce: {  	v3 =	vld [tilespmem:s19+$0x100]  }
0xcf: {  	v6 =	vld [tilespmem:s22+$0xFFFFFE00];
	[tilespmem:s22+$0x0] =	vst v1;
	v0 =	vmul.f32 v7, v0  }
0xd0: {  	v1 =	vld [tilespmem:s19+$0xFFFFFE90]  }
0xd1: {  	v7 =	vld [tilespmem:s19+$0xFFFFFF10];
	[tilespmem:s22+$0x80] =	vst v0  }
0xd2: {  	v0 =	vld [tilespmem:s19+$0xFFFFFF90];
	v2 =	vmul.f32 v2, v4  }
0xd3: {  	v4 =	vld [tilespmem:s19+$0x10];
	v3 =	vmul.f32 v3, v5  }
0xd4: {  	v5 =	vmul.f32 v8, v6;
	[tilespmem:s22+$0x1A0] =	vst v2;
	v2 =	vld [tilespmem:s22+$0x1B0]  }
0xd5: {  	[tilespmem:s22+$0x100] =	vst v3;
	v3 =	vld [tilespmem:s19+$0x1B0]  }
0xd6: {  	[tilespmem:s22+$0xFFFFFE00] =	vst v5;
	v5 =	vld [tilespmem:s19+$0x90]  }
0xd7: {  	v6 =	vld [tilespmem:s19+$0xFFFFFE10]  }
0xd8: {  	v8 =	vld [tilespmem:s19+$0x110]  }
0xd9: {  	v9 =	vld [tilespmem:s22+$0xFFFFFE10]  }
0xda: {  	v10 =	vld [tilespmem:s22+$0xFFFFFE90];
	v2 =	vmul.f32 v3, v2  }
0xdb: {  	v3 =	vld [tilespmem:s22+$0xFFFFFF10]  }
0xdc: {  	[tilespmem:s22+$0x1B0] =	vst v2;
	v2 =	vld [tilespmem:s22+$0x1C0]  }
0xdd: {  	v11 =	vld [tilespmem:s19+$0x1C0]  }
0xde: {  	v6 =	vmul.f32 v6, v9;
	v9 =	vld [tilespmem:s22+$0xFFFFFF90]  }
0xdf: {  	v1 =	vmul.f32 v1, v10;
	v10 =	vld [tilespmem:s22+$0x10]  }
0xe0: {  	[tilespmem:s22+$0xFFFFFE10] =	vst v6;
	v3 =	vmul.f32 v7, v3;
	v6 =	vld [tilespmem:s22+$0x90]  }
0xe1: {  	[tilespmem:s22+$0xFFFFFE90] =	vst v1;
	v1 =	vld [tilespmem:s22+$0x110]  }
0xe2: {  	v7 =	vld [tilespmem:s19+$0xFFFFFE20];
	[tilespmem:s22+$0xFFFFFF10] =	vst v3;
	v2 =	vmul.f32 v11, v2  }
0xe3: {  	v3 =	vld [tilespmem:s19+$0xFFFFFEA0];
	v0 =	vmul.f32 v0, v9  }
0xe4: {  	v4 =	vmul.f32 v4, v10;
	[tilespmem:s22+$0x1C0] =	vst v2;
	v2 =	vld [tilespmem:s22+$0x1D0]  }
0xe5: {  	[tilespmem:s22+$0xFFFFFF90] =	vst v0;
	v0 =	vmul.f32 v5, v6;
	v5 =	vld [tilespmem:s19+$0x1D0]  }
0xe6: {  	v6 =	vld [tilespmem:s19+$0xFFFFFF20];
	[tilespmem:s22+$0x10] =	vst v4;
	v1 =	vmul.f32 v8, v1  }
0xe7: {  	v4 =	vld [tilespmem:s19+$0xFFFFFFA0];
	[tilespmem:s22+$0x90] =	vst v0  }
0xe8: {  	v0 =	vld [tilespmem:s19+$0x20];
	[tilespmem:s22+$0x110] =	vst v1  }
0xe9: {  	v1 =	vld [tilespmem:s19+$0xA0]  }
0xea: {  	v8 =	vld [tilespmem:s19+$0x120];
	v2 =	vmul.f32 v5, v2  }
0xeb: {  	v5 =	vld [tilespmem:s22+$0xFFFFFE20]  }
0xec: {  	[tilespmem:s22+$0x1D0] =	vst v2;
	v2 =	vld [tilespmem:s22+$0x1E0]  }
0xed: {  	v9 =	vld [tilespmem:s19+$0x1E0]  }
0xee: {  	v10 =	vld [tilespmem:s22+$0xFFFFFEA0]  }
0xef: {  	v11 =	vld [tilespmem:s22+$0xFFFFFF20]  }
0xf0: {  	v5 =	vmul.f32 v7, v5;
	v7 =	vld [tilespmem:s22+$0xFFFFFFA0]  }
0xf1: {  	v12 =	vld [tilespmem:s22+$0x20]  }
0xf2: {  	[tilespmem:s22+$0xFFFFFE20] =	vst v5;
	v5 =	vld [tilespmem:s22+$0xA0];
	v2 =	vmul.f32 v9, v2  }
0xf3: {  	v3 =	vmul.f32 v3, v10;
	v9 =	vld [tilespmem:s22+$0x120]  }
0xf4: {  	v6 =	vmul.f32 v6, v11;
	[tilespmem:s22+$0x1E0] =	vst v2;
	v2 =	vld [tilespmem:s22+$0x1F0]  }
0xf5: {  	[tilespmem:s22+$0xFFFFFEA0] =	vst v3;
	v3 =	vmul.f32 v4, v7;
	v4 =	vld [tilespmem:s19+$0x1F0]  }
0xf6: {  	v7 =	vld [tilespmem:s19+$0xFFFFFE30];
	[tilespmem:s22+$0xFFFFFF20] =	vst v6;
	v0 =	vmul.f32 v0, v12  }
0xf7: {  	v6 =	vld [tilespmem:s19+$0xFFFFFEB0];
	[tilespmem:s22+$0xFFFFFFA0] =	vst v3;
	v1 =	vmul.f32 v1, v5  }
0xf8: {  	v3 =	vld [tilespmem:s19+$0xFFFFFF30];
	[tilespmem:s22+$0x20] =	vst v0;
	v0 =	vmul.f32 v8, v9  }
0xf9: {  	v5 =	vld [tilespmem:s19+$0xFFFFFFB0];
	[tilespmem:s22+$0xA0] =	vst v1  }
0xfa: {  	v1 =	vld [tilespmem:s19+$0x30];
	[tilespmem:s22+$0x120] =	vst v0;
	v0 =	vmul.f32 v4, v2  }
0xfb: {  	v2 =	vld [tilespmem:s19+$0xB0]  }
0xfc: {  	v4 =	vld [tilespmem:s19+$0x130];
	[tilespmem:s22+$0x1F0] =	vst v0  }
0xfd: {  	v0 =	vld [tilespmem:s22+$0xFFFFFE30]  }
0xfe: {  	v8 =	vld [tilespmem:s22+$0xFFFFFEB0]  }
0xff: {  	v9 =	vld [tilespmem:s22+$0xFFFFFF30]  }
0x100: {  	v10 =	vld [tilespmem:s22+$0xFFFFFFB0]  }
0x101: {  	v11 =	vld [tilespmem:s22+$0x30]  }
0x102: {  	v0 =	vmul.f32 v7, v0;
	v7 =	vld [tilespmem:s22+$0xB0]  }
0x103: {  	v6 =	vmul.f32 v6, v8;
	v8 =	vld [tilespmem:s22+$0x130]  }
0x104: {  	[tilespmem:s22+$0xFFFFFE30] =	vst v0;
	v0 =	vld [tilespmem:s22+$0xFFFFFE40];
	v3 =	vmul.f32 v3, v9  }
0x105: {  	v9 =	vld [tilespmem:s19+$0xFFFFFE40];
	[tilespmem:s22+$0xFFFFFEB0] =	vst v6;
	v5 =	vmul.f32 v5, v10  }
0x106: {  	v6 =	vld [tilespmem:s19+$0xFFFFFEC0];
	[tilespmem:s22+$0xFFFFFF30] =	vst v3;
	v1 =	vmul.f32 v1, v11  }
0x107: {  	v3 =	vld [tilespmem:s19+$0xFFFFFF40];
	[tilespmem:s22+$0xFFFFFFB0] =	vst v5;
	v2 =	vmul.f32 v2, v7  }
0x108: {  	v5 =	vld [tilespmem:s19+$0xFFFFFFC0];
	[tilespmem:s22+$0x30] =	vst v1;
	v1 =	vmul.f32 v4, v8  }
0x109: {  	v4 =	vld [tilespmem:s19+$0x40];
	[tilespmem:s22+$0xB0] =	vst v2  }
0x10a: {  	v0 =	vmul.f32 v9, v0;
	v2 =	vld [tilespmem:s19+$0xC0];
	[tilespmem:s22+$0x130] =	vst v1  }
0x10b: {  	v1 =	vld [tilespmem:s19+$0x140]  }
0x10c: {  	[tilespmem:s22+$0xFFFFFE40] =	vst v0;
	v0 =	vld [tilespmem:s22+$0xFFFFFEC0]  }
0x10d: {  	v7 =	vld [tilespmem:s22+$0xFFFFFF40]  }
0x10e: {  	v8 =	vld [tilespmem:s22+$0xFFFFFFC0]  }
0x10f: {  	v9 =	vld [tilespmem:s22+$0x40]  }
0x110: {  	v10 =	vld [tilespmem:s22+$0xC0]  }
0x111: {  	v0 =	vmul.f32 v6, v0;
	v6 =	vld [tilespmem:s22+$0x140]  }
0x112: {  	v11 =	vld [tilespmem:s19+$0xFFFFFE50];
	v3 =	vmul.f32 v3, v7  }
0x113: {  	v7 =	vld [tilespmem:s22+$0xFFFFFE50];
	[tilespmem:s22+$0xFFFFFEC0] =	vst v0;
	v0 =	vmul.f32 v5, v8  }
0x114: {  	v5 =	vld [tilespmem:s19+$0xFFFFFED0];
	[tilespmem:s22+$0xFFFFFF40] =	vst v3;
	v3 =	vmul.f32 v4, v9  }
0x115: {  	v4 =	vld [tilespmem:s19+$0xFFFFFF50];
	[tilespmem:s22+$0xFFFFFFC0] =	vst v0;
	v0 =	vmul.f32 v2, v10  }
0x116: {  	v2 =	vld [tilespmem:s19+$0xFFFFFFD0];
	[tilespmem:s22+$0x40] =	vst v3;
	v1 =	vmul.f32 v1, v6  }
0x117: {  	v3 =	vld [tilespmem:s19+$0x50];
	[tilespmem:s22+$0xC0] =	vst v0  }
0x118: {  	v0 =	vmul.f32 v11, v7;
	v6 =	vld [tilespmem:s19+$0xD0];
	[tilespmem:s22+$0x140] =	vst v1  }
0x119: {  	v1 =	vld [tilespmem:s19+$0x150]  }
0x11a: {  	[tilespmem:s22+$0xFFFFFE50] =	vst v0;
	v0 =	vld [tilespmem:s22+$0xFFFFFED0]  }
0x11b: {  	v7 =	vld [tilespmem:s22+$0xFFFFFF50]  }
0x11c: {  	v8 =	vld [tilespmem:s22+$0xFFFFFFD0]  }
0x11d: {  	v9 =	vld [tilespmem:s22+$0x50]  }
0x11e: {  	v10 =	vld [tilespmem:s22+$0xD0]  }
0x11f: {  	v0 =	vmul.f32 v5, v0;
	v5 =	vld [tilespmem:s22+$0x150]  }
0x120: {  	v11 =	vld [tilespmem:s19+$0xFFFFFE60];
	v4 =	vmul.f32 v4, v7  }
0x121: {  	v7 =	vld [tilespmem:s22+$0xFFFFFE60];
	[tilespmem:s22+$0xFFFFFED0] =	vst v0;
	v0 =	vmul.f32 v2, v8  }
0x122: {  	v2 =	vld [tilespmem:s19+$0xFFFFFEE0];
	[tilespmem:s22+$0xFFFFFF50] =	vst v4;
	v3 =	vmul.f32 v3, v9  }
0x123: {  	v4 =	vld [tilespmem:s19+$0xFFFFFF60];
	[tilespmem:s22+$0xFFFFFFD0] =	vst v0;
	v0 =	vmul.f32 v6, v10  }
0x124: {  	v6 =	vld [tilespmem:s19+$0xFFFFFFE0];
	[tilespmem:s22+$0x50] =	vst v3;
	v1 =	vmul.f32 v1, v5  }
0x125: {  	v3 =	vld [tilespmem:s19+$0x60];
	[tilespmem:s22+$0xD0] =	vst v0  }
0x126: {  	v0 =	vmul.f32 v11, v7;
	v5 =	vld [tilespmem:s19+$0xE0];
	[tilespmem:s22+$0x150] =	vst v1  }
0x127: {  	v1 =	vld [tilespmem:s19+$0x160]  }
0x128: {  	[tilespmem:s22+$0xFFFFFE60] =	vst v0;
	v0 =	vld [tilespmem:s22+$0xFFFFFEE0]  }
0x129: {  	v7 =	vld [tilespmem:s22+$0xFFFFFF60]  }
0x12a: {  	v8 =	vld [tilespmem:s22+$0xFFFFFFE0]  }
0x12b: {  	v9 =	vld [tilespmem:s22+$0x60]  }
0x12c: {  	v10 =	vld [tilespmem:s22+$0xE0]  }
0x12d: {  	v0 =	vmul.f32 v2, v0;
	v2 =	vld [tilespmem:s22+$0x160]  }
0x12e: {  	v11 =	vld [tilespmem:s19+$0xFFFFFE70];
	v4 =	vmul.f32 v4, v7  }
0x12f: {  	v7 =	vld [tilespmem:s22+$0xFFFFFE70];
	[tilespmem:s22+$0xFFFFFEE0] =	vst v0;
	v0 =	vmul.f32 v6, v8  }
0x130: {  	v12 =	vld [tilespmem:s19+$0xFFFFFEF0];
	[tilespmem:s22+$0xFFFFFF60] =	vst v4;
	v4 =	vmul.f32 v3, v9  }
0x131: {  	v6 =	vld [tilespmem:s19+$0xFFFFFF70];
	[tilespmem:s22+$0xFFFFFFE0] =	vst v0;
	v0 =	vmul.f32 v5, v10  }
0x132: {  	v3 =	vld [tilespmem:s19+$0xFFFFFFF0];
	[tilespmem:s22+$0x60] =	vst v4;
	v1 =	vmul.f32 v1, v2  }
0x133: {  	v4 =	vld [tilespmem:s19+$0x70];
	[tilespmem:s22+$0xE0] =	vst v0  }
0x134: {  	v0 =	vmul.f32 v11, v7;
	v5 =	vld [tilespmem:s19+$0xF0];
	[tilespmem:s22+$0x160] =	vst v1  }
0x135: {  	v2 =	vld [tilespmem:s19+$0x170]  }
0x136: {  	[tilespmem:s22+$0xFFFFFE70] =	vst v0;
	v1 =	vld [tilespmem:s22+$0xFFFFFEF0]  }
.Ltmp5:
0x137: {  	v9 =	vld [tilespmem:s22+$0xFFFFFF70];
	(pc) =	sbr.rel @p0 .LBB2_4-.Ltmp5, $4  }
0x138: {  	v8 =	vld [tilespmem:s22+$0xFFFFFFF0]  }
0x139: {  	v7 =	vld [tilespmem:s22+$0x70]  }
0x13a: {  	v0 =	vld [tilespmem:s22+$0xF0]  }
0x13b: {  	s22 =	sadd.s32 $0x400, s22;
	v10 =	vmul.f32 v12, v1;
	v1 =	vld [tilespmem:s1+$0x170]  }
0x13c: {  	v6 =	vmul.f32 v6, v9  }
0x13d: {  	[tilespmem:s1+$0xFFFFFEF0] =	vst v10;
	v3 =	vmul.f32 v3, v8  }
0x13e: {  	[tilespmem:s1+$0xFFFFFF70] =	vst v6;
	v4 =	vmul.f32 v4, v7  }
0x13f: {  	[tilespmem:s1+$0xFFFFFFF0] =	vst v3;
	v0 =	vmul.f32 v5, v0  }
0x140: {  	s16 =	sadd.s32 s6, s2;
	[tilespmem:s1+$0x70] =	vst v4;
	v1 =	vmul.f32 v2, v1  }
0x141: {  	s16 =	sshll.u32 s16, $0xA;
	[tilespmem:s1+$0xF0] =	vst v0  }
0x142: {  	s22 =	sadd.s32 s3, s16;
	[tilespmem:s1+$0x170] =	vst v1  }
0x143: {  	[hbm4b:s22+s5] =	stream.linear.scatter [tilespmem:s18], [sflag:$0x5], $0x2000, $0x38;
	[tilespmem:$0x1E780] =	vst v63  }
0x144: {  	_ =	swait.ge [sflag:s25], $0x2000  }
0x145: {  	[sflag:s25] =	ssyncset.done $0x0  }
0x146: {  	[sflag:s25] =	ssyncadd.s32 $0xFFFFE000  }
.LBB2_6:
0x147: {  	s1 =	sadd.s32 $0x2, s2  }
0x148: {  	p0 =	sge.u32 s1, s7  }
0x149: {  	s16 =	sshll.u32 @!p0 s1, $0x6;
	s1 =	sadd.s32 @!p0 s6, s1  }
0x14a: {  	s19 =	simm.s32 @!p0 $0x40;
	s16 =	sand.u32 @!p0 $0x3FFFFFC0, s16;
	s1 =	sshll.u32 @!p0 s1, $0xA  }
0x14b: {  	s20 =	simm.s32 @!p0 $0x1A780;
	s16 =	sadd.s32 @!p0 $0x14000, s16;
	s1 =	sand.u32 @!p0 $0x1FFFF800, s1  }
0x14c: {  	[tilespmem:s20], [sflag:$0x1] =	stream.indirect.gather @!p0 [spmem:s4], $0x80, s16, s19, $0xb8;
	[tilespmem:$0x1E780] =	vst v63  }
0x14d: {  	s1 =	sadd.s32 @!p0 s0, s1;
	s16 =	simm.s32 @!p0 $0x0;
	s19 =	simm.s32 @!p0 $0x16780  }
0x14e: {  	[tilespmem:s19], [sflag:$0x3] =	stream.linear.gather @!p0 [hbm4b:s1+s16], $0x2000, $0x38;
	[tilespmem:$0x1E780] =	vst v63  }
0x14f: {  	s1 =	sor.u32 $0x1, s2  }
0x150: {  	p0 =	sge.u32 s1, s7  }
.Ltmp6:
0x151: {  	_ = 	snop;
	(pc) =	sbr.rel @p0 .LBB2_10-.Ltmp6, $1  }
0x152: {  	_ =	sdelay $0x3  }
0x153: {  	_ =	swait.ge [sflag:s26], $0x2000  }
0x154: {  	[sflag:s26] =	ssyncset.done $0x0  }
0x155: {  	[sflag:s26] =	ssyncadd.s32 $0xFFFFE000  }
0x156: {  	_ =	swait.ge [sflag:s28], $0x2000  }
0x157: {  	[sflag:s28] =	ssyncset.done $0x0  }
0x158: {  	s19 =	simm.s32 $0x1C980;
	[sflag:s28] =	ssyncadd.s32 $0xFFFFE000  }
0x159: {  	s20 =	simm.s32 $0x18980;
	v0 =	vld [tilespmem:s19+$0x180]  }
0x15a: {  	v1 =	vld [tilespmem:s20+$0x180]  }
0x15b: {  	v2 =	vld [tilespmem:s20+$0xFFFFFE00]  }
0x15c: {  	v3 =	vld [tilespmem:s19+$0xFFFFFE80]  }
0x15d: {  	v4 =	vld [tilespmem:s20+$0xFFFFFE80]  }
0x15e: {  	v5 =	vld [tilespmem:s19+$0xFFFFFF00]  }
0x15f: {  	v6 =	vld [tilespmem:s20+$0xFFFFFF00]  }
0x160: {  	v7 =	vld [tilespmem:s20+$0xFFFFFF80]  }
0x161: {  	v9 =	vld [tilespmem:s19+$0x0]  }
0x162: {  	v10 =	vld [tilespmem:s20+$0x0]  }
0x163: {  	v11 =	vld [tilespmem:s19+$0x80]  }
0x164: {  	v12 =	vld [tilespmem:s20+$0x80]  }
0x165: {  	v13 =	vld [tilespmem:s19+$0x100]  }
0x166: {  	v50 =	vld [tilespmem:s19+$0xFFFFFF90]  }
0x167: {  	v51 =	vld [tilespmem:s19+$0x10]  }
0x168: {  	v52 =	vld [tilespmem:s19+$0xFFFFFFA0]  }
0x169: {  	v53 =	vld [tilespmem:s19+$0x20]  }
0x16a: {  	v14 =	vld [tilespmem:s19+$0xA0];
	v0 =	vmul.f32 v1, v0  }
0x16b: {  	v54 =	vld [tilespmem:s19+$0xFFFFFFB0]  }
0x16c: {  	[tilespmem:s19+$0x180] =	vst v0;
	v0 =	vld [tilespmem:s19+$0x190]  }
0x16d: {  	v1 =	vld [tilespmem:s20+$0x190]  }
0x16e: {  	v55 =	vld [tilespmem:s19+$0x30]  }
0x16f: {  	v56 =	vld [tilespmem:s19+$0xFFFFFFC0]  }
0x170: {  	v57 =	vld [tilespmem:s19+$0xC0]  }
0x171: {  	v58 =	vld [tilespmem:s19+$0xFFFFFFD0]  }
0x172: {  	v59 =	vld [tilespmem:s19+$0xD0];
	v0 =	vmul.f32 v1, v0  }
0x173: {  	v1 =	vld [tilespmem:s19+$0xFFFFFF80]  }
0x174: {  	[tilespmem:s19+$0x190] =	vst v0;
	v0 =	vld [tilespmem:s19+$0x1A0]  }
0x175: {  	v8 =	vld [tilespmem:s20+$0x1A0]  }
0x176: {  	v60 =	vld [tilespmem:s19+$0xFFFFFFE0]  }
0x177: {  	v61 =	vld [tilespmem:s19+$0xE0]  }
0x178: {  	v62 =	vld [tilespmem:s19+$0xFFFFFE70];
	v1 =	vmul.f32 v7, v1  }
0x179: {  	v3 =	vmul.f32 v4, v3;
	v4 =	vld [tilespmem:s19+$0xFFFFFE00]  }
0x17a: {  	[tilespmem:s19+$0xFFFFFF80] =	vst v1;
	v1 =	vmul.f32 v12, v11;
	v11 =	vld [tilespmem:s19+$0xFFFFFF10];
	v0 =	vmul.f32 v8, v0  }
0x17b: {  	[tilespmem:s19+$0xFFFFFE80] =	vst v3;
	v8 =	vld [tilespmem:s20+$0x100]  }
0x17c: {  	[tilespmem:s19+$0x1A0] =	vst v0;
	v0 =	vmul.f32 v6, v5;
	v5 =	vld [tilespmem:s19+$0x1B0]  }
0x17d: {  	v6 =	vld [tilespmem:s20+$0xFFFFFE90]  }
0x17e: {  	v2 =	vmul.f32 v2, v4;
	v3 =	vld [tilespmem:s20+$0x1B0]  }
0x17f: {  	[tilespmem:s19+$0xFFFFFF00] =	vst v0;
	v0 =	vmul.f32 v10, v9;
	v9 =	vld [tilespmem:s19+$0xFFFFFE10]  }
0x180: {  	[tilespmem:s19+$0xFFFFFE00] =	vst v2;
	v7 =	vld [tilespmem:s20+$0xFFFFFF10];
	v4 =	vmul.f32 v8, v13  }
0x181: {  	[tilespmem:s19+$0x0] =	vst v0;
	v0 =	vld [tilespmem:s20+$0xFFFFFF90]  }
0x182: {  	[tilespmem:s19+$0x100] =	vst v4;
	v4 =	vld [tilespmem:s20+$0xFFFFFE10]  }
0x183: {  	[tilespmem:s19+$0x80] =	vst v1;
	v1 =	vld [tilespmem:s20+$0x10];
	v3 =	vmul.f32 v3, v5  }
0x184: {  	v5 =	vld [tilespmem:s20+$0x110]  }
0x185: {  	[tilespmem:s19+$0x1B0] =	vst v3;
	v3 =	vld [tilespmem:s19+$0x1C0]  }
0x186: {  	v8 =	vld [tilespmem:s20+$0x1C0]  }
0x187: {  	v4 =	vmul.f32 v4, v9;
	v9 =	vld [tilespmem:s19+$0x110]  }
0x188: {  	v2 =	vld [tilespmem:s20+$0x90]  }
0x189: {  	v10 =	vld [tilespmem:s19+$0xFFFFFE90];
	v0 =	vmul.f32 v0, v50  }
0x18a: {  	v1 =	vmul.f32 v1, v51;
	[tilespmem:s19+$0xFFFFFE10] =	vst v4;
	v4 =	vmul.f32 v7, v11;
	v11 =	vld [tilespmem:s19+$0xFFFFFF20]  }
0x18b: {  	[tilespmem:s19+$0xFFFFFF90] =	vst v0;
	v3 =	vmul.f32 v8, v3;
	v8 =	vld [tilespmem:s19+$0x90]  }
0x18c: {  	[tilespmem:s19+$0x10] =	vst v1;
	v1 =	vmul.f32 v5, v9;
	v5 =	vld [tilespmem:s20+$0xFFFFFFA0]  }
0x18d: {  	v9 =	vld [tilespmem:s19+$0xFFFFFE20]  }
0x18e: {  	[tilespmem:s19+$0x1C0] =	vst v3;
	v3 =	vmul.f32 v6, v10;
	v6 =	vld [tilespmem:s19+$0x1D0]  }
0x18f: {  	v10 =	vld [tilespmem:s19+$0xFFFFFEA0]  }
0x190: {  	v7 =	vld [tilespmem:s20+$0x1D0]  }
0x191: {  	[tilespmem:s19+$0xFFFFFE90] =	vst v3;
	v3 =	vld [tilespmem:s20+$0xFFFFFE20]  }
0x192: {  	[tilespmem:s19+$0xFFFFFF10] =	vst v4;
	v4 =	vld [tilespmem:s20+$0xFFFFFEA0];
	v0 =	vmul.f32 v2, v8  }
0x193: {  	v2 =	vld [tilespmem:s20+$0xFFFFFF20]  }
0x194: {  	v8 =	vld [tilespmem:s20+$0x20];
	[tilespmem:s19+$0x90] =	vst v0  }
0x195: {  	[tilespmem:s19+$0x110] =	vst v1;
	v0 =	vmul.f32 v7, v6;
	v6 =	vld [tilespmem:s20+$0xA0]  }
0x196: {  	v7 =	vld [tilespmem:s20+$0x120]  }
0x197: {  	[tilespmem:s19+$0x1D0] =	vst v0;
	v0 =	vld [tilespmem:s19+$0x1E0]  }
0x198: {  	v4 =	vmul.f32 v4, v10;
	v10 =	vld [tilespmem:s19+$0xFFFFFEB0]  }
0x199: {  	v2 =	vmul.f32 v2, v11;
	v1 =	vld [tilespmem:s20+$0x1E0]  }
0x19a: {  	v11 =	vld [tilespmem:s19+$0xFFFFFF30];
	[tilespmem:s19+$0xFFFFFEA0] =	vst v4;
	v4 =	vmul.f32 v5, v52  }
0x19b: {  	[tilespmem:s19+$0xFFFFFF20] =	vst v2;
	v2 =	vmul.f32 v8, v53;
	v8 =	vld [tilespmem:s20+$0xFFFFFEB0]  }
0x19c: {  	[tilespmem:s19+$0xFFFFFFA0] =	vst v4;
	v4 =	vmul.f32 v6, v14;
	v6 =	vld [tilespmem:s20+$0xFFFFFF30]  }
0x19d: {  	[tilespmem:s19+$0x20] =	vst v2;
	v2 =	vld [tilespmem:s20+$0xFFFFFFB0]  }
0x19e: {  	v0 =	vmul.f32 v1, v0;
	v1 =	vmul.f32 v3, v9;
	v3 =	vld [tilespmem:s19+$0x120]  }
0x19f: {  	[tilespmem:s19+$0xA0] =	vst v4;
	v4 =	vld [tilespmem:s20+$0x30]  }
0x1a0: {  	[tilespmem:s19+$0x1E0] =	vst v0;
	v0 =	vld [tilespmem:s19+$0x1F0]  }
0x1a1: {  	v8 =	vmul.f32 v8, v10;
	v10 =	vld [tilespmem:s19+$0x130]  }
0x1a2: {  	[tilespmem:s19+$0xFFFFFE20] =	vst v1;
	v1 =	vld [tilespmem:s20+$0x1F0]  }
0x1a3: {  	v5 =	vld [tilespmem:s20+$0xFFFFFE30];
	v3 =	vmul.f32 v7, v3  }
0x1a4: {  	v7 =	vld [tilespmem:s20+$0xB0]  }
0x1a5: {  	v6 =	vmul.f32 v6, v11;
	[tilespmem:s19+$0x120] =	vst v3;
	v3 =	vld [tilespmem:s19+$0xFFFFFE30]  }
0x1a6: {  	[tilespmem:s19+$0xFFFFFEB0] =	vst v8;
	v9 =	vld [tilespmem:s20+$0x130]  }
0x1a7: {  	v8 =	vld [tilespmem:s20+$0xFFFFFEC0];
	[tilespmem:s19+$0xFFFFFF30] =	vst v6;
	v0 =	vmul.f32 v1, v0  }
0x1a8: {  	v6 =	vld [tilespmem:s20+$0xFFFFFF40]  }
0x1a9: {  	v4 =	vmul.f32 v4, v55;
	[tilespmem:s19+$0x1F0] =	vst v0;
	v0 =	vld [tilespmem:s19+$0xF0]  }
0x1aa: {  	v3 =	vmul.f32 v5, v3;
	v5 =	vld [tilespmem:s19+$0xB0]  }
0x1ab: {  	[tilespmem:s19+$0x30] =	vst v4;
	v4 =	vmul.f32 v9, v10;
	v10 =	vld [tilespmem:s19+$0xFFFFFF40]  }
0x1ac: {  	[tilespmem:s19+$0xFFFFFE30] =	vst v3;
	v3 =	vld [tilespmem:s19+$0xFFFFFE40]  }
0x1ad: {  	v2 =	vmul.f32 v2, v54;
	v11 =	vld [tilespmem:s20+$0xFFFFFE40]  }
0x1ae: {  	v9 =	vld [tilespmem:s19+$0xFFFFFEC0];
	[tilespmem:s19+$0x130] =	vst v4  }
0x1af: {  	[tilespmem:s19+$0xFFFFFFB0] =	vst v2;
	v4 =	vld [tilespmem:s20+$0x140]  }
0x1b0: {  	v2 =	vmul.f32 v7, v5;
	v5 =	vld [tilespmem:s20+$0xFFFFFFC0]  }
0x1b1: {  	v7 =	vld [tilespmem:s20+$0x40]  }
0x1b2: {  	v6 =	vmul.f32 v6, v10;
	v10 =	vld [tilespmem:s19+$0xFFFFFE50];
	v3 =	vmul.f32 v11, v3  }
0x1b3: {  	[tilespmem:s19+$0xB0] =	vst v2;
	v11 =	vld [tilespmem:s19+$0x40]  }
0x1b4: {  	v2 =	vld [tilespmem:s20+$0xC0];
	[tilespmem:s19+$0xFFFFFE40] =	vst v3;
	v3 =	vmul.f32 v8, v9  }
0x1b5: {  	v8 =	vld [tilespmem:s19+$0x140]  }
0x1b6: {  	v9 =	vld [tilespmem:s20+$0xFFFFFE50];
	[tilespmem:s19+$0xFFFFFEC0] =	vst v3  }
0x1b7: {  	[tilespmem:s19+$0xFFFFFF40] =	vst v6;
	v3 =	vmul.f32 v5, v56;
	v5 =	vld [tilespmem:s20+$0xFFFFFED0]  }
0x1b8: {  	v6 =	vmul.f32 v7, v11;
	v7 =	vld [tilespmem:s20+$0xFFFFFF50]  }
0x1b9: {  	v11 =	vld [tilespmem:s19+$0xFFFFFF50];
	[tilespmem:s19+$0xFFFFFFC0] =	vst v3  }
0x1ba: {  	v2 =	vmul.f32 v2, v57;
	v3 =	vld [tilespmem:s20+$0xFFFFFFD0]  }
0x1bb: {  	[tilespmem:s19+$0x40] =	vst v6;
	v4 =	vmul.f32 v4, v8;
	v8 =	vld [tilespmem:s19+$0xFFFFFED0]  }
0x1bc: {  	[tilespmem:s19+$0xC0] =	vst v2;
	v6 =	vld [tilespmem:s20+$0x50]  }
0x1bd: {  	v2 =	vld [tilespmem:s20+$0xD0]  }
0x1be: {  	v9 =	vmul.f32 v9, v10;
	v10 =	vld [tilespmem:s19+$0x50];
	[tilespmem:s19+$0x140] =	vst v4  }
0x1bf: {  	v4 =	vld [tilespmem:s20+$0x150]  }
0x1c0: {  	[tilespmem:s19+$0xFFFFFE50] =	vst v9;
	v7 =	vmul.f32 v7, v11;
	v11 =	vld [tilespmem:s19+$0xFFFFFE60]  }
0x1c1: {  	v9 =	vld [tilespmem:s20+$0xFFFFFE60]  }
0x1c2: {  	v5 =	vmul.f32 v5, v8;
	v8 =	vld [tilespmem:s19+$0x150];
	[tilespmem:s19+$0xFFFFFF50] =	vst v7  }
0x1c3: {  	v3 =	vmul.f32 v3, v58;
	v7 =	vld [tilespmem:s20+$0xFFFFFF60]  }
0x1c4: {  	v6 =	vmul.f32 v6, v10;
	v10 =	vld [tilespmem:s19+$0xFFFFFF60];
	[tilespmem:s19+$0xFFFFFED0] =	vst v5  }
0x1c5: {  	v2 =	vmul.f32 v2, v59;
	[tilespmem:s19+$0xFFFFFFD0] =	vst v3;
	v5 =	vld [tilespmem:s20+$0xFFFFFEE0]  }
0x1c6: {  	v3 =	vld [tilespmem:s20+$0xFFFFFFE0];
	[tilespmem:s19+$0x50] =	vst v6  }
0x1c7: {  	[tilespmem:s19+$0xD0] =	vst v2;
	v6 =	vld [tilespmem:s20+$0x60]  }
0x1c8: {  	v2 =	vld [tilespmem:s20+$0xE0]  }
0x1c9: {  	v9 =	vmul.f32 v9, v11;
	v4 =	vmul.f32 v4, v8;
	v8 =	vld [tilespmem:s19+$0xFFFFFEE0]  }
0x1ca: {  	v11 =	vld [tilespmem:s19+$0x60]  }
0x1cb: {  	[tilespmem:s19+$0xFFFFFE60] =	vst v9;
	v9 =	vld [tilespmem:s19+$0xFFFFFF70]  }
0x1cc: {  	v7 =	vmul.f32 v7, v10;
	[tilespmem:s19+$0x150] =	vst v4;
	v10 =	vld [tilespmem:s20+$0xFFFFFE70];
	v3 =	vmul.f32 v3, v60  }
0x1cd: {  	v4 =	vld [tilespmem:s20+$0x160]  }
0x1ce: {  	v5 =	vmul.f32 v5, v8;
	v8 =	vld [tilespmem:s19+$0x160];
	[tilespmem:s19+$0xFFFFFFE0] =	vst v3  }
0x1cf: {  	[tilespmem:s19+$0xFFFFFF60] =	vst v7;
	v3 =	vld [tilespmem:s20+$0xFFFFFFF0]  }
0x1d0: {  	v2 =	vmul.f32 v2, v61;
	[tilespmem:s19+$0xFFFFFEE0] =	vst v5;
	v5 =	vmul.f32 v6, v11;
	v6 =	vld [tilespmem:s20+$0xFFFFFF70]  }
0x1d1: {  	v11 =	vld [tilespmem:s19+$0xFFFFFEF0]  }
0x1d2: {  	[tilespmem:s19+$0xE0] =	vst v2;
	v63 =	vld [tilespmem:s20+$0xFFFFFEF0]  }
0x1d3: {  	[tilespmem:s19+$0x60] =	vst v5;
	v5 =	vld [tilespmem:s20+$0xF0]  }
0x1d4: {  	v7 =	vmul.f32 v4, v8;
	v4 =	vld [tilespmem:s20+$0x70]  }
0x1d5: {  	v1 =	vmul.f32 v10, v62;
	v8 =	vld [tilespmem:s19+$0xFFFFFFF0]  }
0x1d6: {  	[tilespmem:s19+$0x160] =	vst v7;
	v7 =	vld [tilespmem:s19+$0x70]  }
0x1d7: {  	[tilespmem:s19+$0xFFFFFE70] =	vst v1;
	v1 =	vld [tilespmem:s19+$0x170]  }
0x1d8: {  	s22 =	simm.s32 $0x0;
	s16 =	simm.s32 $0x1CD80;
	v2 =	vld [tilespmem:s20+$0x170];
	v10 =	vmul.f32 v63, v11  }
.LBB2_8:
0x1d9: {  	v11 =	vld [tilespmem:s16+$0x180];
	v6 =	vmul.f32 v6, v9;
	s20 =	sadd.s32 $0x400, s20  }
0x1da: {  	s22 =	sadd.s32 $0x8, s22;
	v9 =	vld [tilespmem:s20+$0x180];
	[tilespmem:s19+$0xFFFFFEF0] =	vst v10;
	v3 =	vmul.f32 v3, v8  }
0x1db: {  	p0 =	slt.u32 s22, $0x38;
	v8 =	vld [tilespmem:s20+$0xFFFFFE00];
	[tilespmem:s19+$0xFFFFFF70] =	vst v6;
	v4 =	vmul.f32 v4, v7  }
0x1dc: {  	v6 =	vld [tilespmem:s16+$0xFFFFFE80];
	[tilespmem:s19+$0xFFFFFFF0] =	vst v3;
	v0 =	vmul.f32 v5, v0  }
0x1dd: {  	v3 =	vld [tilespmem:s20+$0xFFFFFE80];
	[tilespmem:s19+$0x70] =	vst v4;
	v1 =	vmul.f32 v2, v1  }
0x1de: {  	v2 =	vld [tilespmem:s16+$0xFFFFFF00];
	[tilespmem:s19+$0xF0] =	vst v0  }
0x1df: {  	v0 =	vld [tilespmem:s20+$0xFFFFFF00];
	v4 =	vmul.f32 v9, v11;
	[tilespmem:s19+$0x170] =	vst v1;
	s19 =	smov.u32 s16  }
0x1e0: {  	v1 =	vld [tilespmem:s16+$0xFFFFFF80]  }
0x1e1: {  	[tilespmem:s16+$0x180] =	vst v4;
	v4 =	vld [tilespmem:s16+$0x190]  }
0x1e2: {  	v3 =	vmul.f32 v3, v6;
	v5 =	vld [tilespmem:s20+$0x190]  }
0x1e3: {  	v6 =	vld [tilespmem:s20+$0xFFFFFF80]  }
0x1e4: {  	[tilespmem:s16+$0xFFFFFE80] =	vst v3;
	v0 =	vmul.f32 v0, v2;
	v2 =	vld [tilespmem:s16+$0x0]  }
0x1e5: {  	v3 =	vld [tilespmem:s20+$0x0]  }
0x1e6: {  	[tilespmem:s16+$0xFFFFFF00] =	vst v0;
	v0 =	vld [tilespmem:s16+$0x80]  }
0x1e7: {  	v7 =	vld [tilespmem:s20+$0x80];
	v4 =	vmul.f32 v5, v4  }
0x1e8: {  	v1 =	vmul.f32 v6, v1;
	v5 =	vld [tilespmem:s16+$0x100]  }
0x1e9: {  	[tilespmem:s16+$0x190] =	vst v4;
	v4 =	vld [tilespmem:s16+$0x1A0]  }
0x1ea: {  	[tilespmem:s16+$0xFFFFFF80] =	vst v1;
	v1 =	vmul.f32 v3, v2;
	v2 =	vld [tilespmem:s20+$0x1A0]  }
0x1eb: {  	v3 =	vld [tilespmem:s20+$0x100]  }
0x1ec: {  	v6 =	vld [tilespmem:s16+$0xFFFFFE00];
	[tilespmem:s16+$0x0] =	vst v1;
	v0 =	vmul.f32 v7, v0  }
0x1ed: {  	v1 =	vld [tilespmem:s20+$0xFFFFFE90]  }
0x1ee: {  	v7 =	vld [tilespmem:s20+$0xFFFFFF10];
	[tilespmem:s16+$0x80] =	vst v0  }
0x1ef: {  	v0 =	vld [tilespmem:s20+$0xFFFFFF90];
	v2 =	vmul.f32 v2, v4  }
0x1f0: {  	v4 =	vld [tilespmem:s20+$0x10];
	v3 =	vmul.f32 v3, v5  }
0x1f1: {  	v5 =	vmul.f32 v8, v6;
	[tilespmem:s16+$0x1A0] =	vst v2;
	v2 =	vld [tilespmem:s16+$0x1B0]  }
0x1f2: {  	[tilespmem:s16+$0x100] =	vst v3;
	v3 =	vld [tilespmem:s20+$0x1B0]  }
0x1f3: {  	[tilespmem:s16+$0xFFFFFE00] =	vst v5;
	v5 =	vld [tilespmem:s20+$0x90]  }
0x1f4: {  	v6 =	vld [tilespmem:s20+$0xFFFFFE10]  }
0x1f5: {  	v8 =	vld [tilespmem:s20+$0x110]  }
0x1f6: {  	v9 =	vld [tilespmem:s16+$0xFFFFFE10]  }
0x1f7: {  	v10 =	vld [tilespmem:s16+$0xFFFFFE90];
	v2 =	vmul.f32 v3, v2  }
0x1f8: {  	v3 =	vld [tilespmem:s16+$0xFFFFFF10]  }
0x1f9: {  	[tilespmem:s16+$0x1B0] =	vst v2;
	v2 =	vld [tilespmem:s16+$0x1C0]  }
0x1fa: {  	v11 =	vld [tilespmem:s20+$0x1C0]  }
0x1fb: {  	v6 =	vmul.f32 v6, v9;
	v9 =	vld [tilespmem:s16+$0xFFFFFF90]  }
0x1fc: {  	v1 =	vmul.f32 v1, v10;
	v10 =	vld [tilespmem:s16+$0x10]  }
0x1fd: {  	[tilespmem:s16+$0xFFFFFE10] =	vst v6;
	v3 =	vmul.f32 v7, v3;
	v6 =	vld [tilespmem:s16+$0x90]  }
0x1fe: {  	[tilespmem:s16+$0xFFFFFE90] =	vst v1;
	v1 =	vld [tilespmem:s16+$0x110]  }
0x1ff: {  	v7 =	vld [tilespmem:s20+$0xFFFFFE20];
	[tilespmem:s16+$0xFFFFFF10] =	vst v3;
	v2 =	vmul.f32 v11, v2  }
0x200: {  	v3 =	vld [tilespmem:s20+$0xFFFFFEA0];
	v0 =	vmul.f32 v0, v9  }
0x201: {  	v4 =	vmul.f32 v4, v10;
	[tilespmem:s16+$0x1C0] =	vst v2;
	v2 =	vld [tilespmem:s16+$0x1D0]  }
0x202: {  	[tilespmem:s16+$0xFFFFFF90] =	vst v0;
	v0 =	vmul.f32 v5, v6;
	v5 =	vld [tilespmem:s20+$0x1D0]  }
0x203: {  	v6 =	vld [tilespmem:s20+$0xFFFFFF20];
	[tilespmem:s16+$0x10] =	vst v4;
	v1 =	vmul.f32 v8, v1  }
0x204: {  	v4 =	vld [tilespmem:s20+$0xFFFFFFA0];
	[tilespmem:s16+$0x90] =	vst v0  }
0x205: {  	v0 =	vld [tilespmem:s20+$0x20];
	[tilespmem:s16+$0x110] =	vst v1  }
0x206: {  	v1 =	vld [tilespmem:s20+$0xA0]  }
0x207: {  	v8 =	vld [tilespmem:s20+$0x120];
	v2 =	vmul.f32 v5, v2  }
0x208: {  	v5 =	vld [tilespmem:s16+$0xFFFFFE20]  }
0x209: {  	[tilespmem:s16+$0x1D0] =	vst v2;
	v2 =	vld [tilespmem:s16+$0x1E0]  }
0x20a: {  	v9 =	vld [tilespmem:s20+$0x1E0]  }
0x20b: {  	v10 =	vld [tilespmem:s16+$0xFFFFFEA0]  }
0x20c: {  	v11 =	vld [tilespmem:s16+$0xFFFFFF20]  }
0x20d: {  	v5 =	vmul.f32 v7, v5;
	v7 =	vld [tilespmem:s16+$0xFFFFFFA0]  }
0x20e: {  	v12 =	vld [tilespmem:s16+$0x20]  }
0x20f: {  	[tilespmem:s16+$0xFFFFFE20] =	vst v5;
	v5 =	vld [tilespmem:s16+$0xA0];
	v2 =	vmul.f32 v9, v2  }
0x210: {  	v3 =	vmul.f32 v3, v10;
	v9 =	vld [tilespmem:s16+$0x120]  }
0x211: {  	v6 =	vmul.f32 v6, v11;
	[tilespmem:s16+$0x1E0] =	vst v2;
	v2 =	vld [tilespmem:s16+$0x1F0]  }
0x212: {  	[tilespmem:s16+$0xFFFFFEA0] =	vst v3;
	v3 =	vmul.f32 v4, v7;
	v4 =	vld [tilespmem:s20+$0x1F0]  }
0x213: {  	v7 =	vld [tilespmem:s20+$0xFFFFFE30];
	[tilespmem:s16+$0xFFFFFF20] =	vst v6;
	v0 =	vmul.f32 v0, v12  }
0x214: {  	v6 =	vld [tilespmem:s20+$0xFFFFFEB0];
	[tilespmem:s16+$0xFFFFFFA0] =	vst v3;
	v1 =	vmul.f32 v1, v5  }
0x215: {  	v3 =	vld [tilespmem:s20+$0xFFFFFF30];
	[tilespmem:s16+$0x20] =	vst v0;
	v0 =	vmul.f32 v8, v9  }
0x216: {  	v5 =	vld [tilespmem:s20+$0xFFFFFFB0];
	[tilespmem:s16+$0xA0] =	vst v1  }
0x217: {  	v1 =	vld [tilespmem:s20+$0x30];
	[tilespmem:s16+$0x120] =	vst v0;
	v0 =	vmul.f32 v4, v2  }
0x218: {  	v2 =	vld [tilespmem:s20+$0xB0]  }
0x219: {  	v4 =	vld [tilespmem:s20+$0x130];
	[tilespmem:s16+$0x1F0] =	vst v0  }
0x21a: {  	v0 =	vld [tilespmem:s16+$0xFFFFFE30]  }
0x21b: {  	v8 =	vld [tilespmem:s16+$0xFFFFFEB0]  }
0x21c: {  	v9 =	vld [tilespmem:s16+$0xFFFFFF30]  }
0x21d: {  	v10 =	vld [tilespmem:s16+$0xFFFFFFB0]  }
0x21e: {  	v11 =	vld [tilespmem:s16+$0x30]  }
0x21f: {  	v0 =	vmul.f32 v7, v0;
	v7 =	vld [tilespmem:s16+$0xB0]  }
0x220: {  	v6 =	vmul.f32 v6, v8;
	v8 =	vld [tilespmem:s16+$0x130]  }
0x221: {  	[tilespmem:s16+$0xFFFFFE30] =	vst v0;
	v0 =	vld [tilespmem:s16+$0xFFFFFE40];
	v3 =	vmul.f32 v3, v9  }
0x222: {  	v9 =	vld [tilespmem:s20+$0xFFFFFE40];
	[tilespmem:s16+$0xFFFFFEB0] =	vst v6;
	v5 =	vmul.f32 v5, v10  }
0x223: {  	v6 =	vld [tilespmem:s20+$0xFFFFFEC0];
	[tilespmem:s16+$0xFFFFFF30] =	vst v3;
	v1 =	vmul.f32 v1, v11  }
0x224: {  	v3 =	vld [tilespmem:s20+$0xFFFFFF40];
	[tilespmem:s16+$0xFFFFFFB0] =	vst v5;
	v2 =	vmul.f32 v2, v7  }
0x225: {  	v5 =	vld [tilespmem:s20+$0xFFFFFFC0];
	[tilespmem:s16+$0x30] =	vst v1;
	v1 =	vmul.f32 v4, v8  }
0x226: {  	v4 =	vld [tilespmem:s20+$0x40];
	[tilespmem:s16+$0xB0] =	vst v2  }
0x227: {  	v0 =	vmul.f32 v9, v0;
	v2 =	vld [tilespmem:s20+$0xC0];
	[tilespmem:s16+$0x130] =	vst v1  }
0x228: {  	v1 =	vld [tilespmem:s20+$0x140]  }
0x229: {  	[tilespmem:s16+$0xFFFFFE40] =	vst v0;
	v0 =	vld [tilespmem:s16+$0xFFFFFEC0]  }
0x22a: {  	v7 =	vld [tilespmem:s16+$0xFFFFFF40]  }
0x22b: {  	v8 =	vld [tilespmem:s16+$0xFFFFFFC0]  }
0x22c: {  	v9 =	vld [tilespmem:s16+$0x40]  }
0x22d: {  	v10 =	vld [tilespmem:s16+$0xC0]  }
0x22e: {  	v0 =	vmul.f32 v6, v0;
	v6 =	vld [tilespmem:s16+$0x140]  }
0x22f: {  	v11 =	vld [tilespmem:s20+$0xFFFFFE50];
	v3 =	vmul.f32 v3, v7  }
0x230: {  	v7 =	vld [tilespmem:s16+$0xFFFFFE50];
	[tilespmem:s16+$0xFFFFFEC0] =	vst v0;
	v0 =	vmul.f32 v5, v8  }
0x231: {  	v5 =	vld [tilespmem:s20+$0xFFFFFED0];
	[tilespmem:s16+$0xFFFFFF40] =	vst v3;
	v3 =	vmul.f32 v4, v9  }
0x232: {  	v4 =	vld [tilespmem:s20+$0xFFFFFF50];
	[tilespmem:s16+$0xFFFFFFC0] =	vst v0;
	v0 =	vmul.f32 v2, v10  }
0x233: {  	v2 =	vld [tilespmem:s20+$0xFFFFFFD0];
	[tilespmem:s16+$0x40] =	vst v3;
	v1 =	vmul.f32 v1, v6  }
0x234: {  	v3 =	vld [tilespmem:s20+$0x50];
	[tilespmem:s16+$0xC0] =	vst v0  }
0x235: {  	v0 =	vmul.f32 v11, v7;
	v6 =	vld [tilespmem:s20+$0xD0];
	[tilespmem:s16+$0x140] =	vst v1  }
0x236: {  	v1 =	vld [tilespmem:s20+$0x150]  }
0x237: {  	[tilespmem:s16+$0xFFFFFE50] =	vst v0;
	v0 =	vld [tilespmem:s16+$0xFFFFFED0]  }
0x238: {  	v7 =	vld [tilespmem:s16+$0xFFFFFF50]  }
0x239: {  	v8 =	vld [tilespmem:s16+$0xFFFFFFD0]  }
0x23a: {  	v9 =	vld [tilespmem:s16+$0x50]  }
0x23b: {  	v10 =	vld [tilespmem:s16+$0xD0]  }
0x23c: {  	v0 =	vmul.f32 v5, v0;
	v5 =	vld [tilespmem:s16+$0x150]  }
0x23d: {  	v11 =	vld [tilespmem:s20+$0xFFFFFE60];
	v4 =	vmul.f32 v4, v7  }
0x23e: {  	v7 =	vld [tilespmem:s16+$0xFFFFFE60];
	[tilespmem:s16+$0xFFFFFED0] =	vst v0;
	v0 =	vmul.f32 v2, v8  }
0x23f: {  	v2 =	vld [tilespmem:s20+$0xFFFFFEE0];
	[tilespmem:s16+$0xFFFFFF50] =	vst v4;
	v3 =	vmul.f32 v3, v9  }
0x240: {  	v4 =	vld [tilespmem:s20+$0xFFFFFF60];
	[tilespmem:s16+$0xFFFFFFD0] =	vst v0;
	v0 =	vmul.f32 v6, v10  }
0x241: {  	v6 =	vld [tilespmem:s20+$0xFFFFFFE0];
	[tilespmem:s16+$0x50] =	vst v3;
	v1 =	vmul.f32 v1, v5  }
0x242: {  	v3 =	vld [tilespmem:s20+$0x60];
	[tilespmem:s16+$0xD0] =	vst v0  }
0x243: {  	v0 =	vmul.f32 v11, v7;
	v5 =	vld [tilespmem:s20+$0xE0];
	[tilespmem:s16+$0x150] =	vst v1  }
0x244: {  	v1 =	vld [tilespmem:s20+$0x160]  }
0x245: {  	[tilespmem:s16+$0xFFFFFE60] =	vst v0;
	v0 =	vld [tilespmem:s16+$0xFFFFFEE0]  }
0x246: {  	v7 =	vld [tilespmem:s16+$0xFFFFFF60]  }
0x247: {  	v8 =	vld [tilespmem:s16+$0xFFFFFFE0]  }
0x248: {  	v9 =	vld [tilespmem:s16+$0x60]  }
0x249: {  	v10 =	vld [tilespmem:s16+$0xE0]  }
0x24a: {  	v0 =	vmul.f32 v2, v0;
	v2 =	vld [tilespmem:s16+$0x160]  }
0x24b: {  	v11 =	vld [tilespmem:s20+$0xFFFFFE70];
	v4 =	vmul.f32 v4, v7  }
0x24c: {  	v7 =	vld [tilespmem:s16+$0xFFFFFE70];
	[tilespmem:s16+$0xFFFFFEE0] =	vst v0;
	v0 =	vmul.f32 v6, v8  }
0x24d: {  	v12 =	vld [tilespmem:s20+$0xFFFFFEF0];
	[tilespmem:s16+$0xFFFFFF60] =	vst v4;
	v4 =	vmul.f32 v3, v9  }
0x24e: {  	v6 =	vld [tilespmem:s20+$0xFFFFFF70];
	[tilespmem:s16+$0xFFFFFFE0] =	vst v0;
	v0 =	vmul.f32 v5, v10  }
0x24f: {  	v3 =	vld [tilespmem:s20+$0xFFFFFFF0];
	[tilespmem:s16+$0x60] =	vst v4;
	v1 =	vmul.f32 v1, v2  }
0x250: {  	v4 =	vld [tilespmem:s20+$0x70];
	[tilespmem:s16+$0xE0] =	vst v0  }
0x251: {  	v0 =	vmul.f32 v11, v7;
	v5 =	vld [tilespmem:s20+$0xF0];
	[tilespmem:s16+$0x160] =	vst v1  }
0x252: {  	v2 =	vld [tilespmem:s20+$0x170]  }
0x253: {  	[tilespmem:s16+$0xFFFFFE70] =	vst v0;
	v1 =	vld [tilespmem:s16+$0xFFFFFEF0]  }
.Ltmp7:
0x254: {  	v9 =	vld [tilespmem:s16+$0xFFFFFF70];
	(pc) =	sbr.rel @p0 .LBB2_8-.Ltmp7, $4  }
0x255: {  	v8 =	vld [tilespmem:s16+$0xFFFFFFF0]  }
0x256: {  	v7 =	vld [tilespmem:s16+$0x70]  }
0x257: {  	v0 =	vld [tilespmem:s16+$0xF0]  }
0x258: {  	s16 =	sadd.s32 $0x400, s16;
	v10 =	vmul.f32 v12, v1;
	v1 =	vld [tilespmem:s19+$0x170]  }
0x259: {  	v6 =	vmul.f32 v6, v9  }
0x25a: {  	[tilespmem:s19+$0xFFFFFEF0] =	vst v10;
	v3 =	vmul.f32 v3, v8  }
0x25b: {  	[tilespmem:s19+$0xFFFFFF70] =	vst v6;
	v4 =	vmul.f32 v4, v7  }
0x25c: {  	s1 =	sadd.s32 s6, s1;
	[tilespmem:s19+$0xFFFFFFF0] =	vst v3;
	v0 =	vmul.f32 v5, v0  }
0x25d: {  	s1 =	sshll.u32 s1, $0xA;
	[tilespmem:s19+$0x70] =	vst v4;
	v1 =	vmul.f32 v2, v1  }
0x25e: {  	s1 =	sand.u32 $0x1FFFFC00, s1;
	[tilespmem:s19+$0xF0] =	vst v0  }
.Ltmp8:
0x25f: {  	s1 =	sadd.s32 s3, s1;
	[tilespmem:s19+$0x170] =	vst v1;
	(pc) =	sbr.rel .LBB2_10-.Ltmp8, $4  }
0x260: {  	[hbm4b:s1+s5] =	stream.linear.scatter [tilespmem:s21], [sflag:$0x6], $0x2000, $0x38;
	[tilespmem:$0x1E780] =	vst v63  }
0x261: {  	_ =	swait.ge [sflag:s29], $0x2000  }
0x262: {  	[sflag:s29] =	ssyncset.done $0x0  }
0x263: {  	[sflag:s29] =	ssyncadd.s32 $0xFFFFE000  }
.LBB2_12:
0x264: {  	_ =	sfence.sel $0x180000  }
0x265: {  	[bflag:$0x0] =	sbarrier.arrive $0xFFFF  }
0x266: {  	_ =	strace $0x9000004D  }
0x267: {  	s0 =	stileid.u32;
	[bflag:$0x2] =	sbarrier.arrive $0xFFFF  }
0x268: {  	p0 =	sne.s32 s0, $0x0;
	s0 =	rddreg [dreg:$0x4]  }
0x269: {  	s0 =	sadd.s32 @!p0 $0x100000, s0  }
0x26a: {  	[sflag:s0] =	ssyncadd.tile.s32 @!p0 $0x1;
	_ =	shalt  }
.Lfunc_end2:
_tile_overlayer_lowered:
.L_overlay_start_2:
0x26b: {  	(tag) =	ssettag $0x2  }
0x26c: {  	s0 =	rddreg [dreg:$0x0];
	s2 =	stileid.u32  }
0x26d: {  	s1 =	rddreg [dreg:$0x1];
	p0 =	sne.s32 s2, $0x0  }
0x26e: {  	s3 =	rddreg [dreg:$0x2];
	[bflag:$0x3] =	sbarrier.arrive $0xFFFF;
	s2 =	simm.s32 @!p0 $0x1C07  }
0x26f: {  	[timem:s3], [sflag:s2] =	dma.local @!p0 [hbm:s0], s1  }
0x270: {  	s0 =	simm.s32 @!p0 $0x7  }
0x271: {  	_ =	swait.ge @!p0 [sflag:s0], s1  }
0x272: {  	s1 =	ssub.s32 @!p0 $0x0, s1;
	[sflag:s0] =	ssyncset.done @!p0 $0x0  }
0x273: {  	[sflag:s0] =	ssyncadd.s32 @!p0 s1  }
0x274: {  	[bflag:$0x3] =	sbarrier.arrive $0xFFFF  }
0x275: {  	_ =	shalt  }

// kernel: kernel.6.cloned.1.call-start
scs
__scs_entry_jumppad:
0x0: {  	(pc) =	sbr.rel $0x88, $3  }
0x1: {  	(tag) =	ssettag $0x0;
	lr =	simm.s32 $0x1  }
0x2: {  	[smem:$0x3F9D] =	sst lr;
	_ =	strace $0xD0000000  }
0x3: {  	_ = 	snop  }
0x4: {  	_ = 	snop  }
0x5: {  	_ = 	snop  }
0x6: {  	_ = 	snop  }
0x7: {  	_ = 	snop  }
__scs_overlays_trampoline_lowered:
0x8: {  	[smem:$0x3FAC] =	sst s0  }
0x9: {  	[smem:$0x3FAD] =	sst s1  }
0xa: {  	[smem:$0x3FAE] =	sst s2  }
0xb: {  	[smem:$0x3FAF] =	sst s3  }
0xc: {  	[smem:$0x3FB0] =	sst s4  }
0xd: {  	[smem:$0x3FB1] =	sst s5  }
0xe: {  	[smem:$0x3FB2] =	sst s6  }
0xf: {  	[smem:$0x3FB3] =	sst s7  }
0x10: {  	[smem:$0x3FB4] =	sst s8  }
0x11: {  	[smem:$0x3FB5] =	sst s9;
	s0 =	simm.s32 @!p0 $0x0  }
0x12: {  	s1 =	sld [smem:$0x3F9B];
	s0 =	simm.s32 @p0 $0x1  }
0x13: {  	[smem:$0x3FB6] =	sst s0;
	s0 =	simm.s32 @!p1 $0x0  }
0x14: {  	s2 =	sld [smem:$0x3F9A];
	s0 =	simm.s32 @p1 $0x1  }
0x15: {  	[smem:$0x3FB7] =	sst s0;
	s0 =	simm.s32 @!p2 $0x0  }
0x16: {  	s3 =	sld [smem:$0x3FDB];
	s0 =	simm.s32 @p2 $0x1  }
0x17: {  	s4 =	simm.s32 $0x1BF5;
	[smem:$0x3FB9] =	sst s0  }
0x18: {  	s0 =	sld [smem:$0x3F9C];
	_ =	swait.ge [sflag:s4], $0x0  }
0x19: {  	s7 =	sld [smem:$0x3F9D]  }
0x1a: {  	s8 =	sadd.s32 $0xFFFFE003, lr  }
0x1b: {  	s9 =	sadd.s32 $0xFFFFFEF7, lr;
	s5 =	simm.s32 $0xFFFFFFFF;
	p2 =	slt.u32 s8, $0xFFFFF086  }
0x1c: {  	p1 =	slt.u32 s9, $0xF7A;
	s5 =	simm.s32 @!p2 $0x0  }
0x1d: {  	s5 =	simm.s32 @p1 $0x1;
	p0 =	seq.s32 s7, s2  }
0x1e: {  	s7 =	smul.u32 @!p0 $0xF7A, s2;
	p2 =	seq.s32 @!p0 s5, $0x0  }
0x1f: {  	s9 =	smul.u32 $0xF7A, s1;
	s8 =	simm.s32 @!p0 $0x1BF5;
	p2 =	por !p2, p0  }
0x20: {  	[sflag:s8] =	ssyncset.s32 @!p0 $0xFFFFF086;
	s6 =	sadd.s32 @!p0 s3, s7;
	s7 =	simm.s32 @!p0 $0x108  }
0x21: {  	s3 =	sadd.s32 s3, s9;
	s6 =	sadd.s32 @!p0 $0x88, s6;
	s7 =	simm.s32 @p2 $0x1082  }
0x22: {  	[simem:s7], [sflag:s8] =	dma.local @!p0 [hbm:s6], $0xF7A  }
0x23: {  	s9 =	sor.u32 $0xD0000000, s2;
	s6 =	simm.s32 $0x108;
	_ =	swait.ge @!p0 [sflag:s8], $0x0  }
0x24: {  	s3 =	sadd.s32 $0x88, s3;
	s6 =	simm.s32 @!p1 $0x1082;
	[sflag:s4] =	ssyncset.s32 $0xFFFFF086  }
0x25: {  	[simem:s6], [sflag:s4] =	dma.local [hbm:s3], $0xF7A  }
0x26: {  	[smem:$0x3F9D] =	sst s1;
	(tag) =	ssettag s2;
	_ =	strace s9  }
0x27: {  	s1 =	sld [smem:$0x3FAD]  }
0x28: {  	s2 =	sld [smem:$0x3FAE]  }
0x29: {  	s4 =	sld [smem:$0x3FB0]  }
0x2a: {  	p0 =	seq.s32 s5, $0x0;
	s5 =	sld [smem:$0x3FB1]  }
0x2b: {  	s6 =	sld [smem:$0x3FB2]  }
0x2c: {  	s7 =	sld [smem:$0x3FB3]  }
0x2d: {  	s3 =	simm.s32 $0x108;
	s8 =	sld [smem:$0x3FB4]  }
0x2e: {  	s3 =	simm.s32 @!p0 $0x1082;
	s9 =	sld [smem:$0x3FB5]  }
0x2f: {  	lr =	sadd.s32 s0, s3;
	s0 =	sld [smem:$0x3FAC]  }
0x30: {  	s3 =	sld [smem:$0x3FAF]  }
0x31: {  	[smem:$0x3FB8] =	sst s10  }
0x32: {  	s10 =	sld [smem:$0x3FB6];
	_ =	sdelay $0x3  }
0x33: {  	p0 =	seq.s32 s10, $0x1;
	s10 =	sld [smem:$0x3FB8];
	_ =	sdelay $0x3  }
0x34: {  	[smem:$0x3FB8] =	sst s10  }
0x35: {  	s10 =	sld [smem:$0x3FB7];
	_ =	sdelay $0x3  }
0x36: {  	p1 =	seq.s32 s10, $0x1;
	s10 =	sld [smem:$0x3FB8];
	_ =	sdelay $0x3  }
0x37: {  	[smem:$0x3FB8] =	sst s10  }
0x38: {  	s10 =	sld [smem:$0x3FB9]  }
0x39: {  	_ = 	snop;
	(pc) =	sbr.ind lr, $3  }
0x3a: {  	_ = 	snop  }
0x3b: {  	_ = 	snop  }
0x3c: {  	p2 =	seq.s32 s10, $0x1;
	s10 =	sld [smem:$0x3FB8]  }
0x3d: {  	_ =	shalt  }
0x3e: {  	_ =	shalt  }
0x3f: {  	_ =	shalt  }
0x40: {  	_ =	shalt  }
0x41: {  	_ =	shalt  }
0x42: {  	_ =	shalt  }
0x43: {  	_ =	shalt  }
0x44: {  	_ =	shalt  }
0x45: {  	_ =	shalt  }
0x46: {  	_ =	shalt  }
0x47: {  	_ =	shalt  }
0x48: {  	_ =	shalt  }
0x49: {  	_ =	shalt  }
0x4a: {  	_ =	shalt  }
0x4b: {  	_ =	shalt  }
0x4c: {  	_ =	shalt  }
0x4d: {  	_ =	shalt  }
0x4e: {  	_ =	shalt  }
0x4f: {  	_ =	shalt  }
0x50: {  	_ =	shalt  }
0x51: {  	_ =	shalt  }
0x52: {  	_ =	shalt  }
0x53: {  	_ =	shalt  }
0x54: {  	_ =	shalt  }
0x55: {  	_ =	shalt  }
0x56: {  	_ =	shalt  }
0x57: {  	_ =	shalt  }
0x58: {  	_ =	shalt  }
0x59: {  	_ =	shalt  }
0x5a: {  	_ =	shalt  }
0x5b: {  	_ =	shalt  }
0x5c: {  	_ =	shalt  }
0x5d: {  	_ =	shalt  }
0x5e: {  	_ =	shalt  }
0x5f: {  	_ =	shalt  }
0x60: {  	_ =	shalt  }
0x61: {  	_ =	shalt  }
0x62: {  	_ =	shalt  }
0x63: {  	_ =	shalt  }
0x64: {  	_ =	shalt  }
0x65: {  	_ =	shalt  }
0x66: {  	_ =	shalt  }
0x67: {  	_ =	shalt  }
0x68: {  	_ =	shalt  }
0x69: {  	_ =	shalt  }
0x6a: {  	_ =	shalt  }
0x6b: {  	_ =	shalt  }
0x6c: {  	_ =	shalt  }
0x6d: {  	_ =	shalt  }
0x6e: {  	_ =	shalt  }
0x6f: {  	_ =	shalt  }
0x70: {  	_ =	shalt  }
0x71: {  	_ =	shalt  }
0x72: {  	_ =	shalt  }
0x73: {  	_ =	shalt  }
0x74: {  	_ =	shalt  }
0x75: {  	_ =	shalt  }
0x76: {  	_ =	shalt  }
0x77: {  	_ =	shalt  }
0x78: {  	_ =	shalt  }
0x79: {  	_ =	shalt  }
0x7a: {  	_ =	shalt  }
0x7b: {  	_ =	shalt  }
0x7c: {  	_ =	shalt  }
0x7d: {  	_ =	shalt  }
0x7e: {  	_ =	shalt  }
0x7f: {  	_ =	shalt  }
0x80: {  	_ =	shalt  }
0x81: {  	_ =	shalt  }
0x82: {  	_ =	shalt  }
0x83: {  	_ =	shalt  }
0x84: {  	_ =	shalt  }
0x85: {  	_ =	shalt  }
0x86: {  	_ =	shalt  }
0x87: {  	_ =	shalt  }
.Lfunc_end0:
.L_simem_size_0:
called_computation_lowered:
.L_overlay_start_0:
0x88: {  	s2 =	sld [smem:$0x3FD9]  }
0x89: {  	s3 =	sld [smem:$0x3FFE];
	_ =	sdelay $0x1  }
0x8a: {  	s1 =	srdreg.scid  }
0x8b: {  	s0 =	sand.u32 $0x1, s1  }
0x8c: {  	s17 =	sshll.u32 s0, $0xA;
	s2 =	sadd.s32 s3, s2  }
0x8d: {  	s2 =	sadd.s32 s2, s17  }
0x8e: {  	[smem:$0x3FC4] =	sst s2  }
0x8f: {  	_ = 	snop  }
0x90: {  	s4 =	sld [smem:$0x3FC9]  }
0x91: {  	s18 =	sld [smem:$0x3FD0];
	(tm) =	ssettm $0x1  }
0x92: {  	s19 =	sld [smem:$0x3FFB];
	_ =	sdelay $0x3  }
0x93: {  	_ =	strace s19  }
0x94: {  	s2 =	sld [smem:$0x3FFC];
	_ =	sdelay $0x3  }
0x95: {  	_ =	strace s2  }
0x96: {  	s2 =	sld [smem:$0x3FFD];
	_ =	sdelay $0x3  }
0x97: {  	_ =	strace s2  }
0x98: {  	_ =	strace $0x8FFFFFFF  }
0x99: {  	s20 =	sld [smem:$0x3FDB];
	_ =	sdelay $0x1  }
0x9a: {  	s5 =	simm.s32 $_scs_section_size  }
0x9b: {  	s6 =	simm.s32 $_size__tile_overlayer_lowered;
	s7 =	simm.s32 $_tile_overlayer_lowered  }
0x9c: {  	s8 =	simm.s32 $0x1BFF;
	s21 =	sshll.u32 s7, $0x1;
	s5 =	sadd.s32 s5, s20  }
0x9d: {  	s22 =	simm.s32 $0x0;
	s6 =	sshll.u32 s6, $0x1;
	s7 =	sadd.s32 s21, s5  }
0x9e: {  	[timem:s22], [sflag:s8] =	dma.local [hbm:s7], s6  }
0x9f: {  	_ =	swait.ge [sflag:s8], s6  }
0xa0: {  	s6 =	ssub.s32 $0x0, s6;
	[sflag:s8] =	ssyncset.done $0x0  }
0xa1: {  	[sflag:s8] =	ssyncadd.s32 s6;
	_ =	sdelay $0x1  }
0xa2: {  	s23 =	simm.s32 $0x1B8B  }
0xa3: {  	_ =	swait.ge [sflag:s23], $0x1  }
0xa4: {  	[sflag:s23] =	ssyncset.done $0x0  }
0xa5: {  	[sflag:s23] =	ssyncadd.s32 $0xFFFFFFFF  }
0xa6: {  	s6 =	sld [smem:$0x0]  }
0xa7: {  	s7 =	sand.u32 $0xFFFFFFFE, s1  }
0xa8: {  	p0 =	sne.s32 s1, s7  }
0xa9: {  	s7 =	sshll.u32 @p0 s7, $0xE  }
0xaa: {  	s7 =	sadd.s32 @p0 $0x11B8D, s7;
	s8 =	sshll.u32 @p0 s6, $0x11  }
0xab: {  	s7 =	sor.u32 @p0 s8, s7  }
0xac: {  	[sflag:s7] =	ssyncadd.remote.s32 @p0 $0x1;
	_ =	sdelay $0x1  }
0xad: {  	s7 =	simm.s32 @p0 $0x1B8D  }
0xae: {  	_ =	swait.eq @p0 [sflag:s7], $0x1  }
0xaf: {  	[sflag:s7] =	ssyncadd.s32 @p0 $0xFFFFFFFF  }
0xb0: {  	s8 =	sshll.u32 @!p0 s1, $0xE  }
0xb1: {  	s8 =	sor.u32 @!p0 $0x4000, s8;
	s7 =	simm.s32 @!p0 $0x1B8D  }
0xb2: {  	s6 =	sshll.u32 @!p0 s6, $0x11;
	s8 =	sadd.s32 @!p0 $0x11B8D, s8;
	_ =	swait.eq @!p0 [sflag:s7], $0x1  }
0xb3: {  	s6 =	sor.u32 @!p0 s6, s8;
	[sflag:s7] =	ssyncadd.s32 @!p0 $0xFFFFFFFF  }
0xb4: {  	s25 =	simm.s32 $0x1B8E;
	s24 =	sld [smem:$0x3FFE];
	[sflag:s6] =	ssyncadd.remote.s32 @!p0 $0x1  }
0xb5: {  	s26 =	simm.s32 $execute0_lowered;
	[smem:$0x3FD2] =	sst s25  }
0xb6: {  	s7 =	sshll.u32 s26, $0x1;
	_ =	strace $0x80000049;
	[dreg:$0x1] =	wrdreg $0xFFFFFFFF  }
0xb7: {  	s28 =	simm.s32 $_size_execute0_lowered;
	s5 =	sadd.s32 s5, s7;
	[dreg:$0x0] =	wrdreg $0x0  }
0xb8: {  	s7 =	sshll.u32 s28, $0x1;
	[dreg:$0x2] =	wrdreg s5  }
0xb9: {  	[dreg:$0x3] =	wrdreg s7  }
0xba: {  	[dreg:$0x4] =	wrdreg $0xC0  }
0xbb: {  	_ =	task [dreg:s22], $0x5FFFF  }
0xbc: {  	[dreg:$0x1] =	wrdreg $0xFFFFFFFF  }
0xbd: {  	[dreg:$0x0] =	wrdreg $0x60  }
0xbe: {  	[dreg:$0x2] =	wrdreg s4  }
0xbf: {  	[dreg:$0x3] =	wrdreg s24  }
0xc0: {  	[dreg:$0x4] =	wrdreg s18  }
0xc1: {  	[dreg:$0x5] =	wrdreg $0x0  }
0xc2: {  	[dreg:$0x6] =	wrdreg $0x9  }
0xc3: {  	_ =	task.clear_ibuf [dreg:s22], $0x7FFFF;
	_ =	strace $0x90000049  }
0xc4: {  	s29 =	simm.s32 $0x9;
	_ =	strace $0x8000004B  }
0xc5: {  	_ =	swait.ge [sflag:s29], $0x1  }
0xc6: {  	[sflag:s29] =	ssyncadd.s32 $0xFFFFFFFF  }
0xc7: {  	_ =	strace $0x9000004B  }
0xc8: {  	_ =	sfence  }
0xc9: {  	s30 =	sld [smem:$0x0];
	_ =	sdelay $0x2  }
0xca: {  	s31 =	sshll.u32 s1, $0xD;
	s1 =	sshrl.u32 s1, $0x2  }
0xcb: {  	s4 =	sand.u32 $0x4000, s31;
	s1 =	sadd.s32 s1, s30  }
0xcc: {  	s0 =	sor.u32 s4, s0;
	s1 =	sshll.u32 s1, $0x11  }
0xcd: {  	s0 =	sor.u32 s1, s0  }
0xce: {  	s0 =	sadd.s32 $0x8F2B, s0  }
0xcf: {  	[sflag:s0] =	ssyncadd.remote.s32 $0x1  }
0xd0: {  	_ =	sfence.sel $0xFFFF  }
0xd1: {  	[dreg:$0x0] =	wrdreg $0xFFFFFFFF;
	(pc) =	sbr.abs _section_cstart, $3  }
0xd2: {  	[dreg:$0x1] =	wrdreg $0xFFFFFFFF  }
0xd3: {  	_ =	task.clear_ibuf [dreg:s22], $0x2FFFF;
	_ =	strace $0x9FFFFFFF  }
0xd4: {  	(tm) =	ssettm $0x7FFFFFFF  }
0xd5: {  	_ =	shalt  }
tec
execute0_lowered:
.L_overlay_start_1:
0x0: {  	(tag) =	ssettag $0x1  }
0x1: {  	s10 =	rddreg [dreg:$0x0]  }
0x2: {  	s4 =	rddreg [dreg:$0x1]  }
0x3: {  	s0 =	srdreg.scid;
	s1 =	stileid.u32  }
0x4: {  	s11 =	rddreg [dreg:$0x2];
	s9 =	smul.u32 $0x14000, s1  }
0x5: {  	s2 =	rddreg [dreg:$0x3];
	s3 =	simm.s32 $0x0;
	s15 =	smul.u32 $0x50000, s1  }
0x6: {  	s8 =	sand.u32 $0x1, s0;
	s0 =	rddreg [dreg:$0x4];
	s29 =	smul.u32 $0x4F, s1  }
0x7: {  	[smem:$0x7FF] =	sst s3;
	s5 =	sshll.u32 s8, $0x4;
	s17 =	smul.u32 $0x4F0, s8  }
0x8: {  	s28 =	sshll.u32 s1, $0x6;
	s18 =	smul.u32 $0x140000, s8;
	s5 =	sor.u32 s1, s5  }
0x9: {  	_ =	strace $0x8000004A;
	s23 =	ssub.s32 $0x2, s8;
	s6 =	smul.u32 $0x4F0, s5  }
0xa: {  	s13 =	sshrl.u32 s9, $0x3;
	s14 =	sshrl.u32 s23, $0x1;
	s12 =	smul.u32 $0x4F, s5  }
0xb: {  	s25 =	sshrl.u32 s15, $0x2;
	s13 =	sadd.s32 s13, s4;
	s16 =	smul.u32 $0x27800, s5  }
0xc: {  	s14 =	ssub.s32 s23, s14;
	s26 =	smul.u32 $0x13C000, s5;
	s15 =	sadd.s32 s25, s2  }
0xd: {  	s30 =	sadd.s32 s9, s18;
	s18 =	simm.s32 $0x0;
	s5 =	sadd.s32 $0xBA00, s13  }
0xe: {  	s13 =	sadd.s32 s29, s17;
	s31 =	sshrl.u32 s30, $0x3;
	s17 =	simm.s32 $0x1A780  }
0xf: {  	s7 =	sadd.s32 s6, s4;
	s24 =	ssub.s32 $0x9C4, s12;
	s6 =	sor.u32 $0x1C03, s28  }
0x10: {  	s8 =	sadd.s32 s10, s16;
	s12 =	sshrl.u32 s26, $0x3;
	s13 =	sshll.u32 s13, $0xB  }
0x11: {  	s16 =	simm.s32 $0x16780;
	s4 =	smin.u32 s24, $0x4F;
	s7 =	sadd.s32 $0x1400, s7  }
0x12: {  	s12 =	sadd.s32 s10, s12;
	s13 =	sadd.s32 s13, s10;
	s10 =	sadd.s32 s11, s31  }
0x13: {  	s11 =	smax.u32 s14, $0x1;
	s14 =	sshrl.u32 s15, $0x3;
	s15 =	simm.s32 $0x3  }
0x14: {  	s9 =	sadd.s32 $0x800, s12;
	s12 =	sadd.s32 $0x1000, s13;
	s13 =	sadd.s32 $0x1800, s13  }
.LBB2_1:
0x15: {  	[spmem:s14], [sflag:s6] =	dma.local [hbm:s5], $0x2800  }
0x16: {  	_ =	swait.ge [sflag:s15], $0x2800  }
0x17: {  	[sflag:s15] =	ssyncset.done $0x0  }
0x18: {  	s19 =	simm.s32 $0x14000;
	[sflag:s15] =	ssyncadd.s32 $0xFFFFD800  }
0x19: {  	[tilespmem:s19], [sflag:$0x3] =	stream.linear.gather [hbm4b:s7+s3], $0x2780, $0x38;
	[tilespmem:$0x1E780] =	vst v63  }
0x1a: {  	_ =	swait.ge [sflag:s15], $0x2780  }
0x1b: {  	[sflag:s15] =	ssyncset.done $0x0  }
0x1c: {  	[sflag:s15] =	ssyncadd.s32 $0xFFFFD880  }
0x1d: {  	p0 =	sle.u32 s4, $0x0;
	[bflag:$0x0] =	sbarrier.arrive $0xFFFF  }
0x1e: {  	[tilespmem:s16], [sflag:$0x1] =	stream.linear.gather [hbm4b:s8+s3], $0x4000, $0x38;
	[tilespmem:$0x1E780] =	vst v63  }
0x1f: {  	s20 =	simm.s32 @!p0 $0x1;
	p0 =	por p0, p0  }
0x20: {  	[tilespmem:s17], [sflag:$0x2] =	stream.linear.gather [hbm4b:s9+s3], $0x4000, $0x38;
	[tilespmem:$0x1E780] =	vst v63  }
0x21: {  	_ =	swait.ge @!p0 [sflag:s20], $0x4000  }
0x22: {  	p2 =	sle.u32 s4, $0x2;
	s21 =	simm.s32 @!p0 $0x80;
	[sflag:s20] =	ssyncset.done @!p0 $0x0  }
0x23: {  	s22 =	simm.s32 @!p0 $0x16780;
	[sflag:s20] =	ssyncadd.s32 @!p0 $0xFFFFC000;
	s20 =	simm.s32 @!p0 $0x3  }
0x24: {  	[spmem:s2] =	stream.indirect.scatter.add.f32 @!p0 [tilespmem:s22], [sflag:$0x3], $0x80, s19, s21, $0xb8;
	[tilespmem:$0x1E780] =	vst v63  }
0x25: {  	p1 =	sle.u32 s4, $0x1;
	s23 =	simm.s32 $0x4;
	_ =	swait.ge @!p0 [sflag:s20], $0x4000  }
0x26: {  	s28 =	simm.s32 $0x3;
	s21 =	simm.s32 @!p2 $0x0;
	[sflag:s20] =	ssyncset.done @!p0 $0x0  }
0x27: {  	s22 =	simm.s32 @!p2 $0x16780;
	[sflag:s20] =	ssyncadd.s32 @!p0 $0xFFFFC000;
	s20 =	simm.s32 @!p1 $0x2  }
0x28: {  	[tilespmem:s22], [sflag:$0x1] =	stream.linear.gather @!p2 [hbm4b:s12+s21], $0x4000, $0x38;
	[tilespmem:$0x1E780] =	vst v63  }
0x29: {  	s25 =	smov.u32 s13;
	s24 =	simm.s32 $0x4;
	_ =	swait.ge @!p1 [sflag:s20], $0x4000  }
0x2a: {  	s26 =	simm.s32 @!p1 $0x3;
	s21 =	simm.s32 @!p1 $0x1A780;
	[sflag:s20] =	ssyncset.done @!p1 $0x0  }
0x2b: {  	s22 =	simm.s32 @!p1 $0x80;
	[sflag:s20] =	ssyncadd.s32 @!p1 $0xFFFFC000;
	s20 =	simm.s32 @!p1 $0x14080  }
0x2c: {  	[spmem:s2] =	stream.indirect.scatter.add.f32 @!p1 [tilespmem:s21], [sflag:$0x3], $0x80, s20, s22, $0xb8;
	[tilespmem:$0x1E780] =	vst v63  }
0x2d: {  	s19 =	simm.s32 $0x2;
	p0 =	sle.u32 s4, $0x2;
	s20 =	sadd.s32 $0x1000, s13  }
0x2e: {  	s22 =	sadd.s32 $0x1000, s12;
	s21 =	simm.s32 $0x14100;
	_ =	swait.ge @!p1 [sflag:s26], $0x4000  }
.LBB2_2:
0x2f: {  	s29 =	simm.s32 @!p0 $0x1;
	[sflag:s26] =	ssyncset.done @!p1 $0x0;
	p4 =	sge.u32 s28, s4  }
0x30: {  	s28 =	smov.u32 s19;
	s19 =	smov.u32 s23;
	p3 =	por p0, p0  }
0x31: {  	s23 =	sadd.s32 $0x2, s23;
	p0 =	sge.u32 s19, s4;
	s30 =	simm.s32 @!p4 $0x0  }
0x32: {  	p2 =	sne.s32 s23, $0x50;
	[sflag:s26] =	ssyncadd.s32 @!p1 $0xFFFFC000;
	s26 =	simm.s32 @!p4 $0x1A780  }
0x33: {  	[tilespmem:s26], [sflag:$0x2] =	stream.linear.gather @!p4 [hbm4b:s25+s30], $0x4000, $0x38;
	[tilespmem:$0x1E780] =	vst v63  }
0x34: {  	s26 =	simm.s32 @!p3 $0x80;
	s30 =	simm.s32 @!p3 $0x16780;
	_ =	swait.ge @!p3 [sflag:s29], $0x4000  }
0x35: {  	s31 =	sadd.s32 $0x1, s28;
	s25 =	smov.u32 s20;
	[sflag:s29] =	ssyncset.done @!p3 $0x0  }
0x36: {  	p4 =	sge.u32 s24, s4;
	[sflag:s29] =	ssyncadd.s32 @!p3 $0xFFFFC000;
	s29 =	simm.s32 @!p3 $0x3  }
0x37: {  	[spmem:s2] =	stream.indirect.scatter.add.f32 @!p3 [tilespmem:s30], [sflag:$0x3], $0x80, s21, s26, $0xb8;
	[tilespmem:$0x1E780] =	vst v63  }
0x38: {  	s26 =	simm.s32 @!p4 $0x0;
	s30 =	simm.s32 @!p4 $0x16780;
	_ =	swait.ge @!p3 [sflag:s29], $0x4000  }
0x39: {  	p1 =	sge.u32 s31, s4;
	s24 =	smov.u32 s23;
	[sflag:s29] =	ssyncset.done @!p3 $0x0  }
0x3a: {  	s20 =	sadd.s32 $0x1000, s20;
	[sflag:s29] =	ssyncadd.s32 @!p3 $0xFFFFC000;
	s29 =	simm.s32 @!p1 $0x2  }
0x3b: {  	[tilespmem:s30], [sflag:$0x1] =	stream.linear.gather @!p4 [hbm4b:s22+s26], $0x4000, $0x38;
	[tilespmem:$0x1E780] =	vst v63  }
.Ltmp0:
0x3c: {  	s22 =	sadd.s32 $0x1000, s22;
	_ =	swait.ge @!p1 [sflag:s29], $0x4000;
	(pc) =	sbr.rel @p2 .LBB2_2-.Ltmp0, $4  }
0x3d: {  	s30 =	simm.s32 @!p1 $0x1A780;
	s26 =	simm.s32 @!p1 $0x3;
	[sflag:s29] =	ssyncset.done @!p1 $0x0  }
0x3e: {  	s31 =	simm.s32 @!p1 $0x80;
	[sflag:s29] =	ssyncadd.s32 @!p1 $0xFFFFC000;
	s29 =	sadd.s32 @!p1 $0x80, s21  }
0x3f: {  	[spmem:s2] =	stream.indirect.scatter.add.f32 @!p1 [tilespmem:s30], [sflag:$0x3], $0x80, s29, s31, $0xb8;
	[tilespmem:$0x1E780] =	vst v63  }
0x40: {  	s28 =	sadd.s32 $0x3, s28;
	s21 =	sadd.s32 $0x100, s21;
	_ =	swait.ge @!p1 [sflag:s26], $0x4000  }
0x41: {  	s23 =	simm.s32 @!p0 $0x1  }
0x42: {  	[sflag:s26] =	ssyncset.done @!p1 $0x0;
	p2 =	sge.u32 s28, s4;
	p0 =	por p0, p0  }
0x43: {  	s28 =	simm.s32 @!p2 $0x0;
	[sflag:s26] =	ssyncadd.s32 @!p1 $0xFFFFC000;
	s26 =	simm.s32 @!p2 $0x1A780  }
0x44: {  	[tilespmem:s26], [sflag:$0x2] =	stream.linear.gather @!p2 [hbm4b:s25+s28], $0x4000, $0x38;
	[tilespmem:$0x1E780] =	vst v63  }
0x45: {  	_ =	swait.ge @!p0 [sflag:s23], $0x4000  }
0x46: {  	s25 =	simm.s32 @!p0 $0x80;
	[sflag:s23] =	ssyncset.done @!p0 $0x0  }
0x47: {  	s26 =	simm.s32 @!p0 $0x16780;
	[sflag:s23] =	ssyncadd.s32 @!p0 $0xFFFFC000;
	s23 =	simm.s32 @!p0 $0x3  }
0x48: {  	[spmem:s2] =	stream.indirect.scatter.add.f32 @!p0 [tilespmem:s26], [sflag:$0x3], $0x80, s21, s25, $0xb8;
	[tilespmem:$0x1E780] =	vst v63  }
0x49: {  	s30 =	sadd.s32 $0x1, s19;
	p2 =	sge.u32 s24, s4;
	_ =	swait.ge @!p0 [sflag:s23], $0x4000  }
0x4a: {  	p1 =	sge.u32 s30, s4;
	s24 =	simm.s32 @!p2 $0x0;
	[sflag:s23] =	ssyncset.done @!p0 $0x0  }
0x4b: {  	s25 =	simm.s32 @!p2 $0x16780;
	[sflag:s23] =	ssyncadd.s32 @!p0 $0xFFFFC000;
	s23 =	simm.s32 @!p1 $0x2  }
0x4c: {  	[tilespmem:s25], [sflag:$0x1] =	stream.linear.gather @!p2 [hbm4b:s22+s24], $0x4000, $0x38;
	[tilespmem:$0x1E780] =	vst v63  }
0x4d: {  	_ =	swait.ge @!p1 [sflag:s23], $0x4000  }
0x4e: {  	s21 =	sadd.s32 @!p1 $0x80, s21;
	s22 =	simm.s32 @!p1 $0x1A780;
	[sflag:s23] =	ssyncset.done @!p1 $0x0  }
0x4f: {  	s24 =	simm.s32 @!p1 $0x3;
	[sflag:s23] =	ssyncadd.s32 @!p1 $0xFFFFC000;
	s23 =	simm.s32 @!p1 $0x80  }
0x50: {  	[spmem:s2] =	stream.indirect.scatter.add.f32 @!p1 [tilespmem:s22], [sflag:$0x3], $0x80, s21, s23, $0xb8;
	[tilespmem:$0x1E780] =	vst v63  }
0x51: {  	s31 =	sadd.s32 $0x3, s19;
	_ =	swait.ge @!p1 [sflag:s24], $0x4000  }
0x52: {  	s18 =	sadd.s32 $0x1, s18;
	p0 =	sge.u32 s31, s4;
	[sflag:s24] =	ssyncset.done @!p1 $0x0  }
0x53: {  	s19 =	simm.s32 @!p0 $0x0;
	s21 =	simm.s32 @!p0 $0x1A780;
	[sflag:s24] =	ssyncadd.s32 @!p1 $0xFFFFC000  }
0x54: {  	[tilespmem:s21], [sflag:$0x2] =	stream.linear.gather @!p0 [hbm4b:s20+s19], $0x4000, $0x38;
	[tilespmem:$0x1E780] =	vst v63  }
0x55: {  	p0 =	sne.s32 s18, s11  }
.Ltmp1:
0x56: {  	[bflag:$0x0] =	sbarrier.arrive $0xFFFF;
	(pc) =	sbr.rel @p0 .LBB2_1-.Ltmp1, $4  }
0x57: {  	[hbm:s10], [sflag:s6] =	dma.local [spmem:s14], $0x2800  }
0x58: {  	_ =	swait.ge [sflag:s15], $0x2800  }
0x59: {  	[sflag:s15] =	ssyncset.done $0x0  }
0x5a: {  	[sflag:s15] =	ssyncadd.s32 $0xFFFFD800  }
0x5b: {  	_ =	sfence.sel $0x180000  }
0x5c: {  	[bflag:$0x0] =	sbarrier.arrive $0xFFFF  }
0x5d: {  	p0 =	sne.s32 s1, $0x0;
	_ =	strace $0x9000004A  }
0x5e: {  	s0 =	sadd.s32 @!p0 $0x100000, s0;
	[bflag:$0x2] =	sbarrier.arrive $0xFFFF  }
0x5f: {  	[sflag:s0] =	ssyncadd.tile.s32 @!p0 $0x1;
	_ =	shalt  }
.Lfunc_end2:
_tile_overlayer_lowered:
.L_overlay_start_2:
0x60: {  	(tag) =	ssettag $0x2  }
0x61: {  	s0 =	rddreg [dreg:$0x0];
	s2 =	stileid.u32  }
0x62: {  	s1 =	rddreg [dreg:$0x1];
	p0 =	sne.s32 s2, $0x0  }
0x63: {  	s3 =	rddreg [dreg:$0x2];
	[bflag:$0x3] =	sbarrier.arrive $0xFFFF;
	s2 =	simm.s32 @!p0 $0x1C03  }
0x64: {  	[timem:s3], [sflag:s2] =	dma.local @!p0 [hbm:s0], s1  }
0x65: {  	s0 =	simm.s32 @!p0 $0x3  }
0x66: {  	_ =	swait.ge @!p0 [sflag:s0], s1  }
0x67: {  	s1 =	ssub.s32 @!p0 $0x0, s1;
	[sflag:s0] =	ssyncset.done @!p0 $0x0  }
0x68: {  	[sflag:s0] =	ssyncadd.s32 @!p0 s1  }
0x69: {  	[bflag:$0x3] =	sbarrier.arrive $0xFFFF  }
0x6a: {  	_ =	shalt  }

// kernel: kernel.9.cloned.1.call-start
scs
__scs_entry_jumppad:
0x0: {  	(pc) =	sbr.rel $0x88, $3  }
0x1: {  	(tag) =	ssettag $0x0;
	lr =	simm.s32 $0x1  }
0x2: {  	[smem:$0x3F9D] =	sst lr;
	_ =	strace $0xD0000000  }
0x3: {  	_ = 	snop  }
0x4: {  	_ = 	snop  }
0x5: {  	_ = 	snop  }
0x6: {  	_ = 	snop  }
0x7: {  	_ = 	snop  }
__scs_overlays_trampoline_lowered:
0x8: {  	[smem:$0x3FAC] =	sst s0  }
0x9: {  	[smem:$0x3FAD] =	sst s1  }
0xa: {  	[smem:$0x3FAE] =	sst s2  }
0xb: {  	[smem:$0x3FAF] =	sst s3  }
0xc: {  	[smem:$0x3FB0] =	sst s4  }
0xd: {  	[smem:$0x3FB1] =	sst s5  }
0xe: {  	[smem:$0x3FB2] =	sst s6  }
0xf: {  	[smem:$0x3FB3] =	sst s7  }
0x10: {  	[smem:$0x3FB4] =	sst s8  }
0x11: {  	[smem:$0x3FB5] =	sst s9;
	s0 =	simm.s32 @!p0 $0x0  }
0x12: {  	s1 =	sld [smem:$0x3F9B];
	s0 =	simm.s32 @p0 $0x1  }
0x13: {  	[smem:$0x3FB6] =	sst s0;
	s0 =	simm.s32 @!p1 $0x0  }
0x14: {  	s2 =	sld [smem:$0x3F9A];
	s0 =	simm.s32 @p1 $0x1  }
0x15: {  	[smem:$0x3FB7] =	sst s0;
	s0 =	simm.s32 @!p2 $0x0  }
0x16: {  	s3 =	sld [smem:$0x3FDB];
	s0 =	simm.s32 @p2 $0x1  }
0x17: {  	s4 =	simm.s32 $0x1BF5;
	[smem:$0x3FB9] =	sst s0  }
0x18: {  	s0 =	sld [smem:$0x3F9C];
	_ =	swait.ge [sflag:s4], $0x0  }
0x19: {  	s7 =	sld [smem:$0x3F9D]  }
0x1a: {  	s8 =	sadd.s32 $0xFFFFE003, lr  }
0x1b: {  	s9 =	sadd.s32 $0xFFFFFEF7, lr;
	s5 =	simm.s32 $0xFFFFFFFF;
	p2 =	slt.u32 s8, $0xFFFFF086  }
0x1c: {  	p1 =	slt.u32 s9, $0xF7A;
	s5 =	simm.s32 @!p2 $0x0  }
0x1d: {  	s5 =	simm.s32 @p1 $0x1;
	p0 =	seq.s32 s7, s2  }
0x1e: {  	s7 =	smul.u32 @!p0 $0xF7A, s2;
	p2 =	seq.s32 @!p0 s5, $0x0  }
0x1f: {  	s9 =	smul.u32 $0xF7A, s1;
	s8 =	simm.s32 @!p0 $0x1BF5;
	p2 =	por !p2, p0  }
0x20: {  	[sflag:s8] =	ssyncset.s32 @!p0 $0xFFFFF086;
	s6 =	sadd.s32 @!p0 s3, s7;
	s7 =	simm.s32 @!p0 $0x108  }
0x21: {  	s3 =	sadd.s32 s3, s9;
	s6 =	sadd.s32 @!p0 $0x88, s6;
	s7 =	simm.s32 @p2 $0x1082  }
0x22: {  	[simem:s7], [sflag:s8] =	dma.local @!p0 [hbm:s6], $0xF7A  }
0x23: {  	s9 =	sor.u32 $0xD0000000, s2;
	s6 =	simm.s32 $0x108;
	_ =	swait.ge @!p0 [sflag:s8], $0x0  }
0x24: {  	s3 =	sadd.s32 $0x88, s3;
	s6 =	simm.s32 @!p1 $0x1082;
	[sflag:s4] =	ssyncset.s32 $0xFFFFF086  }
0x25: {  	[simem:s6], [sflag:s4] =	dma.local [hbm:s3], $0xF7A  }
0x26: {  	[smem:$0x3F9D] =	sst s1;
	(tag) =	ssettag s2;
	_ =	strace s9  }
0x27: {  	s1 =	sld [smem:$0x3FAD]  }
0x28: {  	s2 =	sld [smem:$0x3FAE]  }
0x29: {  	s4 =	sld [smem:$0x3FB0]  }
0x2a: {  	p0 =	seq.s32 s5, $0x0;
	s5 =	sld [smem:$0x3FB1]  }
0x2b: {  	s6 =	sld [smem:$0x3FB2]  }
0x2c: {  	s7 =	sld [smem:$0x3FB3]  }
0x2d: {  	s3 =	simm.s32 $0x108;
	s8 =	sld [smem:$0x3FB4]  }
0x2e: {  	s3 =	simm.s32 @!p0 $0x1082;
	s9 =	sld [smem:$0x3FB5]  }
0x2f: {  	lr =	sadd.s32 s0, s3;
	s0 =	sld [smem:$0x3FAC]  }
0x30: {  	s3 =	sld [smem:$0x3FAF]  }
0x31: {  	[smem:$0x3FB8] =	sst s10  }
0x32: {  	s10 =	sld [smem:$0x3FB6];
	_ =	sdelay $0x3  }
0x33: {  	p0 =	seq.s32 s10, $0x1;
	s10 =	sld [smem:$0x3FB8];
	_ =	sdelay $0x3  }
0x34: {  	[smem:$0x3FB8] =	sst s10  }
0x35: {  	s10 =	sld [smem:$0x3FB7];
	_ =	sdelay $0x3  }
0x36: {  	p1 =	seq.s32 s10, $0x1;
	s10 =	sld [smem:$0x3FB8];
	_ =	sdelay $0x3  }
0x37: {  	[smem:$0x3FB8] =	sst s10  }
0x38: {  	s10 =	sld [smem:$0x3FB9]  }
0x39: {  	_ = 	snop;
	(pc) =	sbr.ind lr, $3  }
0x3a: {  	_ = 	snop  }
0x3b: {  	_ = 	snop  }
0x3c: {  	p2 =	seq.s32 s10, $0x1;
	s10 =	sld [smem:$0x3FB8]  }
0x3d: {  	_ =	shalt  }
0x3e: {  	_ =	shalt  }
0x3f: {  	_ =	shalt  }
0x40: {  	_ =	shalt  }
0x41: {  	_ =	shalt  }
0x42: {  	_ =	shalt  }
0x43: {  	_ =	shalt  }
0x44: {  	_ =	shalt  }
0x45: {  	_ =	shalt  }
0x46: {  	_ =	shalt  }
0x47: {  	_ =	shalt  }
0x48: {  	_ =	shalt  }
0x49: {  	_ =	shalt  }
0x4a: {  	_ =	shalt  }
0x4b: {  	_ =	shalt  }
0x4c: {  	_ =	shalt  }
0x4d: {  	_ =	shalt  }
0x4e: {  	_ =	shalt  }
0x4f: {  	_ =	shalt  }
0x50: {  	_ =	shalt  }
0x51: {  	_ =	shalt  }
0x52: {  	_ =	shalt  }
0x53: {  	_ =	shalt  }
0x54: {  	_ =	shalt  }
0x55: {  	_ =	shalt  }
0x56: {  	_ =	shalt  }
0x57: {  	_ =	shalt  }
0x58: {  	_ =	shalt  }
0x59: {  	_ =	shalt  }
0x5a: {  	_ =	shalt  }
0x5b: {  	_ =	shalt  }
0x5c: {  	_ =	shalt  }
0x5d: {  	_ =	shalt  }
0x5e: {  	_ =	shalt  }
0x5f: {  	_ =	shalt  }
0x60: {  	_ =	shalt  }
0x61: {  	_ =	shalt  }
0x62: {  	_ =	shalt  }
0x63: {  	_ =	shalt  }
0x64: {  	_ =	shalt  }
0x65: {  	_ =	shalt  }
0x66: {  	_ =	shalt  }
0x67: {  	_ =	shalt  }
0x68: {  	_ =	shalt  }
0x69: {  	_ =	shalt  }
0x6a: {  	_ =	shalt  }
0x6b: {  	_ =	shalt  }
0x6c: {  	_ =	shalt  }
0x6d: {  	_ =	shalt  }
0x6e: {  	_ =	shalt  }
0x6f: {  	_ =	shalt  }
0x70: {  	_ =	shalt  }
0x71: {  	_ =	shalt  }
0x72: {  	_ =	shalt  }
0x73: {  	_ =	shalt  }
0x74: {  	_ =	shalt  }
0x75: {  	_ =	shalt  }
0x76: {  	_ =	shalt  }
0x77: {  	_ =	shalt  }
0x78: {  	_ =	shalt  }
0x79: {  	_ =	shalt  }
0x7a: {  	_ =	shalt  }
0x7b: {  	_ =	shalt  }
0x7c: {  	_ =	shalt  }
0x7d: {  	_ =	shalt  }
0x7e: {  	_ =	shalt  }
0x7f: {  	_ =	shalt  }
0x80: {  	_ =	shalt  }
0x81: {  	_ =	shalt  }
0x82: {  	_ =	shalt  }
0x83: {  	_ =	shalt  }
0x84: {  	_ =	shalt  }
0x85: {  	_ =	shalt  }
0x86: {  	_ =	shalt  }
0x87: {  	_ =	shalt  }
.Lfunc_end0:
.L_simem_size_0:
called_computation.1_lowered:
.L_overlay_start_0:
0x88: {  	s2 =	sld [smem:$0x3FD9]  }
0x89: {  	s3 =	sld [smem:$0x3FFE];
	_ =	sdelay $0x1  }
0x8a: {  	s1 =	srdreg.scid  }
0x8b: {  	s0 =	sand.u32 $0x1, s1  }
0x8c: {  	s16 =	sshll.u32 s0, $0xA;
	s2 =	sadd.s32 s3, s2  }
0x8d: {  	s2 =	sadd.s32 s2, s16  }
0x8e: {  	[smem:$0x3FC4] =	sst s2  }
0x8f: {  	_ = 	snop  }
0x90: {  	(tm) =	ssettm $0x1  }
0x91: {  	s17 =	sld [smem:$0x3FFB];
	_ =	sdelay $0x3  }
0x92: {  	_ =	strace s17  }
0x93: {  	s2 =	sld [smem:$0x3FFC];
	_ =	sdelay $0x3  }
0x94: {  	_ =	strace s2  }
0x95: {  	s2 =	sld [smem:$0x3FFD];
	_ =	sdelay $0x3  }
0x96: {  	_ =	strace s2  }
0x97: {  	_ =	strace $0x8FFFFFFF  }
0x98: {  	s18 =	sld [smem:$0x3FDB];
	_ =	sdelay $0x1  }
0x99: {  	s19 =	simm.s32 $_scs_section_size  }
0x9a: {  	s4 =	simm.s32 $_size__tile_overlayer_lowered;
	s5 =	simm.s32 $_tile_overlayer_lowered  }
0x9b: {  	s22 =	simm.s32 $0x1BFF;
	s21 =	sshll.u32 s5, $0x1;
	s2 =	sadd.s32 s19, s18  }
0x9c: {  	s6 =	simm.s32 $0x0;
	s20 =	sshll.u32 s4, $0x1;
	s4 =	sadd.s32 s21, s2  }
0x9d: {  	[timem:s6], [sflag:s22] =	dma.local [hbm:s4], s20  }
0x9e: {  	_ =	swait.ge [sflag:s22], s20  }
0x9f: {  	s3 =	ssub.s32 $0x0, s20;
	[sflag:s22] =	ssyncset.done $0x0  }
0xa0: {  	[sflag:s22] =	ssyncadd.s32 s3;
	_ =	sdelay $0x1  }
0xa1: {  	s23 =	simm.s32 $0x1B8B  }
0xa2: {  	_ =	swait.ge [sflag:s23], $0x1  }
0xa3: {  	[sflag:s23] =	ssyncset.done $0x0  }
0xa4: {  	s25 =	simm.s32 $0x1B8E;
	s24 =	sld [smem:$0x3FFE];
	[sflag:s23] =	ssyncadd.s32 $0xFFFFFFFF  }
0xa5: {  	s26 =	simm.s32 $execute0_lowered;
	[smem:$0x3FD2] =	sst s25  }
0xa6: {  	s4 =	sshll.u32 s26, $0x1;
	_ =	strace $0x80000046;
	[dreg:$0x1] =	wrdreg $0xFFFFFFFF  }
0xa7: {  	s28 =	simm.s32 $_size_execute0_lowered;
	s2 =	sadd.s32 s2, s4;
	[dreg:$0x0] =	wrdreg $0x0  }
0xa8: {  	s4 =	sshll.u32 s28, $0x1;
	[dreg:$0x2] =	wrdreg s2  }
0xa9: {  	[dreg:$0x3] =	wrdreg s4  }
0xaa: {  	[dreg:$0x4] =	wrdreg $0xC0  }
0xab: {  	_ =	task [dreg:s6], $0x5FFFF  }
0xac: {  	[dreg:$0x1] =	wrdreg $0xFFFFFFFF  }
0xad: {  	[dreg:$0x0] =	wrdreg $0x60  }
0xae: {  	[dreg:$0x2] =	wrdreg s24  }
0xaf: {  	[dreg:$0x3] =	wrdreg $0x0  }
0xb0: {  	[dreg:$0x4] =	wrdreg $0xA  }
0xb1: {  	_ =	task.clear_ibuf [dreg:s6], $0x5FFFF;
	_ =	strace $0x90000046  }
0xb2: {  	s29 =	simm.s32 $0xA;
	_ =	strace $0x80000048  }
0xb3: {  	_ =	swait.ge [sflag:s29], $0x1  }
0xb4: {  	[sflag:s29] =	ssyncadd.s32 $0xFFFFFFFF  }
0xb5: {  	_ =	strace $0x90000048  }
0xb6: {  	_ =	sfence  }
0xb7: {  	s30 =	sld [smem:$0x0];
	_ =	sdelay $0x2  }
0xb8: {  	s31 =	sshll.u32 s1, $0xD;
	s1 =	sshrl.u32 s1, $0x2  }
0xb9: {  	s3 =	sand.u32 $0x4000, s31;
	s1 =	sadd.s32 s1, s30  }
0xba: {  	s0 =	sor.u32 s3, s0;
	s1 =	sshll.u32 s1, $0x11  }
0xbb: {  	s0 =	sor.u32 s1, s0  }
0xbc: {  	s0 =	sadd.s32 $0x8F2B, s0  }
0xbd: {  	[sflag:s0] =	ssyncadd.remote.s32 $0x1  }
0xbe: {  	_ =	sfence.sel $0xFFFF  }
0xbf: {  	[dreg:$0x0] =	wrdreg $0xFFFFFFFF;
	(pc) =	sbr.abs _section_cstart, $3  }
0xc0: {  	[dreg:$0x1] =	wrdreg $0xFFFFFFFF  }
0xc1: {  	_ =	task.clear_ibuf [dreg:s6], $0x2FFFF;
	_ =	strace $0x9FFFFFFF  }
0xc2: {  	(tm) =	ssettm $0x7FFFFFFF  }
0xc3: {  	_ =	shalt  }
tec
execute0_lowered:
.L_overlay_start_1:
0x0: {  	(tag) =	ssettag $0x1  }
0x1: {  	s5 =	rddreg [dreg:$0x0]  }
0x2: {  	s2 =	rddreg [dreg:$0x1];
	s3 =	srdreg.scid  }
0x3: {  	s0 =	rddreg [dreg:$0x2];
	s1 =	stileid.u32;
	s14 =	simm.s32 $0x1  }
0x4: {  	s15 =	simm.s32 $0x0;
	s6 =	sand.u32 $0x1, s3;
	s7 =	smul.u32 $0x14000, s1  }
0x5: {  	s3 =	simm.s32 $0x0;
	s28 =	smul.u32 $0x50000, s1;
	s31 =	sshll.u32 s1, $0x6  }
0x6: {  	s4 =	sshll.u32 s6, $0x4;
	[smem:$0x7FF] =	sst s3;
	s9 =	smul.u32 $0x140000, s6  }
0x7: {  	s6 =	ssub.s32 $0x2, s6;
	s8 =	sor.u32 s1, s4;
	_ =	strace $0x80000047  }
0x8: {  	s4 =	sadd.s32 $0xB200, s5;
	s11 =	sshrl.u32 s7, $0x3;
	s29 =	sshrl.u32 s6, $0x1  }
0x9: {  	s30 =	sshrl.u32 s28, $0x2;
	s10 =	smul.u32 $0x4F0, s8;
	s7 =	sadd.s32 s7, s9  }
0xa: {  	s8 =	smul.u32 $0xFFFFFFB1, s8;
	s26 =	sadd.s32 s11, s5;
	s13 =	ssub.s32 s6, s29  }
0xb: {  	s11 =	sadd.s32 s30, s2;
	s7 =	sshrl.u32 s7, $0x3;
	s6 =	sadd.s32 $0xBA00, s26  }
0xc: {  	s11 =	sshrl.u32 s11, $0x3;
	s25 =	sadd.s32 s10, s5;
	p0 =	slt.s32 s8, $0xFFFFF68B  }
0xd: {  	s12 =	sadd.s32 s7, s5;
	s7 =	sor.u32 $0x1C01, s31;
	s10 =	smax.u32 s13, $0x1  }
0xe: {  	s13 =	simm.s32 $0x1A780;
	s8 =	simm.s32 @!p0 $0xFFFFF68B;
	s9 =	sadd.s32 $0x33A00, s12  }
0xf: {  	s12 =	simm.s32 $0x16780;
	s5 =	sadd.s32 $0x9C4, s8;
	s8 =	sadd.s32 $0x1400, s25  }
.LBB2_1:
0x10: {  	[spmem:s11], [sflag:s7] =	dma.local [hbm:s6], $0x2800  }
0x11: {  	_ =	swait.ge [sflag:s14], $0x2800  }
0x12: {  	[sflag:s14] =	ssyncset.done $0x0  }
0x13: {  	s16 =	simm.s32 $0x14000;
	[sflag:s14] =	ssyncadd.s32 $0xFFFFD800  }
0x14: {  	[tilespmem:s16], [sflag:$0x1] =	stream.linear.gather [hbm4b:s8+s3], $0x2780, $0x38;
	[tilespmem:$0x1E780] =	vst v63  }
0x15: {  	_ =	swait.ge [sflag:s14], $0x2780  }
0x16: {  	[sflag:s14] =	ssyncset.done $0x0  }
0x17: {  	[sflag:s14] =	ssyncadd.s32 $0xFFFFD880  }
0x18: {  	[tilespmem:s12], [sflag:$0x1] =	stream.linear.gather [hbm4b:s4+s3], $0x4000, $0x38;
	[tilespmem:$0x1E780] =	vst v63  }
0x19: {  	_ =	swait.ge [sflag:s14], $0x4000  }
0x1a: {  	[sflag:s14] =	ssyncset.done $0x0  }
0x1b: {  	[sflag:s14] =	ssyncadd.s32 $0xFFFFC000  }
0x1c: {  	[tilespmem:s13], [sflag:$0x1] =	stream.linear.gather [hbm4b:s4+s3], $0x4000, $0x38;
	[tilespmem:$0x1E780] =	vst v63  }
0x1d: {  	_ =	swait.ge [sflag:s14], $0x4000  }
0x1e: {  	p1 =	sle.u32 s5, $0x0;
	[sflag:s14] =	ssyncset.done $0x0  }
0x1f: {  	s17 =	simm.s32 @!p1 $0x80;
	[sflag:s14] =	ssyncadd.s32 $0xFFFFC000  }
0x20: {  	s18 =	simm.s32 @!p1 $0x16780;
	s19 =	simm.s32 @!p1 $0x2;
	[bflag:$0x0] =	sbarrier.arrive $0xFFFF  }
0x21: {  	[spmem:s2] =	stream.indirect.scatter.add.f32 @!p1 [tilespmem:s18], [sflag:$0x2], $0x80, s16, s17, $0xb8;
	[tilespmem:$0x1E780] =	vst v63  }
0x22: {  	p0 =	sle.u32 s5, $0x1;
	_ =	swait.ge @!p1 [sflag:s19], $0x4000  }
0x23: {  	s16 =	simm.s32 @!p0 $0x14080;
	[sflag:s19] =	ssyncset.done @!p1 $0x0  }
0x24: {  	s17 =	simm.s32 @!p0 $0x80;
	s18 =	simm.s32 @!p0 $0x1A780;
	[sflag:s19] =	ssyncadd.s32 @!p1 $0xFFFFC000  }
0x25: {  	[spmem:s2] =	stream.indirect.scatter.add.f32 @!p0 [tilespmem:s18], [sflag:$0x1], $0x80, s16, s17, $0xb8;
	[tilespmem:$0x1E780] =	vst v63  }
0x26: {  	s20 =	simm.s32 $0x2;
	s19 =	simm.s32 @!p0 $0x1;
	s16 =	simm.s32 $0x3  }
0x27: {  	s18 =	simm.s32 $0x5;
	s17 =	simm.s32 $0x14100;
	_ =	swait.ge @!p0 [sflag:s19], $0x4000  }
.LBB2_2:
0x28: {  	p1 =	sge.u32 s20, s5;
	[sflag:s19] =	ssyncset.done @!p0 $0x0  }
0x29: {  	s20 =	smov.u32 s16;
	s16 =	smov.u32 s18;
	s18 =	sadd.s32 $0x2, s18  }
0x2a: {  	s21 =	simm.s32 @!p1 $0x80;
	s22 =	simm.s32 @!p1 $0x16780;
	s23 =	simm.s32 @!p1 $0x2  }
0x2b: {  	p2 =	sne.s32 s18, $0x51;
	[sflag:s19] =	ssyncadd.s32 @!p0 $0xFFFFC000  }
0x2c: {  	[spmem:s2] =	stream.indirect.scatter.add.f32 @!p1 [tilespmem:s22], [sflag:$0x2], $0x80, s17, s21, $0xb8;
	[tilespmem:$0x1E780] =	vst v63  }
.Ltmp0:
0x2d: {  	p0 =	sge.u32 s20, s5;
	_ =	swait.ge @!p1 [sflag:s23], $0x4000;
	(pc) =	sbr.rel @p2 .LBB2_2-.Ltmp0, $4  }
0x2e: {  	s20 =	sadd.s32 @!p0 $0x80, s17;
	s21 =	simm.s32 @!p0 $0x80;
	[sflag:s23] =	ssyncset.done @!p1 $0x0  }
0x2f: {  	s22 =	simm.s32 @!p0 $0x1A780;
	s19 =	simm.s32 @!p0 $0x1;
	[sflag:s23] =	ssyncadd.s32 @!p1 $0xFFFFC000  }
0x30: {  	[spmem:s2] =	stream.indirect.scatter.add.f32 @!p0 [tilespmem:s22], [sflag:$0x1], $0x80, s20, s21, $0xb8;
	[tilespmem:$0x1E780] =	vst v63  }
0x31: {  	s17 =	sadd.s32 $0x100, s17;
	s20 =	sadd.s32 $0xFFFFFFFF, s16;
	_ =	swait.ge @!p0 [sflag:s19], $0x4000  }
0x32: {  	p1 =	sge.u32 s20, s5  }
0x33: {  	[sflag:s19] =	ssyncset.done @!p0 $0x0;
	s18 =	simm.s32 @!p1 $0x80  }
0x34: {  	s20 =	simm.s32 @!p1 $0x16780;
	s21 =	simm.s32 @!p1 $0x2;
	[sflag:s19] =	ssyncadd.s32 @!p0 $0xFFFFC000  }
0x35: {  	[spmem:s2] =	stream.indirect.scatter.add.f32 @!p1 [tilespmem:s20], [sflag:$0x2], $0x80, s17, s18, $0xb8;
	[tilespmem:$0x1E780] =	vst v63  }
0x36: {  	p0 =	sge.u32 s16, s5;
	_ =	swait.ge @!p1 [sflag:s21], $0x4000  }
0x37: {  	s16 =	sadd.s32 @!p0 $0x80, s17;
	s17 =	simm.s32 @!p0 $0x80;
	[sflag:s21] =	ssyncset.done @!p1 $0x0  }
0x38: {  	s18 =	simm.s32 @!p0 $0x1A780;
	s19 =	simm.s32 @!p0 $0x1;
	[sflag:s21] =	ssyncadd.s32 @!p1 $0xFFFFC000  }
0x39: {  	[spmem:s2] =	stream.indirect.scatter.add.f32 @!p0 [tilespmem:s18], [sflag:$0x1], $0x80, s16, s17, $0xb8;
	[tilespmem:$0x1E780] =	vst v63  }
0x3a: {  	_ =	swait.ge @!p0 [sflag:s19], $0x4000  }
0x3b: {  	s15 =	sadd.s32 $0x1, s15;
	[sflag:s19] =	ssyncset.done @!p0 $0x0  }
0x3c: {  	[sflag:s19] =	ssyncadd.s32 @!p0 $0xFFFFC000;
	p0 =	sne.s32 s15, s10  }
.Ltmp1:
0x3d: {  	[bflag:$0x0] =	sbarrier.arrive $0xFFFF;
	(pc) =	sbr.rel @p0 .LBB2_1-.Ltmp1, $4  }
0x3e: {  	[hbm:s9], [sflag:s7] =	dma.local [spmem:s11], $0x2800  }
0x3f: {  	_ =	swait.ge [sflag:s14], $0x2800  }
0x40: {  	[sflag:s14] =	ssyncset.done $0x0  }
0x41: {  	[sflag:s14] =	ssyncadd.s32 $0xFFFFD800  }
0x42: {  	_ =	sfence.sel $0x180000  }
0x43: {  	[bflag:$0x0] =	sbarrier.arrive $0xFFFF  }
0x44: {  	p0 =	sne.s32 s1, $0x0;
	_ =	strace $0x90000047  }
0x45: {  	s0 =	sadd.s32 @!p0 $0x100000, s0;
	[bflag:$0x2] =	sbarrier.arrive $0xFFFF  }
0x46: {  	[sflag:s0] =	ssyncadd.tile.s32 @!p0 $0x1;
	_ =	shalt  }
.Lfunc_end2:
_tile_overlayer_lowered:
.L_overlay_start_2:
0x47: {  	(tag) =	ssettag $0x2  }
0x48: {  	s0 =	rddreg [dreg:$0x0];
	s2 =	stileid.u32  }
0x49: {  	s1 =	rddreg [dreg:$0x1];
	p0 =	sne.s32 s2, $0x0  }
0x4a: {  	s3 =	rddreg [dreg:$0x2];
	[bflag:$0x3] =	sbarrier.arrive $0xFFFF;
	s2 =	simm.s32 @!p0 $0x1C01  }
0x4b: {  	[timem:s3], [sflag:s2] =	dma.local @!p0 [hbm:s0], s1  }
0x4c: {  	s0 =	simm.s32 @!p0 $0x1  }
0x4d: {  	_ =	swait.ge @!p0 [sflag:s0], s1  }
0x4e: {  	s1 =	ssub.s32 @!p0 $0x0, s1;
	[sflag:s0] =	ssyncset.done @!p0 $0x0  }
0x4f: {  	[sflag:s0] =	ssyncadd.s32 @!p0 s1  }
0x50: {  	[bflag:$0x3] =	sbarrier.arrive $0xFFFF  }
0x51: {  	_ =	shalt  }

</sc_bundles>
